<compile_context>
chip_gen: v7x
topology: tpu7x:2x2x1
jax: 0.10.2.dev20260603
libtpu: 0.0.44.dev20260713+nightly
codegen_flags: <defaults>
</compile_context>

<pallas_src>
import jax
import jax.numpy as jnp
from jax import lax
from jax.experimental import pallas as pl
from jax.experimental.pallas import tpu as pltpu
from jax.experimental.pallas import tpu_sc as plsc

NC = 2
NS = 16
CHUNK = 128
CH_ALIGN = 160
MB = 256


def _zero_accum_slice(rows0, accum, base_r, n_row_blk, nz, d):
  def zr(i, _):
    rows0[i // (d // 16), pl.ds((i % (d // 16)) * 16, 16)] = jnp.zeros(
        (16,), jnp.float32)
    return 0
  lax.fori_loop(0, nz, zr, 0)

  def zb(k, _):
    pltpu.sync_copy(rows0, accum.at[pl.ds(base_r + k * CHUNK, CHUNK)])
    return 0
  lax.fori_loop(0, n_row_blk, zb, 0)


def _writeback(rows0, accum, out_ref, base_r, n_row_blk):
  del rows0
  pltpu.sync_copy(accum.at[pl.ds(base_r, n_row_blk * CHUNK)],
                  out_ref.at[pl.ds(base_r, n_row_blk * CHUNK)])


def _sc_edge_scatter_cols(table2, src2d, dst2d, npad, dh, ch_sub, nslot):
  rows_per_sub = npad // NS
  n_row_blk = rows_per_sub // CHUNK
  nz = CHUNK * (dh // 16)
  assert ch_sub % nslot == 0
  ngrp = ch_sub // nslot

  def body(table_hbm, src_hbm, dst_hbm, out_hbm, idx_s, idx_d, *rest):
    rows = list(rest[:nslot])
    accum = rest[nslot]
    gsem = list(rest[nslot + 1:2 * nslot + 1])
    cid = lax.axis_index("c")
    sid = lax.axis_index("s")
    base_r = sid * rows_per_sub
    base_c = sid * ch_sub

    _zero_accum_slice(rows[0], accum, base_r, n_row_blk, nz, dh)

    pltpu.sync_copy(src_hbm.at[pl.ds(base_c, ch_sub)], idx_s)
    pltpu.sync_copy(dst_hbm.at[pl.ds(base_c, ch_sub)], idx_d)
    plsc.subcore_barrier()

    def fire_g(j, b):
      pltpu.async_copy(table_hbm.at[cid].at[idx_s.at[j]], rows[b], gsem[b])

    def wait_g(j, b):
      pltpu.make_async_copy(table_hbm.at[cid].at[idx_s.at[j]], rows[b],
                            gsem[b]).wait()

    for b in range(nslot):
      fire_g(b, b)

    def grp(g, _):
      j0 = g * nslot
      for b in range(nslot):
        wait_g(j0 + b, b)
        pltpu.sync_copy(rows[b], accum.at[idx_d.at[j0 + b]], add=True)
        jn = jnp.minimum(j0 + nslot + b, ch_sub - 1)
        fire_g(jn, b)
      return 0
    lax.fori_loop(0, ngrp, grp, 0)
    for b in range(nslot):
      wait_g(ch_sub - 1, b)
    plsc.subcore_barrier()

    _writeback(rows[0], accum, out_hbm.at[cid], base_r, n_row_blk)

  return pl.kernel(
      body,
      out_type=jax.ShapeDtypeStruct((NC, npad, dh), jnp.float32),
      mesh=plsc.VectorSubcoreMesh(core_axis_name="c", subcore_axis_name="s"),
      compiler_params=pltpu.CompilerParams(use_tc_tiling_on_sc=False),
      scratch_types=(
          [pltpu.VMEM((ch_sub, CHUNK), jnp.int32),
           pltpu.VMEM((ch_sub, CHUNK), jnp.int32)]
          + [pltpu.VMEM((CHUNK, dh), jnp.float32) for _ in range(nslot)]
          + [pltpu.VMEM_SHARED((npad, dh), jnp.float32)]
          + [pltpu.SemaphoreType.DMA for _ in range(nslot)]
      ),
  )(table2, src2d, dst2d)


def _sc_edge_scatter_cols_res(table2, src2d, dst2d, npad, dh, ch_sub, nslot):
  rows_per_sub = npad // NS
  n_row_blk = rows_per_sub // CHUNK
  nz = CHUNK * (dh // 16)
  half = ch_sub // 2
  assert half % nslot == 0
  ngrp = half // nslot

  def body(table_hbm, src_hbm, dst_hbm, out_hbm, idx_s, idx_d, *rest):
    rows = list(rest[:nslot])
    tbl = rest[nslot]
    accum = rest[nslot + 1]
    gsem = list(rest[nslot + 2:2 * nslot + 2])
    cid = lax.axis_index("c")
    sid = lax.axis_index("s")
    base_r = sid * rows_per_sub
    base_c = sid * ch_sub

    _zero_accum_slice(rows[0], accum, base_r, n_row_blk, nz, dh)

    pltpu.sync_copy(table_hbm.at[cid].at[pl.ds(base_r, rows_per_sub)],
                    tbl.at[pl.ds(base_r, rows_per_sub)])

    pltpu.sync_copy(src_hbm.at[pl.ds(base_c, ch_sub)], idx_s)
    plsc.subcore_barrier()

    def fire_g(j, b):
      pltpu.async_copy(tbl.at[idx_s.at[j]], rows[b], gsem[b])

    def wait_g(j, b):
      pltpu.make_async_copy(tbl.at[idx_s.at[j]], rows[b], gsem[b]).wait()

    for phase in range(2):
      pltpu.sync_copy(dst_hbm.at[pl.ds(base_c + phase * half, half)], idx_d)
      p0 = phase * half
      for b in range(nslot):
        fire_g(p0 + b, b)

      def grp(g, _):
        j0 = g * nslot
        for b in range(nslot):
          wait_g(p0 + j0 + b, b)
          pltpu.sync_copy(rows[b], accum.at[idx_d.at[j0 + b]], add=True)
          jn = jnp.minimum(j0 + nslot + b, half - 1)
          fire_g(p0 + jn, b)
        return 0
      lax.fori_loop(0, ngrp, grp, 0)
      for b in range(nslot):
        wait_g(p0 + half - 1, b)
    plsc.subcore_barrier()

    _writeback(rows[0], accum, out_hbm.at[cid], base_r, n_row_blk)

  return pl.kernel(
      body,
      out_type=jax.ShapeDtypeStruct((NC, npad, dh), jnp.float32),
      mesh=plsc.VectorSubcoreMesh(core_axis_name="c", subcore_axis_name="s"),
      compiler_params=pltpu.CompilerParams(use_tc_tiling_on_sc=False),
      scratch_types=(
          [pltpu.VMEM((ch_sub, CHUNK), jnp.int32),
           pltpu.VMEM((ch_sub // 2, CHUNK), jnp.int32)]
          + [pltpu.VMEM((CHUNK, dh), jnp.float32) for _ in range(nslot)]
          + [pltpu.VMEM_SHARED((npad, dh), jnp.float32)]
          + [pltpu.VMEM_SHARED((npad, dh), jnp.float32)]
          + [pltpu.SemaphoreType.DMA for _ in range(nslot)]
      ),
  )(table2, src2d, dst2d)


def _sc_edge_scatter_res(table, src2d, dst2d, npad, d, ch_sub, nslot):
  rows_per_sub = npad // NS
  n_row_blk = rows_per_sub // CHUNK
  nz = CHUNK * (d // 16)
  chw = ch_sub // NC
  assert chw % nslot == 0
  ngrp = chw // nslot

  def body(table_hbm, src_hbm, dst_hbm, out_hbm, idx_s, idx_d, *rest):
    rows = list(rest[:nslot])
    tbl = rest[nslot]
    accum = rest[nslot + 1]
    gsem = list(rest[nslot + 2:2 * nslot + 2])
    cid = lax.axis_index("c")
    sid = lax.axis_index("s")
    base_r = sid * rows_per_sub
    base_c = sid * ch_sub + cid * chw

    _zero_accum_slice(rows[0], accum, base_r, n_row_blk, nz, d)

    pltpu.sync_copy(table_hbm.at[pl.ds(base_r, rows_per_sub)],
                    tbl.at[pl.ds(base_r, rows_per_sub)])

    pltpu.sync_copy(src_hbm.at[pl.ds(base_c, chw)], idx_s)
    pltpu.sync_copy(dst_hbm.at[pl.ds(base_c, chw)], idx_d)
    plsc.subcore_barrier()

    def fire_g(j, b):
      pltpu.async_copy(tbl.at[idx_s.at[j]], rows[b], gsem[b])

    def wait_g(j, b):
      pltpu.make_async_copy(tbl.at[idx_s.at[j]], rows[b], gsem[b]).wait()

    for b in range(nslot):
      fire_g(b, b)

    def grp(g, _):
      j0 = g * nslot
      for b in range(nslot):
        wait_g(j0 + b, b)
        pltpu.sync_copy(rows[b], accum.at[idx_d.at[j0 + b]], add=True)
        jn = jnp.minimum(j0 + nslot + b, chw - 1)
        fire_g(jn, b)
      return 0
    lax.fori_loop(0, ngrp, grp, 0)
    for b in range(nslot):
      wait_g(chw - 1, b)
    plsc.subcore_barrier()

    _writeback(rows[0], accum, out_hbm.at[cid], base_r, n_row_blk)

  return pl.kernel(
      body,
      out_type=jax.ShapeDtypeStruct((NC, npad, d), jnp.float32),
      mesh=plsc.VectorSubcoreMesh(core_axis_name="c", subcore_axis_name="s"),
      compiler_params=pltpu.CompilerParams(use_tc_tiling_on_sc=False),
      scratch_types=(
          [pltpu.VMEM((chw, CHUNK), jnp.int32),
           pltpu.VMEM((chw, CHUNK), jnp.int32)]
          + [pltpu.VMEM((CHUNK, d), jnp.float32) for _ in range(nslot)]
          + [pltpu.VMEM_SHARED((npad, d), jnp.float32)]
          + [pltpu.VMEM_SHARED((npad, d), jnp.float32)]
          + [pltpu.SemaphoreType.DMA for _ in range(nslot)]
      ),
  )(table, src2d, dst2d)


def _sc_edge_scatter(table, src2d, dst2d, npad, d, ch_sub, nslot):
  rows_per_sub = npad // NS
  n_row_blk = rows_per_sub // CHUNK
  nz = CHUNK * (d // 16)
  chw = ch_sub // NC
  assert chw % nslot == 0
  ngrp = chw // nslot

  def body(table_hbm, src_hbm, dst_hbm, out_hbm, idx_s, idx_d, *rest):
    rows = list(rest[:nslot])
    accum = rest[nslot]
    gsem = list(rest[nslot + 1:2 * nslot + 1])
    cid = lax.axis_index("c")
    sid = lax.axis_index("s")
    base_r = sid * rows_per_sub
    base_c = sid * ch_sub + cid * chw

    _zero_accum_slice(rows[0], accum, base_r, n_row_blk, nz, d)

    pltpu.sync_copy(src_hbm.at[pl.ds(base_c, chw)], idx_s)
    pltpu.sync_copy(dst_hbm.at[pl.ds(base_c, chw)], idx_d)
    plsc.subcore_barrier()

    def fire_g(j, b):
      pltpu.async_copy(table_hbm.at[idx_s.at[j]], rows[b], gsem[b])

    def wait_g(j, b):
      pltpu.make_async_copy(table_hbm.at[idx_s.at[j]], rows[b],
                            gsem[b]).wait()

    for b in range(nslot):
      fire_g(b, b)

    def grp(g, _):
      j0 = g * nslot
      for b in range(nslot):
        wait_g(j0 + b, b)
        pltpu.sync_copy(rows[b], accum.at[idx_d.at[j0 + b]], add=True)
        jn = jnp.minimum(j0 + nslot + b, chw - 1)
        fire_g(jn, b)
      return 0
    lax.fori_loop(0, ngrp, grp, 0)
    for b in range(nslot):
      wait_g(chw - 1, b)
    plsc.subcore_barrier()

    _writeback(rows[0], accum, out_hbm.at[cid], base_r, n_row_blk)

  return pl.kernel(
      body,
      out_type=jax.ShapeDtypeStruct((NC, npad, d), jnp.float32),
      mesh=plsc.VectorSubcoreMesh(core_axis_name="c", subcore_axis_name="s"),
      compiler_params=pltpu.CompilerParams(use_tc_tiling_on_sc=False),
      scratch_types=(
          [pltpu.VMEM((chw, CHUNK), jnp.int32),
           pltpu.VMEM((chw, CHUNK), jnp.int32)]
          + [pltpu.VMEM((CHUNK, d), jnp.float32) for _ in range(nslot)]
          + [pltpu.VMEM_SHARED((npad, d), jnp.float32)]
          + [pltpu.SemaphoreType.DMA for _ in range(nslot)]
      ),
  )(table, src2d, dst2d)


def _sc_degree(dst2d, npad, ch_sub):
  d = 16
  rows_per_sub = npad // NS
  n_row_blk = rows_per_sub // CHUNK
  chw = ch_sub // NC

  def body(dst_hbm, out_hbm, idx_d, rows, accum):
    cid = lax.axis_index("c")
    sid = lax.axis_index("s")
    base_r = sid * rows_per_sub
    base_c = sid * ch_sub + cid * chw

    _zero_accum_slice(rows, accum, base_r, n_row_blk, CHUNK, d)

    def on(i, _):
      rows[i, pl.ds(0, 16)] = jnp.ones((16,), jnp.float32)
      return 0
    lax.fori_loop(0, CHUNK, on, 0)

    pltpu.sync_copy(dst_hbm.at[pl.ds(base_c, chw)], idx_d)
    plsc.subcore_barrier()

    def step(j, _):
      pltpu.sync_copy(rows, accum.at[idx_d.at[j]], add=True)
      return 0
    lax.fori_loop(0, chw, step, 0)
    plsc.subcore_barrier()

    _writeback(rows, accum, out_hbm.at[cid], base_r, n_row_blk)

  return pl.kernel(
      body,
      out_type=jax.ShapeDtypeStruct((NC, npad, d), jnp.float32),
      mesh=plsc.VectorSubcoreMesh(core_axis_name="c", subcore_axis_name="s"),
      compiler_params=pltpu.CompilerParams(use_tc_tiling_on_sc=False),
      scratch_types=[
          pltpu.VMEM((chw, CHUNK), jnp.int32),
          pltpu.VMEM((CHUNK, d), jnp.float32),
          pltpu.VMEM_SHARED((npad, d), jnp.float32),
      ],
  )(dst2d)


def _dinv_of(dp_ref):
  return lax.rsqrt(dp_ref[0, :, 0:1] + dp_ref[1, :, 0:1] + 1.0)


def _tc_layer1(deg_parts, x_pad, w1, npad, f, h):
  hh = h // 2

  def body(dp, xr, w1r, g1o):
    dinv = _dinv_of(dp)
    g1 = dinv * jnp.dot(xr[...], w1r[...], preferred_element_type=jnp.float32)
    g1o[0] = g1[:, :hh]
    g1o[1] = g1[:, hh:]
  return pl.pallas_call(
      body,
      grid=(npad // MB,),
      in_specs=[
          pl.BlockSpec((NC, MB, 16), lambda i: (0, i, 0)),
          pl.BlockSpec((MB, f), lambda i: (i, 0)),
          pl.BlockSpec((f, h), lambda i: (0, 0)),
      ],
      out_specs=pl.BlockSpec((NC, MB, hh), lambda i: (0, i, 0)),
      out_shape=jax.ShapeDtypeStruct((NC, npad, hh), jnp.float32),
  )(deg_parts, x_pad, w1)


def _tc_layer2(deg_parts, s1, g1, b1, w2, npad, h, c):
  hh = h // 2

  def body(dp, s1r, g1r, b1r, w2r, g2):
    dinv = _dinv_of(dp)
    m = jnp.concatenate([s1r[0] + g1r[0], s1r[1] + g1r[1]], axis=1)
    h1 = jnp.maximum(dinv * m + b1r[...], 0.0)
    g2[...] = dinv * jnp.dot(h1, w2r[...], preferred_element_type=jnp.float32)
  return pl.pallas_call(
      body,
      grid=(npad // MB,),
      in_specs=[
          pl.BlockSpec((NC, MB, 16), lambda i: (0, i, 0)),
          pl.BlockSpec((NC, MB, hh), lambda i: (0, i, 0)),
          pl.BlockSpec((NC, MB, hh), lambda i: (0, i, 0)),
          pl.BlockSpec((1, h), lambda i: (0, 0)),
          pl.BlockSpec((h, c), lambda i: (0, 0)),
      ],
      out_specs=pl.BlockSpec((MB, c), lambda i: (i, 0)),
      out_shape=jax.ShapeDtypeStruct((npad, c), jnp.float32),
  )(deg_parts, s1, g1, b1, w2)


def _tc_final(deg_parts, s2, g2, b2, npad, c):
  def body(dp, s2r, g2r, b2r, o):
    dinv = _dinv_of(dp)
    o[...] = dinv * (s2r[0] + s2r[1] + g2r[...]) + b2r[...]
  return pl.pallas_call(
      body,
      grid=(npad // MB,),
      in_specs=[
          pl.BlockSpec((NC, MB, 16), lambda i: (0, i, 0)),
          pl.BlockSpec((NC, MB, c), lambda i: (0, i, 0)),
          pl.BlockSpec((MB, c), lambda i: (i, 0)),
          pl.BlockSpec((1, c), lambda i: (0, 0)),
      ],
      out_specs=pl.BlockSpec((MB, c), lambda i: (i, 0)),
      out_shape=jax.ShapeDtypeStruct((npad, c), jnp.float32),
  )(deg_parts, s2, g2, b2)


def kernel(x, edge_index, W1, b1, W2, b2):
  n, f = x.shape
  h = W1.shape[1]
  c = W2.shape[1]
  e = edge_index.shape[1]

  npad = -(-(n + 1) // (NS * CHUNK)) * (NS * CHUNK)
  ch_min = -(-e // (NS * CHUNK))
  ch_sub = -(-ch_min // CH_ALIGN) * CH_ALIGN
  erows = ch_sub * NS
  epad = erows * CHUNK

  src = edge_index[0]
  dst = edge_index[1]
  pad_idx = jnp.full((epad - e,), n, dtype=jnp.int32)
  src2d = jnp.concatenate([src, pad_idx]).reshape(erows, CHUNK)
  dst2d = jnp.concatenate([dst, pad_idx]).reshape(erows, CHUNK)
  x_pad = jnp.pad(x, ((0, npad - n), (0, 0)))

  deg_parts = _sc_degree(dst2d, npad, ch_sub)
  g1 = _tc_layer1(deg_parts, x_pad, W1, npad, f, h)
  s1 = _sc_edge_scatter_cols_res(g1, src2d, dst2d, npad, h // 2, ch_sub, 2)
  g2 = _tc_layer2(deg_parts, s1, g1, b1.reshape(1, h), W2, npad, h, c)
  s2 = _sc_edge_scatter_res(g2, src2d, dst2d, npad, c, ch_sub, 16)
  out = _tc_final(deg_parts, s2, g2, b2.reshape(1, c), npad, c)
  return out[:n]

# --- scband reference (transcript-rebuilt; emitter-appended) ---
"""Pipeline reference for scband-karate-gcn-88424786690099 (READ-ONLY COPY).

The authoritative reference and input builder live on the scoring server;
editing this copy changes nothing except your own understanding.
"""

import jax, jax.numpy as jnp
import numpy as np

N_NODES = 10000
N_EDGES = 320000
IN_FEATURES = 128
HIDDEN_DIM = 128
NUM_CLASSES = 16


def setup_inputs(seed: int = 0) -> dict:
    key = jax.random.key(seed)
    k_x, k_ei, k_w1, k_b1, k_w2, k_b2 = jax.random.split(key, 6)
    x = jax.random.normal(k_x, (N_NODES, IN_FEATURES), dtype=jnp.float32)
    edge_index = jax.random.randint(k_ei, (2, N_EDGES), 0, N_NODES, dtype=jnp.int64 if jax.config.jax_enable_x64 else jnp.int32).astype(jnp.int32)
    # Glorot-style init for GCN linear weights
    s1 = jnp.sqrt(6.0 / (IN_FEATURES + HIDDEN_DIM))
    W1 = jax.random.uniform(k_w1, (IN_FEATURES, HIDDEN_DIM), minval=-s1, maxval=s1, dtype=jnp.float32)
    b1 = jnp.zeros((HIDDEN_DIM,), dtype=jnp.float32)
    s2 = jnp.sqrt(6.0 / (HIDDEN_DIM + NUM_CLASSES))
    W2 = jax.random.uniform(k_w2, (HIDDEN_DIM, NUM_CLASSES), minval=-s2, maxval=s2, dtype=jnp.float32)
    b2 = jnp.zeros((NUM_CLASSES,), dtype=jnp.float32)
    return {"x": x, "edge_index": edge_index, "W1": W1, "b1": b1, "W2": W2, "b2": b2}


def _gcn_conv(x, src, dst, W, b, num_nodes):
    # add self loops
    loop = jnp.arange(num_nodes, dtype=src.dtype)
    src_sl = jnp.concatenate([src, loop])
    dst_sl = jnp.concatenate([dst, loop])
    # symmetric normalization: deg^{-1/2}[src] * deg^{-1/2}[dst]
    deg = jnp.zeros((num_nodes,), dtype=x.dtype).at[dst_sl].add(1.0)
    deg_inv_sqrt = jnp.where(deg > 0, jax.lax.rsqrt(jnp.maximum(deg, 1e-12)), 0.0)
    norm = deg_inv_sqrt[src_sl] * deg_inv_sqrt[dst_sl]
    # linear transform then gather/scatter message passing
    h = x @ W
    msg = h[src_sl] * norm[:, None]
    out = jnp.zeros((num_nodes, W.shape[1]), dtype=x.dtype).at[dst_sl].add(msg)
    return out + b


def reference(x, edge_index, W1, b1, W2, b2):
    num_nodes = x.shape[0]
    src, dst = edge_index[0], edge_index[1]
    h = _gcn_conv(x, src, dst, W1, b1, num_nodes)
    h = jax.nn.relu(h)
    # dropout is identity in eval/deterministic mode
    out = _gcn_conv(h, src, dst, W2, b2, num_nodes)
    return out

if __name__ == "__main__":
    import jax
    _d = setup_inputs()
    print(jax.jit(kernel)(*tuple(_d.values())))

</pallas_src>

<mosaic_0001>
#map = affine_map<(d0, d1) -> (0, 0)>
#map1 = affine_map<(d0, d1) -> (0, 0, 0)>
module attributes {stable_mosaic.version = 14 : i64} {
  func.func @body(%arg0: i32, %arg1: i32, %arg2: memref<2560x128xi32, #tpu.memory_space<hbm>>, %arg3: memref<2x10240x16xf32, #tpu.memory_space<hbm>>, %arg4: memref<80x128xi32, #tpu.memory_space<vmem>>, %arg5: memref<128x16xf32, #tpu.memory_space<vmem>>, %arg6: memref<10240x16xf32, #tpu.memory_space<vmem_shared>>) attributes {dimension_semantics = [#tpu.dimension_semantics<core_parallel>, #tpu.dimension_semantics<subcore_parallel>], iteration_bounds = array<i64: 2, 16>, scalar_prefetch = 0 : i64, scratch_operands = 3 : i64, tpu.core_type = #tpu.core_type<sc_vector_subcore>, window_params = [{transform_indices = #map}, {transform_indices = #map1}]} {
    %mul3A = arith.constant 640 : i32
    %mul3A_0 = arith.muli %arg1, %mul3A : i32
    %mul3A_1 = arith.constant 160 : i32
    %mul3A_2 = arith.muli %arg1, %mul3A_1 : i32
    %mul3A_3 = arith.constant 80 : i32
    %mul3A_4 = arith.muli %arg0, %mul3A_3 : i32
    %add3A = arith.addi %mul3A_2, %mul3A_4 : i32
    %scan3A = arith.constant 0 : i32
    %scan3A_5 = arith.constant 0 : i32
    %scan3A_6 = arith.constant 128 : i32
    %scan3A_7 = arith.addi %scan3A_5, %scan3A_6 : i32
    %scan3A_8 = arith.constant 1 : i32
    %scan3A_9 = scf.for %scan3A_33 = %scan3A_5 to %scan3A_7 step %scan3A_8 iter_args(%scan3A_34 = %scan3A) -> (i32)  : i32 {
      %broadcast_in_dim3A = arith.constant 0.000000e+00 : f32
      %broadcast_in_dim3A_35 = vector.broadcast %broadcast_in_dim3A : f32 to vector<16xf32>
      %jit3A = arith.constant 1 : i32
      %div3A = arith.divsi %scan3A_33, %jit3A : i32
      %sign3A = arith.constant 0 : i32
      %sign3A_36 = arith.cmpi sgt, %scan3A_33, %sign3A : i32
      %sign3A_37 = arith.extui %sign3A_36 : i1 to i32
      %sign3A_38 = arith.constant 0 : i32
      %sign3A_39 = arith.cmpi slt, %scan3A_33, %sign3A_38 : i32
      %sign3A_40 = arith.extui %sign3A_39 : i1 to i32
      %sign3A_41 = arith.subi %sign3A_37, %sign3A_40 : i32
      %sign3A_42 = arith.constant 0 : i32
      %sign3A_43 = arith.cmpi sgt, %jit3A, %sign3A_42 : i32
      %sign3A_44 = arith.extui %sign3A_43 : i1 to i32
      %sign3A_45 = arith.constant 0 : i32
      %sign3A_46 = arith.cmpi slt, %jit3A, %sign3A_45 : i32
      %sign3A_47 = arith.extui %sign3A_46 : i1 to i32
      %sign3A_48 = arith.subi %sign3A_44, %sign3A_47 : i32
      %ne3A = arith.cmpi ne, %sign3A_41, %sign3A_48 : i32
      %rem3A = arith.remsi %scan3A_33, %jit3A : i32
      %ne3A_49 = arith.constant 0 : i32
      %ne3A_50 = arith.cmpi ne, %rem3A, %ne3A_49 : i32
      %and3A = arith.andi %ne3A, %ne3A_50 : i1
      %sub3A = arith.constant 1 : i32
      %sub3A_51 = arith.subi %div3A, %sub3A : i32
      %select_n3A = arith.select %and3A, %sub3A_51, %div3A : i32
      %jit3A_52 = arith.constant 1 : i32
      %eq3A = arith.constant 0 : i32
      %eq3A_53 = arith.cmpi eq, %jit3A_52, %eq3A : i32
      %jit3A_54 = arith.constant 1 : i32
      %select_n3A_55 = arith.select %eq3A_53, %jit3A_54, %jit3A_52 : i32
      %rem3A_56 = arith.remsi %scan3A_33, %select_n3A_55 : i32
      %ne3A_57 = arith.constant 0 : i32
      %ne3A_58 = arith.cmpi ne, %rem3A_56, %ne3A_57 : i32
      %lt3A = arith.constant 0 : i32
      %lt3A_59 = arith.cmpi slt, %rem3A_56, %lt3A : i32
      %lt3A_60 = arith.constant 0 : i32
      %lt3A_61 = arith.cmpi slt, %select_n3A_55, %lt3A_60 : i32
      %ne3A_62 = arith.xori %lt3A_59, %lt3A_61 : i1
      %and3A_63 = arith.andi %ne3A_62, %ne3A_58 : i1
      %add3A_64 = arith.addi %rem3A_56, %select_n3A_55 : i32
      %select_n3A_65 = arith.select %and3A_63, %add3A_64, %rem3A_56 : i32
      %mul3A_66 = arith.constant 16 : i32
      %mul3A_67 = arith.muli %select_n3A_65, %mul3A_66 : i32
      %swap3A = arith.index_cast %select_n3A : i32 to index
      %swap3A_68 = arith.index_cast %mul3A_67 : i32 to index
      %swap3A_69 = tpu.vector_load %arg5[%swap3A, %swap3A_68] {strides = array<i32>} : memref<128x16xf32, #tpu.memory_space<vmem>>, vector<1x16xf32>,
      %swap3A_70 = vector.shape_cast %swap3A_69 : vector<1x16xf32> to vector<16xf32>
      %swap3A_71 = vector.shape_cast %broadcast_in_dim3A_35 : vector<16xf32> to vector<1x16xf32>
      tpu.vector_store %arg5[%swap3A, %swap3A_68], %swap3A_71 {strides = array<i32>} : memref<128x16xf32, #tpu.memory_space<vmem>>, vector<1x16xf32>,
      %scan3A_72 = arith.constant 0 : i32
      scf.yield %scan3A_72 : i32
    }
    %scan3A_10 = arith.constant 128 : i32
    %scan3A_11 = arith.constant 0 : i32
    %scan3A_12 = arith.constant 0 : i32
    %scan3A_13 = arith.constant 5 : i32
    %scan3A_14 = arith.addi %scan3A_12, %scan3A_13 : i32
    %scan3A_15 = arith.constant 1 : i32
    %scan3A_16 = scf.for %scan3A_33 = %scan3A_12 to %scan3A_14 step %scan3A_15 iter_args(%scan3A_34 = %scan3A_11) -> (i32)  : i32 {
      %mul3A_35 = arith.constant 128 : i32
      %mul3A_36 = arith.muli %scan3A_33, %mul3A_35 : i32
      %add3A_37 = arith.addi %mul3A_0, %mul3A_36 : i32
      "tpu.region"() ({
        %run_scoped3A = tpu.sem_alloc : memref<!tpu.dma_semaphore, #tpu.memory_space<semaphore_mem>>
        %dma_start3A = arith.constant 0 : i32
        %dma_start3A_39 = tpu.memref_slice %arg6[%add3A_37, %dma_start3A] : memref<10240x16xf32, #tpu.memory_space<vmem_shared>> -> memref<128x16xf32, #tpu.memory_space<vmem_shared>>
        %dma_start3A_40 = arith.constant 0 : i32
        %dma_start3A_41 = tpu.memref_slice %arg6[%add3A_37, %dma_start3A_40] : memref<10240x16xf32, #tpu.memory_space<vmem_shared>> -> memref<128x16xf32, #tpu.memory_space<vmem_shared>>
        tpu.enqueue_dma source(%arg5 : memref<128x16xf32, #tpu.memory_space<vmem>>) target(%dma_start3A_41 : memref<128x16xf32, #tpu.memory_space<vmem_shared>>) target_semaphore(%run_scoped3A : memref<!tpu.dma_semaphore, #tpu.memory_space<semaphore_mem>>)
        %dma_wait3A = arith.constant 0 : i32
        %dma_wait3A_42 = tpu.memref_slice %arg6[%add3A_37, %dma_wait3A] : memref<10240x16xf32, #tpu.memory_space<vmem_shared>> -> memref<128x16xf32, #tpu.memory_space<vmem_shared>>
        %dma_wait3A_43 = arith.constant 0 : i32
        %dma_wait3A_44 = tpu.memref_slice %arg6[%add3A_37, %dma_wait3A_43] : memref<10240x16xf32, #tpu.memory_space<vmem_shared>> -> memref<128x16xf32, #tpu.memory_space<vmem_shared>>
        tpu.wait_dma2 semaphore(%run_scoped3A : memref<!tpu.dma_semaphore, #tpu.memory_space<semaphore_mem>>) src(%arg5 : memref<128x16xf32, #tpu.memory_space<vmem>>) dst(%dma_wait3A_44 : memref<128x16xf32, #tpu.memory_space<vmem_shared>>)
        tpu.yield
      }) : () -> ()
      %scan3A_38 = arith.constant 0 : i32
      scf.yield %scan3A_38 : i32
    }
    %scan3A_17 = arith.constant 5 : i32
    %scan3A_18 = arith.constant 0 : i32
    %scan3A_19 = arith.constant 0 : i32
    %scan3A_20 = arith.constant 128 : i32
    %scan3A_21 = arith.addi %scan3A_19, %scan3A_20 : i32
    %scan3A_22 = arith.constant 1 : i32
    %scan3A_23 = scf.for %scan3A_33 = %scan3A_19 to %scan3A_21 step %scan3A_22 iter_args(%scan3A_34 = %scan3A_18) -> (i32)  : i32 {
      %broadcast_in_dim3A = arith.constant 1.000000e+00 : f32
      %broadcast_in_dim3A_35 = vector.broadcast %broadcast_in_dim3A : f32 to vector<16xf32>
      %swap3A = arith.index_cast %scan3A_33 : i32 to index
      %swap3A_36 = arith.constant 0 : index
      %swap3A_37 = tpu.vector_load %arg5[%swap3A, %swap3A_36] {strides = array<i32>} : memref<128x16xf32, #tpu.memory_space<vmem>>, vector<1x16xf32>,
      %swap3A_38 = vector.shape_cast %swap3A_37 : vector<1x16xf32> to vector<16xf32>
      %swap3A_39 = vector.shape_cast %broadcast_in_dim3A_35 : vector<16xf32> to vector<1x16xf32>
      tpu.vector_store %arg5[%swap3A, %swap3A_36], %swap3A_39 {strides = array<i32>} : memref<128x16xf32, #tpu.memory_space<vmem>>, vector<1x16xf32>,
      %scan3A_40 = arith.constant 0 : i32
      scf.yield %scan3A_40 : i32
    }
    %scan3A_24 = arith.constant 128 : i32
    "tpu.region"() ({
      %run_scoped3A = tpu.sem_alloc : memref<!tpu.dma_semaphore, #tpu.memory_space<semaphore_mem>>
      %dma_start3A = arith.constant 0 : i32
      %dma_start3A_33 = tpu.memref_slice %arg2[%add3A, %dma_start3A] : memref<2560x128xi32, #tpu.memory_space<hbm>> -> memref<80x128xi32, #tpu.memory_space<hbm>>
      %dma_start3A_34 = arith.constant 0 : i32
      %dma_start3A_35 = tpu.memref_slice %arg2[%add3A, %dma_start3A_34] : memref<2560x128xi32, #tpu.memory_space<hbm>> -> memref<80x128xi32, #tpu.memory_space<hbm>>
      tpu.enqueue_dma source(%dma_start3A_35 : memref<80x128xi32, #tpu.memory_space<hbm>>) target(%arg4 : memref<80x128xi32, #tpu.memory_space<vmem>>) target_semaphore(%run_scoped3A : memref<!tpu.dma_semaphore, #tpu.memory_space<semaphore_mem>>)
      %dma_wait3A = arith.constant 0 : i32
      %dma_wait3A_36 = tpu.memref_slice %arg2[%add3A, %dma_wait3A] : memref<2560x128xi32, #tpu.memory_space<hbm>> -> memref<80x128xi32, #tpu.memory_space<hbm>>
      %dma_wait3A_37 = arith.constant 0 : i32
      %dma_wait3A_38 = tpu.memref_slice %arg2[%add3A, %dma_wait3A_37] : memref<2560x128xi32, #tpu.memory_space<hbm>> -> memref<80x128xi32, #tpu.memory_space<hbm>>
      tpu.wait_dma2 semaphore(%run_scoped3A : memref<!tpu.dma_semaphore, #tpu.memory_space<semaphore_mem>>) src(%dma_wait3A_38 : memref<80x128xi32, #tpu.memory_space<hbm>>) dst(%arg4 : memref<80x128xi32, #tpu.memory_space<vmem>>)
      tpu.yield
    }) : () -> ()
    %barrier3A = arith.constant 0 : index
    tpu.barrier barrier_id(%barrier3A)
    %scan3A_25 = arith.constant 0 : i32
    %scan3A_26 = arith.constant 0 : i32
    %scan3A_27 = arith.constant 80 : i32
    %scan3A_28 = arith.addi %scan3A_26, %scan3A_27 : i32
    %scan3A_29 = arith.constant 1 : i32
    %scan3A_30 = scf.for %scan3A_33 = %scan3A_26 to %scan3A_28 step %scan3A_29 iter_args(%scan3A_34 = %scan3A_25) -> (i32)  : i32 {
      "tpu.region"() ({
        %run_scoped3A = tpu.sem_alloc : memref<!tpu.dma_semaphore, #tpu.memory_space<semaphore_mem>>
        %dma_start3A = arith.constant 0 : i32
        %dma_start3A_36 = tpu.memref_slice %arg4[%scan3A_33, %dma_start3A] : memref<80x128xi32, #tpu.memory_space<vmem>> -> memref<1x128xi32, #tpu.memory_space<vmem>>
        %dma_start3A_37 = tpu.memref_squeeze %dma_start3A_36 : memref<1x128xi32, #tpu.memory_space<vmem>> -> memref<128xi32, #tpu.memory_space<vmem>>
        %dma_start3A_38 = arith.constant 0 : i32
        %dma_start3A_39 = arith.constant 0 : i32
        %dma_start3A_40 = tpu.memref_slice %arg6[%dma_start3A_38, %dma_start3A_39] : memref<10240x16xf32, #tpu.memory_space<vmem_shared>> -> memref<10240x16xf32, #tpu.memory_space<vmem_shared>>
        tpu.enqueue_indirect_dma source(%arg5 : memref<128x16xf32, #tpu.memory_space<vmem>>) target(%dma_start3A_40 : memref<10240x16xf32, #tpu.memory_space<vmem_shared>>) offsets(%dma_start3A_37 : memref<128xi32, #tpu.memory_space<vmem>>) semaphore(%run_scoped3A : memref<!tpu.dma_semaphore, #tpu.memory_space<semaphore_mem>>) {add = true}
        %dma_wait3A = arith.constant 0 : i32
        %dma_wait3A_41 = tpu.memref_slice %arg4[%scan3A_33, %dma_wait3A] : memref<80x128xi32, #tpu.memory_space<vmem>> -> memref<1x128xi32, #tpu.memory_space<vmem>>
        %dma_wait3A_42 = tpu.memref_squeeze %dma_wait3A_41 : memref<1x128xi32, #tpu.memory_space<vmem>> -> memref<128xi32, #tpu.memory_space<vmem>>
        %dma_wait3A_43 = arith.constant 0 : i32
        %dma_wait3A_44 = arith.constant 0 : i32
        %dma_wait3A_45 = tpu.memref_slice %arg6[%dma_wait3A_43, %dma_wait3A_44] : memref<10240x16xf32, #tpu.memory_space<vmem_shared>> -> memref<10240x16xf32, #tpu.memory_space<vmem_shared>>
        tpu.wait_indirect_dma semaphore(%run_scoped3A : memref<!tpu.dma_semaphore, #tpu.memory_space<semaphore_mem>>) src(%arg5 : memref<128x16xf32, #tpu.memory_space<vmem>>) dst(%dma_wait3A_45 : memref<10240x16xf32, #tpu.memory_space<vmem_shared>>)
        tpu.yield
      }) : () -> ()
      %scan3A_35 = arith.constant 0 : i32
      scf.yield %scan3A_35 : i32
    }
    %scan3A_31 = arith.constant 80 : i32
    %barrier3A_32 = arith.constant 0 : index
    tpu.barrier barrier_id(%barrier3A_32)
    "tpu.region"() ({
      %run_scoped3A = tpu.sem_alloc : memref<!tpu.dma_semaphore, #tpu.memory_space<semaphore_mem>>
      %dma_start3A = arith.constant 0 : i32
      %dma_start3A_33 = arith.constant 0 : i32
      %dma_start3A_34 = tpu.memref_slice %arg3[%arg0, %dma_start3A, %dma_start3A_33] : memref<2x10240x16xf32, #tpu.memory_space<hbm>> -> memref<1x10240x16xf32, #tpu.memory_space<hbm>>
      %dma_start3A_35 = tpu.memref_squeeze %dma_start3A_34 : memref<1x10240x16xf32, #tpu.memory_space<hbm>> -> memref<10240x16xf32, #tpu.memory_space<hbm>>
      %dma_start3A_36 = arith.constant 0 : i32
      %dma_start3A_37 = tpu.memref_slice %dma_start3A_35[%mul3A_0, %dma_start3A_36] : memref<10240x16xf32, #tpu.memory_space<hbm>> -> memref<640x16xf32, #tpu.memory_space<hbm>>
      %dma_start3A_38 = arith.constant 0 : i32
      %dma_start3A_39 = tpu.memref_slice %arg6[%mul3A_0, %dma_start3A_38] : memref<10240x16xf32, #tpu.memory_space<vmem_shared>> -> memref<640x16xf32, #tpu.memory_space<vmem_shared>>
      tpu.enqueue_dma source(%dma_start3A_39 : memref<640x16xf32, #tpu.memory_space<vmem_shared>>) target(%dma_start3A_37 : memref<640x16xf32, #tpu.memory_space<hbm>>) target_semaphore(%run_scoped3A : memref<!tpu.dma_semaphore, #tpu.memory_space<semaphore_mem>>)
      %dma_wait3A = arith.constant 0 : i32
      %dma_wait3A_40 = arith.constant 0 : i32
      %dma_wait3A_41 = tpu.memref_slice %arg3[%arg0, %dma_wait3A, %dma_wait3A_40] : memref<2x10240x16xf32, #tpu.memory_space<hbm>> -> memref<1x10240x16xf32, #tpu.memory_space<hbm>>
      %dma_wait3A_42 = tpu.memref_squeeze %dma_wait3A_41 : memref<1x10240x16xf32, #tpu.memory_space<hbm>> -> memref<10240x16xf32, #tpu.memory_space<hbm>>
      %dma_wait3A_43 = arith.constant 0 : i32
      %dma_wait3A_44 = tpu.memref_slice %dma_wait3A_42[%mul3A_0, %dma_wait3A_43] : memref<10240x16xf32, #tpu.memory_space<hbm>> -> memref<640x16xf32, #tpu.memory_space<hbm>>
      %dma_wait3A_45 = arith.constant 0 : i32
      %dma_wait3A_46 = tpu.memref_slice %arg6[%mul3A_0, %dma_wait3A_45] : memref<10240x16xf32, #tpu.memory_space<vmem_shared>> -> memref<640x16xf32, #tpu.memory_space<vmem_shared>>
      tpu.wait_dma2 semaphore(%run_scoped3A : memref<!tpu.dma_semaphore, #tpu.memory_space<semaphore_mem>>) src(%dma_wait3A_46 : memref<640x16xf32, #tpu.memory_space<vmem_shared>>) dst(%dma_wait3A_44 : memref<640x16xf32, #tpu.memory_space<hbm>>)
      tpu.yield
    }) : () -> ()
    return
  }
}

#map = affine_map<(d0, d1) -> (0, 0, 0)>
#map1 = affine_map<(d0, d1) -> (0, 0)>
module attributes {stable_mosaic.version = 14 : i64} {
  func.func @body(%arg0: i32, %arg1: i32, %arg2: memref<2x10240x64xf32, #tpu.memory_space<hbm>>, %arg3: memref<2560x128xi32, #tpu.memory_space<hbm>>, %arg4: memref<2560x128xi32, #tpu.memory_space<hbm>>, %arg5: memref<2x10240x64xf32, #tpu.memory_space<hbm>>, %arg6: memref<160x128xi32, #tpu.memory_space<vmem>>, %arg7: memref<80x128xi32, #tpu.memory_space<vmem>>, %arg8: memref<128x64xf32, #tpu.memory_space<vmem>>, %arg9: memref<128x64xf32, #tpu.memory_space<vmem>>, %arg10: memref<10240x64xf32, #tpu.memory_space<vmem_shared>>, %arg11: memref<10240x64xf32, #tpu.memory_space<vmem_shared>>, %arg12: memref<!tpu.dma_semaphore, #tpu.memory_space<semaphore_mem>>, %arg13: memref<!tpu.dma_semaphore, #tpu.memory_space<semaphore_mem>>) attributes {dimension_semantics = [#tpu.dimension_semantics<core_parallel>, #tpu.dimension_semantics<subcore_parallel>], iteration_bounds = array<i64: 2, 16>, scalar_prefetch = 0 : i64, scratch_operands = 8 : i64, tpu.core_type = #tpu.core_type<sc_vector_subcore>, window_params = [{transform_indices = #map}, {transform_indices = #map1}, {transform_indices = #map1}, {transform_indices = #map}]} {
    %mul3A = arith.constant 640 : i32
    %mul3A_0 = arith.muli %arg1, %mul3A : i32
    %mul3A_1 = arith.constant 160 : i32
    %mul3A_2 = arith.muli %arg1, %mul3A_1 : i32
    %scan3A = arith.constant 0 : i32
    %scan3A_3 = arith.constant 0 : i32
    %scan3A_4 = arith.constant 512 : i32
    %scan3A_5 = arith.addi %scan3A_3, %scan3A_4 : i32
    %scan3A_6 = arith.constant 1 : i32
    %scan3A_7 = scf.for %scan3A_88 = %scan3A_3 to %scan3A_5 step %scan3A_6 iter_args(%scan3A_89 = %scan3A) -> (i32)  : i32 {
      %broadcast_in_dim3A = arith.constant 0.000000e+00 : f32
      %broadcast_in_dim3A_90 = vector.broadcast %broadcast_in_dim3A : f32 to vector<16xf32>
      %jit3A = arith.constant 4 : i32
      %div3A = arith.divsi %scan3A_88, %jit3A : i32
      %sign3A = arith.constant 0 : i32
      %sign3A_91 = arith.cmpi sgt, %scan3A_88, %sign3A : i32
      %sign3A_92 = arith.extui %sign3A_91 : i1 to i32
      %sign3A_93 = arith.constant 0 : i32
      %sign3A_94 = arith.cmpi slt, %scan3A_88, %sign3A_93 : i32
      %sign3A_95 = arith.extui %sign3A_94 : i1 to i32
      %sign3A_96 = arith.subi %sign3A_92, %sign3A_95 : i32
      %sign3A_97 = arith.constant 0 : i32
      %sign3A_98 = arith.cmpi sgt, %jit3A, %sign3A_97 : i32
      %sign3A_99 = arith.extui %sign3A_98 : i1 to i32
      %sign3A_100 = arith.constant 0 : i32
      %sign3A_101 = arith.cmpi slt, %jit3A, %sign3A_100 : i32
      %sign3A_102 = arith.extui %sign3A_101 : i1 to i32
      %sign3A_103 = arith.subi %sign3A_99, %sign3A_102 : i32
      %ne3A = arith.cmpi ne, %sign3A_96, %sign3A_103 : i32
      %rem3A = arith.remsi %scan3A_88, %jit3A : i32
      %ne3A_104 = arith.constant 0 : i32
      %ne3A_105 = arith.cmpi ne, %rem3A, %ne3A_104 : i32
      %and3A = arith.andi %ne3A, %ne3A_105 : i1
      %sub3A = arith.constant 1 : i32
      %sub3A_106 = arith.subi %div3A, %sub3A : i32
      %select_n3A = arith.select %and3A, %sub3A_106, %div3A : i32
      %jit3A_107 = arith.constant 4 : i32
      %eq3A = arith.constant 0 : i32
      %eq3A_108 = arith.cmpi eq, %jit3A_107, %eq3A : i32
      %jit3A_109 = arith.constant 1 : i32
      %select_n3A_110 = arith.select %eq3A_108, %jit3A_109, %jit3A_107 : i32
      %rem3A_111 = arith.remsi %scan3A_88, %select_n3A_110 : i32
      %ne3A_112 = arith.constant 0 : i32
      %ne3A_113 = arith.cmpi ne, %rem3A_111, %ne3A_112 : i32
      %lt3A = arith.constant 0 : i32
      %lt3A_114 = arith.cmpi slt, %rem3A_111, %lt3A : i32
      %lt3A_115 = arith.constant 0 : i32
      %lt3A_116 = arith.cmpi slt, %select_n3A_110, %lt3A_115 : i32
      %ne3A_117 = arith.xori %lt3A_114, %lt3A_116 : i1
      %and3A_118 = arith.andi %ne3A_117, %ne3A_113 : i1
      %add3A_119 = arith.addi %rem3A_111, %select_n3A_110 : i32
      %select_n3A_120 = arith.select %and3A_118, %add3A_119, %rem3A_111 : i32
      %mul3A_121 = arith.constant 16 : i32
      %mul3A_122 = arith.muli %select_n3A_120, %mul3A_121 : i32
      %swap3A = arith.index_cast %select_n3A : i32 to index
      %swap3A_123 = arith.index_cast %mul3A_122 : i32 to index
      %swap3A_124 = tpu.vector_load %arg8[%swap3A, %swap3A_123] {strides = array<i32>} : memref<128x64xf32, #tpu.memory_space<vmem>>, vector<1x16xf32>,
      %swap3A_125 = vector.shape_cast %swap3A_124 : vector<1x16xf32> to vector<16xf32>
      %swap3A_126 = vector.shape_cast %broadcast_in_dim3A_90 : vector<16xf32> to vector<1x16xf32>
      tpu.vector_store %arg8[%swap3A, %swap3A_123], %swap3A_126 {strides = array<i32>} : memref<128x64xf32, #tpu.memory_space<vmem>>, vector<1x16xf32>,
      %scan3A_127 = arith.constant 0 : i32
      scf.yield %scan3A_127 : i32
    }
    %scan3A_8 = arith.constant 512 : i32
    %scan3A_9 = arith.constant 0 : i32
    %scan3A_10 = arith.constant 0 : i32
    %scan3A_11 = arith.constant 5 : i32
    %scan3A_12 = arith.addi %scan3A_10, %scan3A_11 : i32
    %scan3A_13 = arith.constant 1 : i32
    %scan3A_14 = scf.for %scan3A_88 = %scan3A_10 to %scan3A_12 step %scan3A_13 iter_args(%scan3A_89 = %scan3A_9) -> (i32)  : i32 {
      %mul3A_90 = arith.constant 128 : i32
      %mul3A_91 = arith.muli %scan3A_88, %mul3A_90 : i32
      %add3A_92 = arith.addi %mul3A_0, %mul3A_91 : i32
      "tpu.region"() ({
        %run_scoped3A = tpu.sem_alloc : memref<!tpu.dma_semaphore, #tpu.memory_space<semaphore_mem>>
        %dma_start3A_94 = arith.constant 0 : i32
        %dma_start3A_95 = tpu.memref_slice %arg11[%add3A_92, %dma_start3A_94] : memref<10240x64xf32, #tpu.memory_space<vmem_shared>> -> memref<128x64xf32, #tpu.memory_space<vmem_shared>>
        %dma_start3A_96 = arith.constant 0 : i32
        %dma_start3A_97 = tpu.memref_slice %arg11[%add3A_92, %dma_start3A_96] : memref<10240x64xf32, #tpu.memory_space<vmem_shared>> -> memref<128x64xf32, #tpu.memory_space<vmem_shared>>
        tpu.enqueue_dma source(%arg8 : memref<128x64xf32, #tpu.memory_space<vmem>>) target(%dma_start3A_97 : memref<128x64xf32, #tpu.memory_space<vmem_shared>>) target_semaphore(%run_scoped3A : memref<!tpu.dma_semaphore, #tpu.memory_space<semaphore_mem>>)
        %dma_wait3A_98 = arith.constant 0 : i32
        %dma_wait3A_99 = tpu.memref_slice %arg11[%add3A_92, %dma_wait3A_98] : memref<10240x64xf32, #tpu.memory_space<vmem_shared>> -> memref<128x64xf32, #tpu.memory_space<vmem_shared>>
        %dma_wait3A_100 = arith.constant 0 : i32
        %dma_wait3A_101 = tpu.memref_slice %arg11[%add3A_92, %dma_wait3A_100] : memref<10240x64xf32, #tpu.memory_space<vmem_shared>> -> memref<128x64xf32, #tpu.memory_space<vmem_shared>>
        tpu.wait_dma2 semaphore(%run_scoped3A : memref<!tpu.dma_semaphore, #tpu.memory_space<semaphore_mem>>) src(%arg8 : memref<128x64xf32, #tpu.memory_space<vmem>>) dst(%dma_wait3A_101 : memref<128x64xf32, #tpu.memory_space<vmem_shared>>)
        tpu.yield
      }) : () -> ()
      %scan3A_93 = arith.constant 0 : i32
      scf.yield %scan3A_93 : i32
    }
    %scan3A_15 = arith.constant 5 : i32
    "tpu.region"() ({
      %run_scoped3A = tpu.sem_alloc : memref<!tpu.dma_semaphore, #tpu.memory_space<semaphore_mem>>
      %dma_start3A_88 = arith.constant 0 : i32
      %dma_start3A_89 = tpu.memref_slice %arg10[%mul3A_0, %dma_start3A_88] : memref<10240x64xf32, #tpu.memory_space<vmem_shared>> -> memref<640x64xf32, #tpu.memory_space<vmem_shared>>
      %dma_start3A_90 = arith.constant 0 : i32
      %dma_start3A_91 = arith.constant 0 : i32
      %dma_start3A_92 = tpu.memref_slice %arg2[%arg0, %dma_start3A_90, %dma_start3A_91] : memref<2x10240x64xf32, #tpu.memory_space<hbm>> -> memref<1x10240x64xf32, #tpu.memory_space<hbm>>
      %dma_start3A_93 = tpu.memref_squeeze %dma_start3A_92 : memref<1x10240x64xf32, #tpu.memory_space<hbm>> -> memref<10240x64xf32, #tpu.memory_space<hbm>>
      %dma_start3A_94 = arith.constant 0 : i32
      %dma_start3A_95 = tpu.memref_slice %dma_start3A_93[%mul3A_0, %dma_start3A_94] : memref<10240x64xf32, #tpu.memory_space<hbm>> -> memref<640x64xf32, #tpu.memory_space<hbm>>
      tpu.enqueue_dma source(%dma_start3A_95 : memref<640x64xf32, #tpu.memory_space<hbm>>) target(%dma_start3A_89 : memref<640x64xf32, #tpu.memory_space<vmem_shared>>) target_semaphore(%run_scoped3A : memref<!tpu.dma_semaphore, #tpu.memory_space<semaphore_mem>>)
      %dma_wait3A_96 = arith.constant 0 : i32
      %dma_wait3A_97 = tpu.memref_slice %arg10[%mul3A_0, %dma_wait3A_96] : memref<10240x64xf32, #tpu.memory_space<vmem_shared>> -> memref<640x64xf32, #tpu.memory_space<vmem_shared>>
      %dma_wait3A_98 = arith.constant 0 : i32
      %dma_wait3A_99 = arith.constant 0 : i32
      %dma_wait3A_100 = tpu.memref_slice %arg2[%arg0, %dma_wait3A_98, %dma_wait3A_99] : memref<2x10240x64xf32, #tpu.memory_space<hbm>> -> memref<1x10240x64xf32, #tpu.memory_space<hbm>>
      %dma_wait3A_101 = tpu.memref_squeeze %dma_wait3A_100 : memref<1x10240x64xf32, #tpu.memory_space<hbm>> -> memref<10240x64xf32, #tpu.memory_space<hbm>>
      %dma_wait3A_102 = arith.constant 0 : i32
      %dma_wait3A_103 = tpu.memref_slice %dma_wait3A_101[%mul3A_0, %dma_wait3A_102] : memref<10240x64xf32, #tpu.memory_space<hbm>> -> memref<640x64xf32, #tpu.memory_space<hbm>>
      tpu.wait_dma2 semaphore(%run_scoped3A : memref<!tpu.dma_semaphore, #tpu.memory_space<semaphore_mem>>) src(%dma_wait3A_103 : memref<640x64xf32, #tpu.memory_space<hbm>>) dst(%dma_wait3A_97 : memref<640x64xf32, #tpu.memory_space<vmem_shared>>)
      tpu.yield
    }) : () -> ()
    "tpu.region"() ({
      %run_scoped3A = tpu.sem_alloc : memref<!tpu.dma_semaphore, #tpu.memory_space<semaphore_mem>>
      %dma_start3A_88 = arith.constant 0 : i32
      %dma_start3A_89 = tpu.memref_slice %arg3[%mul3A_2, %dma_start3A_88] : memref<2560x128xi32, #tpu.memory_space<hbm>> -> memref<160x128xi32, #tpu.memory_space<hbm>>
      %dma_start3A_90 = arith.constant 0 : i32
      %dma_start3A_91 = tpu.memref_slice %arg3[%mul3A_2, %dma_start3A_90] : memref<2560x128xi32, #tpu.memory_space<hbm>> -> memref<160x128xi32, #tpu.memory_space<hbm>>
      tpu.enqueue_dma source(%dma_start3A_91 : memref<160x128xi32, #tpu.memory_space<hbm>>) target(%arg6 : memref<160x128xi32, #tpu.memory_space<vmem>>) target_semaphore(%run_scoped3A : memref<!tpu.dma_semaphore, #tpu.memory_space<semaphore_mem>>)
      %dma_wait3A_92 = arith.constant 0 : i32
      %dma_wait3A_93 = tpu.memref_slice %arg3[%mul3A_2, %dma_wait3A_92] : memref<2560x128xi32, #tpu.memory_space<hbm>> -> memref<160x128xi32, #tpu.memory_space<hbm>>
      %dma_wait3A_94 = arith.constant 0 : i32
      %dma_wait3A_95 = tpu.memref_slice %arg3[%mul3A_2, %dma_wait3A_94] : memref<2560x128xi32, #tpu.memory_space<hbm>> -> memref<160x128xi32, #tpu.memory_space<hbm>>
      tpu.wait_dma2 semaphore(%run_scoped3A : memref<!tpu.dma_semaphore, #tpu.memory_space<semaphore_mem>>) src(%dma_wait3A_95 : memref<160x128xi32, #tpu.memory_space<hbm>>) dst(%arg6 : memref<160x128xi32, #tpu.memory_space<vmem>>)
      tpu.yield
    }) : () -> ()
    %barrier3A = arith.constant 0 : index
    tpu.barrier barrier_id(%barrier3A)
    %add3A = arith.constant 0 : i32
    %add3A_16 = arith.addi %mul3A_2, %add3A : i32
    "tpu.region"() ({
      %run_scoped3A = tpu.sem_alloc : memref<!tpu.dma_semaphore, #tpu.memory_space<semaphore_mem>>
      %dma_start3A_88 = arith.constant 0 : i32
      %dma_start3A_89 = tpu.memref_slice %arg4[%add3A_16, %dma_start3A_88] : memref<2560x128xi32, #tpu.memory_space<hbm>> -> memref<80x128xi32, #tpu.memory_space<hbm>>
      %dma_start3A_90 = arith.constant 0 : i32
      %dma_start3A_91 = tpu.memref_slice %arg4[%add3A_16, %dma_start3A_90] : memref<2560x128xi32, #tpu.memory_space<hbm>> -> memref<80x128xi32, #tpu.memory_space<hbm>>
      tpu.enqueue_dma source(%dma_start3A_91 : memref<80x128xi32, #tpu.memory_space<hbm>>) target(%arg7 : memref<80x128xi32, #tpu.memory_space<vmem>>) target_semaphore(%run_scoped3A : memref<!tpu.dma_semaphore, #tpu.memory_space<semaphore_mem>>)
      %dma_wait3A_92 = arith.constant 0 : i32
      %dma_wait3A_93 = tpu.memref_slice %arg4[%add3A_16, %dma_wait3A_92] : memref<2560x128xi32, #tpu.memory_space<hbm>> -> memref<80x128xi32, #tpu.memory_space<hbm>>
      %dma_wait3A_94 = arith.constant 0 : i32
      %dma_wait3A_95 = tpu.memref_slice %arg4[%add3A_16, %dma_wait3A_94] : memref<2560x128xi32, #tpu.memory_space<hbm>> -> memref<80x128xi32, #tpu.memory_space<hbm>>
      tpu.wait_dma2 semaphore(%run_scoped3A : memref<!tpu.dma_semaphore, #tpu.memory_space<semaphore_mem>>) src(%dma_wait3A_95 : memref<80x128xi32, #tpu.memory_space<hbm>>) dst(%arg7 : memref<80x128xi32, #tpu.memory_space<vmem>>)
      tpu.yield
    }) : () -> ()
    %dma_start3A = arith.constant 0 : i32
    %dma_start3A_17 = arith.constant 0 : i32
    %dma_start3A_18 = tpu.memref_slice %arg6[%dma_start3A, %dma_start3A_17] : memref<160x128xi32, #tpu.memory_space<vmem>> -> memref<1x128xi32, #tpu.memory_space<vmem>>
    %dma_start3A_19 = tpu.memref_squeeze %dma_start3A_18 : memref<1x128xi32, #tpu.memory_space<vmem>> -> memref<128xi32, #tpu.memory_space<vmem>>
    %dma_start3A_20 = arith.constant 0 : i32
    %dma_start3A_21 = arith.constant 0 : i32
    %dma_start3A_22 = tpu.memref_slice %arg10[%dma_start3A_20, %dma_start3A_21] : memref<10240x64xf32, #tpu.memory_space<vmem_shared>> -> memref<10240x64xf32, #tpu.memory_space<vmem_shared>>
    tpu.enqueue_indirect_dma source(%dma_start3A_22 : memref<10240x64xf32, #tpu.memory_space<vmem_shared>>) target(%arg8 : memref<128x64xf32, #tpu.memory_space<vmem>>) offsets(%dma_start3A_19 : memref<128xi32, #tpu.memory_space<vmem>>) semaphore(%arg12 : memref<!tpu.dma_semaphore, #tpu.memory_space<semaphore_mem>>)
    %dma_start3A_23 = arith.constant 1 : i32
    %dma_start3A_24 = arith.constant 0 : i32
    %dma_start3A_25 = tpu.memref_slice %arg6[%dma_start3A_23, %dma_start3A_24] : memref<160x128xi32, #tpu.memory_space<vmem>> -> memref<1x128xi32, #tpu.memory_space<vmem>>
    %dma_start3A_26 = tpu.memref_squeeze %dma_start3A_25 : memref<1x128xi32, #tpu.memory_space<vmem>> -> memref<128xi32, #tpu.memory_space<vmem>>
    %dma_start3A_27 = arith.constant 0 : i32
    %dma_start3A_28 = arith.constant 0 : i32
    %dma_start3A_29 = tpu.memref_slice %arg10[%dma_start3A_27, %dma_start3A_28] : memref<10240x64xf32, #tpu.memory_space<vmem_shared>> -> memref<10240x64xf32, #tpu.memory_space<vmem_shared>>
    tpu.enqueue_indirect_dma source(%dma_start3A_29 : memref<10240x64xf32, #tpu.memory_space<vmem_shared>>) target(%arg9 : memref<128x64xf32, #tpu.memory_space<vmem>>) offsets(%dma_start3A_26 : memref<128xi32, #tpu.memory_space<vmem>>) semaphore(%arg13 : memref<!tpu.dma_semaphore, #tpu.memory_space<semaphore_mem>>)
    %scan3A_30 = arith.constant 0 : i32
    %scan3A_31 = arith.constant 0 : i32
    %scan3A_32 = arith.constant 40 : i32
    %scan3A_33 = arith.addi %scan3A_31, %scan3A_32 : i32
    %scan3A_34 = arith.constant 1 : i32
    %scan3A_35 = scf.for %scan3A_88 = %scan3A_31 to %scan3A_33 step %scan3A_34 iter_args(%scan3A_89 = %scan3A_30) -> (i32)  : i32 {
      %mul3A_90 = arith.constant 2 : i32
      %mul3A_91 = arith.muli %scan3A_88, %mul3A_90 : i32
      %add3A_92 = arith.constant 0 : i32
      %add3A_93 = arith.addi %add3A_92, %mul3A_91 : i32
      %add3A_94 = arith.constant 0 : i32
      %add3A_95 = arith.addi %add3A_93, %add3A_94 : i32
      %dma_wait3A_96 = arith.constant 0 : i32
      %dma_wait3A_97 = tpu.memref_slice %arg6[%add3A_95, %dma_wait3A_96] : memref<160x128xi32, #tpu.memory_space<vmem>> -> memref<1x128xi32, #tpu.memory_space<vmem>>
      %dma_wait3A_98 = tpu.memref_squeeze %dma_wait3A_97 : memref<1x128xi32, #tpu.memory_space<vmem>> -> memref<128xi32, #tpu.memory_space<vmem>>
      %dma_wait3A_99 = arith.constant 0 : i32
      %dma_wait3A_100 = arith.constant 0 : i32
      %dma_wait3A_101 = tpu.memref_slice %arg10[%dma_wait3A_99, %dma_wait3A_100] : memref<10240x64xf32, #tpu.memory_space<vmem_shared>> -> memref<10240x64xf32, #tpu.memory_space<vmem_shared>>
      tpu.wait_indirect_dma semaphore(%arg12 : memref<!tpu.dma_semaphore, #tpu.memory_space<semaphore_mem>>) src(%dma_wait3A_101 : memref<10240x64xf32, #tpu.memory_space<vmem_shared>>) dst(%arg8 : memref<128x64xf32, #tpu.memory_space<vmem>>)
      %add3A_102 = arith.constant 0 : i32
      %add3A_103 = arith.addi %mul3A_91, %add3A_102 : i32
      "tpu.region"() ({
        %run_scoped3A = tpu.sem_alloc : memref<!tpu.dma_semaphore, #tpu.memory_space<semaphore_mem>>
        %dma_start3A_144 = arith.constant 0 : i32
        %dma_start3A_145 = tpu.memref_slice %arg7[%add3A_103, %dma_start3A_144] : memref<80x128xi32, #tpu.memory_space<vmem>> -> memref<1x128xi32, #tpu.memory_space<vmem>>
        %dma_start3A_146 = tpu.memref_squeeze %dma_start3A_145 : memref<1x128xi32, #tpu.memory_space<vmem>> -> memref<128xi32, #tpu.memory_space<vmem>>
        %dma_start3A_147 = arith.constant 0 : i32
        %dma_start3A_148 = arith.constant 0 : i32
        %dma_start3A_149 = tpu.memref_slice %arg11[%dma_start3A_147, %dma_start3A_148] : memref<10240x64xf32, #tpu.memory_space<vmem_shared>> -> memref<10240x64xf32, #tpu.memory_space<vmem_shared>>
        tpu.enqueue_indirect_dma source(%arg8 : memref<128x64xf32, #tpu.memory_space<vmem>>) target(%dma_start3A_149 : memref<10240x64xf32, #tpu.memory_space<vmem_shared>>) offsets(%dma_start3A_146 : memref<128xi32, #tpu.memory_space<vmem>>) semaphore(%run_scoped3A : memref<!tpu.dma_semaphore, #tpu.memory_space<semaphore_mem>>) {add = true}
        %dma_wait3A_150 = arith.constant 0 : i32
        %dma_wait3A_151 = tpu.memref_slice %arg7[%add3A_103, %dma_wait3A_150] : memref<80x128xi32, #tpu.memory_space<vmem>> -> memref<1x128xi32, #tpu.memory_space<vmem>>
        %dma_wait3A_152 = tpu.memref_squeeze %dma_wait3A_151 : memref<1x128xi32, #tpu.memory_space<vmem>> -> memref<128xi32, #tpu.memory_space<vmem>>
        %dma_wait3A_153 = arith.constant 0 : i32
        %dma_wait3A_154 = arith.constant 0 : i32
        %dma_wait3A_155 = tpu.memref_slice %arg11[%dma_wait3A_153, %dma_wait3A_154] : memref<10240x64xf32, #tpu.memory_space<vmem_shared>> -> memref<10240x64xf32, #tpu.memory_space<vmem_shared>>
        tpu.wait_indirect_dma semaphore(%run_scoped3A : memref<!tpu.dma_semaphore, #tpu.memory_space<semaphore_mem>>) src(%arg8 : memref<128x64xf32, #tpu.memory_space<vmem>>) dst(%dma_wait3A_155 : memref<10240x64xf32, #tpu.memory_space<vmem_shared>>)
        tpu.yield
      }) : () -> ()
      %add3A_104 = arith.constant 2 : i32
      %add3A_105 = arith.addi %mul3A_91, %add3A_104 : i32
      %add3A_106 = arith.constant 0 : i32
      %add3A_107 = arith.addi %add3A_105, %add3A_106 : i32
      %min3A = arith.constant 79 : i32
      %min3A_108 = arith.minsi %add3A_107, %min3A : i32
      %add3A_109 = arith.constant 0 : i32
      %add3A_110 = arith.addi %add3A_109, %min3A_108 : i32
      %dma_start3A_111 = arith.constant 0 : i32
      %dma_start3A_112 = tpu.memref_slice %arg6[%add3A_110, %dma_start3A_111] : memref<160x128xi32, #tpu.memory_space<vmem>> -> memref<1x128xi32, #tpu.memory_space<vmem>>
      %dma_start3A_113 = tpu.memref_squeeze %dma_start3A_112 : memref<1x128xi32, #tpu.memory_space<vmem>> -> memref<128xi32, #tpu.memory_space<vmem>>
      %dma_start3A_114 = arith.constant 0 : i32
      %dma_start3A_115 = arith.constant 0 : i32
      %dma_start3A_116 = tpu.memref_slice %arg10[%dma_start3A_114, %dma_start3A_115] : memref<10240x64xf32, #tpu.memory_space<vmem_shared>> -> memref<10240x64xf32, #tpu.memory_space<vmem_shared>>
      tpu.enqueue_indirect_dma source(%dma_start3A_116 : memref<10240x64xf32, #tpu.memory_space<vmem_shared>>) target(%arg8 : memref<128x64xf32, #tpu.memory_space<vmem>>) offsets(%dma_start3A_113 : memref<128xi32, #tpu.memory_space<vmem>>) semaphore(%arg12 : memref<!tpu.dma_semaphore, #tpu.memory_space<semaphore_mem>>)
      %add3A_117 = arith.constant 0 : i32
      %add3A_118 = arith.addi %add3A_117, %mul3A_91 : i32
      %add3A_119 = arith.constant 1 : i32
      %add3A_120 = arith.addi %add3A_118, %add3A_119 : i32
      %dma_wait3A_121 = arith.constant 0 : i32
      %dma_wait3A_122 = tpu.memref_slice %arg6[%add3A_120, %dma_wait3A_121] : memref<160x128xi32, #tpu.memory_space<vmem>> -> memref<1x128xi32, #tpu.memory_space<vmem>>
      %dma_wait3A_123 = tpu.memref_squeeze %dma_wait3A_122 : memref<1x128xi32, #tpu.memory_space<vmem>> -> memref<128xi32, #tpu.memory_space<vmem>>
      %dma_wait3A_124 = arith.constant 0 : i32
      %dma_wait3A_125 = arith.constant 0 : i32
      %dma_wait3A_126 = tpu.memref_slice %arg10[%dma_wait3A_124, %dma_wait3A_125] : memref<10240x64xf32, #tpu.memory_space<vmem_shared>> -> memref<10240x64xf32, #tpu.memory_space<vmem_shared>>
      tpu.wait_indirect_dma semaphore(%arg13 : memref<!tpu.dma_semaphore, #tpu.memory_space<semaphore_mem>>) src(%dma_wait3A_126 : memref<10240x64xf32, #tpu.memory_space<vmem_shared>>) dst(%arg9 : memref<128x64xf32, #tpu.memory_space<vmem>>)
      %add3A_127 = arith.constant 1 : i32
      %add3A_128 = arith.addi %mul3A_91, %add3A_127 : i32
      "tpu.region"() ({
        %run_scoped3A = tpu.sem_alloc : memref<!tpu.dma_semaphore, #tpu.memory_space<semaphore_mem>>
        %dma_start3A_144 = arith.constant 0 : i32
        %dma_start3A_145 = tpu.memref_slice %arg7[%add3A_128, %dma_start3A_144] : memref<80x128xi32, #tpu.memory_space<vmem>> -> memref<1x128xi32, #tpu.memory_space<vmem>>
        %dma_start3A_146 = tpu.memref_squeeze %dma_start3A_145 : memref<1x128xi32, #tpu.memory_space<vmem>> -> memref<128xi32, #tpu.memory_space<vmem>>
        %dma_start3A_147 = arith.constant 0 : i32
        %dma_start3A_148 = arith.constant 0 : i32
        %dma_start3A_149 = tpu.memref_slice %arg11[%dma_start3A_147, %dma_start3A_148] : memref<10240x64xf32, #tpu.memory_space<vmem_shared>> -> memref<10240x64xf32, #tpu.memory_space<vmem_shared>>
        tpu.enqueue_indirect_dma source(%arg9 : memref<128x64xf32, #tpu.memory_space<vmem>>) target(%dma_start3A_149 : memref<10240x64xf32, #tpu.memory_space<vmem_shared>>) offsets(%dma_start3A_146 : memref<128xi32, #tpu.memory_space<vmem>>) semaphore(%run_scoped3A : memref<!tpu.dma_semaphore, #tpu.memory_space<semaphore_mem>>) {add = true}
        %dma_wait3A_150 = arith.constant 0 : i32
        %dma_wait3A_151 = tpu.memref_slice %arg7[%add3A_128, %dma_wait3A_150] : memref<80x128xi32, #tpu.memory_space<vmem>> -> memref<1x128xi32, #tpu.memory_space<vmem>>
        %dma_wait3A_152 = tpu.memref_squeeze %dma_wait3A_151 : memref<1x128xi32, #tpu.memory_space<vmem>> -> memref<128xi32, #tpu.memory_space<vmem>>
        %dma_wait3A_153 = arith.constant 0 : i32
        %dma_wait3A_154 = arith.constant 0 : i32
        %dma_wait3A_155 = tpu.memref_slice %arg11[%dma_wait3A_153, %dma_wait3A_154] : memref<10240x64xf32, #tpu.memory_space<vmem_shared>> -> memref<10240x64xf32, #tpu.memory_space<vmem_shared>>
        tpu.wait_indirect_dma semaphore(%run_scoped3A : memref<!tpu.dma_semaphore, #tpu.memory_space<semaphore_mem>>) src(%arg9 : memref<128x64xf32, #tpu.memory_space<vmem>>) dst(%dma_wait3A_155 : memref<10240x64xf32, #tpu.memory_space<vmem_shared>>)
        tpu.yield
      }) : () -> ()
      %add3A_129 = arith.constant 2 : i32
      %add3A_130 = arith.addi %mul3A_91, %add3A_129 : i32
      %add3A_131 = arith.constant 1 : i32
      %add3A_132 = arith.addi %add3A_130, %add3A_131 : i32
      %min3A_133 = arith.constant 79 : i32
      %min3A_134 = arith.minsi %add3A_132, %min3A_133 : i32
      %add3A_135 = arith.constant 0 : i32
      %add3A_136 = arith.addi %add3A_135, %min3A_134 : i32
      %dma_start3A_137 = arith.constant 0 : i32
      %dma_start3A_138 = tpu.memref_slice %arg6[%add3A_136, %dma_start3A_137] : memref<160x128xi32, #tpu.memory_space<vmem>> -> memref<1x128xi32, #tpu.memory_space<vmem>>
      %dma_start3A_139 = tpu.memref_squeeze %dma_start3A_138 : memref<1x128xi32, #tpu.memory_space<vmem>> -> memref<128xi32, #tpu.memory_space<vmem>>
      %dma_start3A_140 = arith.constant 0 : i32
      %dma_start3A_141 = arith.constant 0 : i32
      %dma_start3A_142 = tpu.memref_slice %arg10[%dma_start3A_140, %dma_start3A_141] : memref<10240x64xf32, #tpu.memory_space<vmem_shared>> -> memref<10240x64xf32, #tpu.memory_space<vmem_shared>>
      tpu.enqueue_indirect_dma source(%dma_start3A_142 : memref<10240x64xf32, #tpu.memory_space<vmem_shared>>) target(%arg9 : memref<128x64xf32, #tpu.memory_space<vmem>>) offsets(%dma_start3A_139 : memref<128xi32, #tpu.memory_space<vmem>>) semaphore(%arg13 : memref<!tpu.dma_semaphore, #tpu.memory_space<semaphore_mem>>)
      %scan3A_143 = arith.constant 0 : i32
      scf.yield %scan3A_143 : i32
    }
    %scan3A_36 = arith.constant 40 : i32
    %dma_wait3A = arith.constant 79 : i32
    %dma_wait3A_37 = arith.constant 0 : i32
    %dma_wait3A_38 = tpu.memref_slice %arg6[%dma_wait3A, %dma_wait3A_37] : memref<160x128xi32, #tpu.memory_space<vmem>> -> memref<1x128xi32, #tpu.memory_space<vmem>>
    %dma_wait3A_39 = tpu.memref_squeeze %dma_wait3A_38 : memref<1x128xi32, #tpu.memory_space<vmem>> -> memref<128xi32, #tpu.memory_space<vmem>>
    %dma_wait3A_40 = arith.constant 0 : i32
    %dma_wait3A_41 = arith.constant 0 : i32
    %dma_wait3A_42 = tpu.memref_slice %arg10[%dma_wait3A_40, %dma_wait3A_41] : memref<10240x64xf32, #tpu.memory_space<vmem_shared>> -> memref<10240x64xf32, #tpu.memory_space<vmem_shared>>
    tpu.wait_indirect_dma semaphore(%arg12 : memref<!tpu.dma_semaphore, #tpu.memory_space<semaphore_mem>>) src(%dma_wait3A_42 : memref<10240x64xf32, #tpu.memory_space<vmem_shared>>) dst(%arg8 : memref<128x64xf32, #tpu.memory_space<vmem>>)
    %dma_wait3A_43 = arith.constant 79 : i32
    %dma_wait3A_44 = arith.constant 0 : i32
    %dma_wait3A_45 = tpu.memref_slice %arg6[%dma_wait3A_43, %dma_wait3A_44] : memref<160x128xi32, #tpu.memory_space<vmem>> -> memref<1x128xi32, #tpu.memory_space<vmem>>
    %dma_wait3A_46 = tpu.memref_squeeze %dma_wait3A_45 : memref<1x128xi32, #tpu.memory_space<vmem>> -> memref<128xi32, #tpu.memory_space<vmem>>
    %dma_wait3A_47 = arith.constant 0 : i32
    %dma_wait3A_48 = arith.constant 0 : i32
    %dma_wait3A_49 = tpu.memref_slice %arg10[%dma_wait3A_47, %dma_wait3A_48] : memref<10240x64xf32, #tpu.memory_space<vmem_shared>> -> memref<10240x64xf32, #tpu.memory_space<vmem_shared>>
    tpu.wait_indirect_dma semaphore(%arg13 : memref<!tpu.dma_semaphore, #tpu.memory_space<semaphore_mem>>) src(%dma_wait3A_49 : memref<10240x64xf32, #tpu.memory_space<vmem_shared>>) dst(%arg9 : memref<128x64xf32, #tpu.memory_space<vmem>>)
    %add3A_50 = arith.constant 80 : i32
    %add3A_51 = arith.addi %mul3A_2, %add3A_50 : i32
    "tpu.region"() ({
      %run_scoped3A = tpu.sem_alloc : memref<!tpu.dma_semaphore, #tpu.memory_space<semaphore_mem>>
      %dma_start3A_88 = arith.constant 0 : i32
      %dma_start3A_89 = tpu.memref_slice %arg4[%add3A_51, %dma_start3A_88] : memref<2560x128xi32, #tpu.memory_space<hbm>> -> memref<80x128xi32, #tpu.memory_space<hbm>>
      %dma_start3A_90 = arith.constant 0 : i32
      %dma_start3A_91 = tpu.memref_slice %arg4[%add3A_51, %dma_start3A_90] : memref<2560x128xi32, #tpu.memory_space<hbm>> -> memref<80x128xi32, #tpu.memory_space<hbm>>
      tpu.enqueue_dma source(%dma_start3A_91 : memref<80x128xi32, #tpu.memory_space<hbm>>) target(%arg7 : memref<80x128xi32, #tpu.memory_space<vmem>>) target_semaphore(%run_scoped3A : memref<!tpu.dma_semaphore, #tpu.memory_space<semaphore_mem>>)
      %dma_wait3A_92 = arith.constant 0 : i32
      %dma_wait3A_93 = tpu.memref_slice %arg4[%add3A_51, %dma_wait3A_92] : memref<2560x128xi32, #tpu.memory_space<hbm>> -> memref<80x128xi32, #tpu.memory_space<hbm>>
      %dma_wait3A_94 = arith.constant 0 : i32
      %dma_wait3A_95 = tpu.memref_slice %arg4[%add3A_51, %dma_wait3A_94] : memref<2560x128xi32, #tpu.memory_space<hbm>> -> memref<80x128xi32, #tpu.memory_space<hbm>>
      tpu.wait_dma2 semaphore(%run_scoped3A : memref<!tpu.dma_semaphore, #tpu.memory_space<semaphore_mem>>) src(%dma_wait3A_95 : memref<80x128xi32, #tpu.memory_space<hbm>>) dst(%arg7 : memref<80x128xi32, #tpu.memory_space<vmem>>)
      tpu.yield
    }) : () -> ()
    %dma_start3A_52 = arith.constant 80 : i32
    %dma_start3A_53 = arith.constant 0 : i32
    %dma_start3A_54 = tpu.memref_slice %arg6[%dma_start3A_52, %dma_start3A_53] : memref<160x128xi32, #tpu.memory_space<vmem>> -> memref<1x128xi32, #tpu.memory_space<vmem>>
    %dma_start3A_55 = tpu.memref_squeeze %dma_start3A_54 : memref<1x128xi32, #tpu.memory_space<vmem>> -> memref<128xi32, #tpu.memory_space<vmem>>
    %dma_start3A_56 = arith.constant 0 : i32
    %dma_start3A_57 = arith.constant 0 : i32
    %dma_start3A_58 = tpu.memref_slice %arg10[%dma_start3A_56, %dma_start3A_57] : memref<10240x64xf32, #tpu.memory_space<vmem_shared>> -> memref<10240x64xf32, #tpu.memory_space<vmem_shared>>
    tpu.enqueue_indirect_dma source(%dma_start3A_58 : memref<10240x64xf32, #tpu.memory_space<vmem_shared>>) target(%arg8 : memref<128x64xf32, #tpu.memory_space<vmem>>) offsets(%dma_start3A_55 : memref<128xi32, #tpu.memory_space<vmem>>) semaphore(%arg12 : memref<!tpu.dma_semaphore, #tpu.memory_space<semaphore_mem>>)
    %dma_start3A_59 = arith.constant 81 : i32
    %dma_start3A_60 = arith.constant 0 : i32
    %dma_start3A_61 = tpu.memref_slice %arg6[%dma_start3A_59, %dma_start3A_60] : memref<160x128xi32, #tpu.memory_space<vmem>> -> memref<1x128xi32, #tpu.memory_space<vmem>>
    %dma_start3A_62 = tpu.memref_squeeze %dma_start3A_61 : memref<1x128xi32, #tpu.memory_space<vmem>> -> memref<128xi32, #tpu.memory_space<vmem>>
    %dma_start3A_63 = arith.constant 0 : i32
    %dma_start3A_64 = arith.constant 0 : i32
    %dma_start3A_65 = tpu.memref_slice %arg10[%dma_start3A_63, %dma_start3A_64] : memref<10240x64xf32, #tpu.memory_space<vmem_shared>> -> memref<10240x64xf32, #tpu.memory_space<vmem_shared>>
    tpu.enqueue_indirect_dma source(%dma_start3A_65 : memref<10240x64xf32, #tpu.memory_space<vmem_shared>>) target(%arg9 : memref<128x64xf32, #tpu.memory_space<vmem>>) offsets(%dma_start3A_62 : memref<128xi32, #tpu.memory_space<vmem>>) semaphore(%arg13 : memref<!tpu.dma_semaphore, #tpu.memory_space<semaphore_mem>>)
    %scan3A_66 = arith.constant 0 : i32
    %scan3A_67 = arith.constant 0 : i32
    %scan3A_68 = arith.constant 40 : i32
    %scan3A_69 = arith.addi %scan3A_67, %scan3A_68 : i32
    %scan3A_70 = arith.constant 1 : i32
    %scan3A_71 = scf.for %scan3A_88 = %scan3A_67 to %scan3A_69 step %scan3A_70 iter_args(%scan3A_89 = %scan3A_66) -> (i32)  : i32 {
      %mul3A_90 = arith.constant 2 : i32
      %mul3A_91 = arith.muli %scan3A_88, %mul3A_90 : i32
      %add3A_92 = arith.constant 80 : i32
      %add3A_93 = arith.addi %add3A_92, %mul3A_91 : i32
      %add3A_94 = arith.constant 0 : i32
      %add3A_95 = arith.addi %add3A_93, %add3A_94 : i32
      %dma_wait3A_96 = arith.constant 0 : i32
      %dma_wait3A_97 = tpu.memref_slice %arg6[%add3A_95, %dma_wait3A_96] : memref<160x128xi32, #tpu.memory_space<vmem>> -> memref<1x128xi32, #tpu.memory_space<vmem>>
      %dma_wait3A_98 = tpu.memref_squeeze %dma_wait3A_97 : memref<1x128xi32, #tpu.memory_space<vmem>> -> memref<128xi32, #tpu.memory_space<vmem>>
      %dma_wait3A_99 = arith.constant 0 : i32
      %dma_wait3A_100 = arith.constant 0 : i32
      %dma_wait3A_101 = tpu.memref_slice %arg10[%dma_wait3A_99, %dma_wait3A_100] : memref<10240x64xf32, #tpu.memory_space<vmem_shared>> -> memref<10240x64xf32, #tpu.memory_space<vmem_shared>>
      tpu.wait_indirect_dma semaphore(%arg12 : memref<!tpu.dma_semaphore, #tpu.memory_space<semaphore_mem>>) src(%dma_wait3A_101 : memref<10240x64xf32, #tpu.memory_space<vmem_shared>>) dst(%arg8 : memref<128x64xf32, #tpu.memory_space<vmem>>)
      %add3A_102 = arith.constant 0 : i32
      %add3A_103 = arith.addi %mul3A_91, %add3A_102 : i32
      "tpu.region"() ({
        %run_scoped3A = tpu.sem_alloc : memref<!tpu.dma_semaphore, #tpu.memory_space<semaphore_mem>>
        %dma_start3A_144 = arith.constant 0 : i32
        %dma_start3A_145 = tpu.memref_slice %arg7[%add3A_103, %dma_start3A_144] : memref<80x128xi32, #tpu.memory_space<vmem>> -> memref<1x128xi32, #tpu.memory_space<vmem>>
        %dma_start3A_146 = tpu.memref_squeeze %dma_start3A_145 : memref<1x128xi32, #tpu.memory_space<vmem>> -> memref<128xi32, #tpu.memory_space<vmem>>
        %dma_start3A_147 = arith.constant 0 : i32
        %dma_start3A_148 = arith.constant 0 : i32
        %dma_start3A_149 = tpu.memref_slice %arg11[%dma_start3A_147, %dma_start3A_148] : memref<10240x64xf32, #tpu.memory_space<vmem_shared>> -> memref<10240x64xf32, #tpu.memory_space<vmem_shared>>
        tpu.enqueue_indirect_dma source(%arg8 : memref<128x64xf32, #tpu.memory_space<vmem>>) target(%dma_start3A_149 : memref<10240x64xf32, #tpu.memory_space<vmem_shared>>) offsets(%dma_start3A_146 : memref<128xi32, #tpu.memory_space<vmem>>) semaphore(%run_scoped3A : memref<!tpu.dma_semaphore, #tpu.memory_space<semaphore_mem>>) {add = true}
        %dma_wait3A_150 = arith.constant 0 : i32
        %dma_wait3A_151 = tpu.memref_slice %arg7[%add3A_103, %dma_wait3A_150] : memref<80x128xi32, #tpu.memory_space<vmem>> -> memref<1x128xi32, #tpu.memory_space<vmem>>
        %dma_wait3A_152 = tpu.memref_squeeze %dma_wait3A_151 : memref<1x128xi32, #tpu.memory_space<vmem>> -> memref<128xi32, #tpu.memory_space<vmem>>
        %dma_wait3A_153 = arith.constant 0 : i32
        %dma_wait3A_154 = arith.constant 0 : i32
        %dma_wait3A_155 = tpu.memref_slice %arg11[%dma_wait3A_153, %dma_wait3A_154] : memref<10240x64xf32, #tpu.memory_space<vmem_shared>> -> memref<10240x64xf32, #tpu.memory_space<vmem_shared>>
        tpu.wait_indirect_dma semaphore(%run_scoped3A : memref<!tpu.dma_semaphore, #tpu.memory_space<semaphore_mem>>) src(%arg8 : memref<128x64xf32, #tpu.memory_space<vmem>>) dst(%dma_wait3A_155 : memref<10240x64xf32, #tpu.memory_space<vmem_shared>>)
        tpu.yield
      }) : () -> ()
      %add3A_104 = arith.constant 2 : i32
      %add3A_105 = arith.addi %mul3A_91, %add3A_104 : i32
      %add3A_106 = arith.constant 0 : i32
      %add3A_107 = arith.addi %add3A_105, %add3A_106 : i32
      %min3A = arith.constant 79 : i32
      %min3A_108 = arith.minsi %add3A_107, %min3A : i32
      %add3A_109 = arith.constant 80 : i32
      %add3A_110 = arith.addi %add3A_109, %min3A_108 : i32
      %dma_start3A_111 = arith.constant 0 : i32
      %dma_start3A_112 = tpu.memref_slice %arg6[%add3A_110, %dma_start3A_111] : memref<160x128xi32, #tpu.memory_space<vmem>> -> memref<1x128xi32, #tpu.memory_space<vmem>>
      %dma_start3A_113 = tpu.memref_squeeze %dma_start3A_112 : memref<1x128xi32, #tpu.memory_space<vmem>> -> memref<128xi32, #tpu.memory_space<vmem>>
      %dma_start3A_114 = arith.constant 0 : i32
      %dma_start3A_115 = arith.constant 0 : i32
      %dma_start3A_116 = tpu.memref_slice %arg10[%dma_start3A_114, %dma_start3A_115] : memref<10240x64xf32, #tpu.memory_space<vmem_shared>> -> memref<10240x64xf32, #tpu.memory_space<vmem_shared>>
      tpu.enqueue_indirect_dma source(%dma_start3A_116 : memref<10240x64xf32, #tpu.memory_space<vmem_shared>>) target(%arg8 : memref<128x64xf32, #tpu.memory_space<vmem>>) offsets(%dma_start3A_113 : memref<128xi32, #tpu.memory_space<vmem>>) semaphore(%arg12 : memref<!tpu.dma_semaphore, #tpu.memory_space<semaphore_mem>>)
      %add3A_117 = arith.constant 80 : i32
      %add3A_118 = arith.addi %add3A_117, %mul3A_91 : i32
      %add3A_119 = arith.constant 1 : i32
      %add3A_120 = arith.addi %add3A_118, %add3A_119 : i32
      %dma_wait3A_121 = arith.constant 0 : i32
      %dma_wait3A_122 = tpu.memref_slice %arg6[%add3A_120, %dma_wait3A_121] : memref<160x128xi32, #tpu.memory_space<vmem>> -> memref<1x128xi32, #tpu.memory_space<vmem>>
      %dma_wait3A_123 = tpu.memref_squeeze %dma_wait3A_122 : memref<1x128xi32, #tpu.memory_space<vmem>> -> memref<128xi32, #tpu.memory_space<vmem>>
      %dma_wait3A_124 = arith.constant 0 : i32
      %dma_wait3A_125 = arith.constant 0 : i32
      %dma_wait3A_126 = tpu.memref_slice %arg10[%dma_wait3A_124, %dma_wait3A_125] : memref<10240x64xf32, #tpu.memory_space<vmem_shared>> -> memref<10240x64xf32, #tpu.memory_space<vmem_shared>>
      tpu.wait_indirect_dma semaphore(%arg13 : memref<!tpu.dma_semaphore, #tpu.memory_space<semaphore_mem>>) src(%dma_wait3A_126 : memref<10240x64xf32, #tpu.memory_space<vmem_shared>>) dst(%arg9 : memref<128x64xf32, #tpu.memory_space<vmem>>)
      %add3A_127 = arith.constant 1 : i32
      %add3A_128 = arith.addi %mul3A_91, %add3A_127 : i32
      "tpu.region"() ({
        %run_scoped3A = tpu.sem_alloc : memref<!tpu.dma_semaphore, #tpu.memory_space<semaphore_mem>>
        %dma_start3A_144 = arith.constant 0 : i32
        %dma_start3A_145 = tpu.memref_slice %arg7[%add3A_128, %dma_start3A_144] : memref<80x128xi32, #tpu.memory_space<vmem>> -> memref<1x128xi32, #tpu.memory_space<vmem>>
        %dma_start3A_146 = tpu.memref_squeeze %dma_start3A_145 : memref<1x128xi32, #tpu.memory_space<vmem>> -> memref<128xi32, #tpu.memory_space<vmem>>
        %dma_start3A_147 = arith.constant 0 : i32
        %dma_start3A_148 = arith.constant 0 : i32
        %dma_start3A_149 = tpu.memref_slice %arg11[%dma_start3A_147, %dma_start3A_148] : memref<10240x64xf32, #tpu.memory_space<vmem_shared>> -> memref<10240x64xf32, #tpu.memory_space<vmem_shared>>
        tpu.enqueue_indirect_dma source(%arg9 : memref<128x64xf32, #tpu.memory_space<vmem>>) target(%dma_start3A_149 : memref<10240x64xf32, #tpu.memory_space<vmem_shared>>) offsets(%dma_start3A_146 : memref<128xi32, #tpu.memory_space<vmem>>) semaphore(%run_scoped3A : memref<!tpu.dma_semaphore, #tpu.memory_space<semaphore_mem>>) {add = true}
        %dma_wait3A_150 = arith.constant 0 : i32
        %dma_wait3A_151 = tpu.memref_slice %arg7[%add3A_128, %dma_wait3A_150] : memref<80x128xi32, #tpu.memory_space<vmem>> -> memref<1x128xi32, #tpu.memory_space<vmem>>
        %dma_wait3A_152 = tpu.memref_squeeze %dma_wait3A_151 : memref<1x128xi32, #tpu.memory_space<vmem>> -> memref<128xi32, #tpu.memory_space<vmem>>
        %dma_wait3A_153 = arith.constant 0 : i32
        %dma_wait3A_154 = arith.constant 0 : i32
        %dma_wait3A_155 = tpu.memref_slice %arg11[%dma_wait3A_153, %dma_wait3A_154] : memref<10240x64xf32, #tpu.memory_space<vmem_shared>> -> memref<10240x64xf32, #tpu.memory_space<vmem_shared>>
        tpu.wait_indirect_dma semaphore(%run_scoped3A : memref<!tpu.dma_semaphore, #tpu.memory_space<semaphore_mem>>) src(%arg9 : memref<128x64xf32, #tpu.memory_space<vmem>>) dst(%dma_wait3A_155 : memref<10240x64xf32, #tpu.memory_space<vmem_shared>>)
        tpu.yield
      }) : () -> ()
      %add3A_129 = arith.constant 2 : i32
      %add3A_130 = arith.addi %mul3A_91, %add3A_129 : i32
      %add3A_131 = arith.constant 1 : i32
      %add3A_132 = arith.addi %add3A_130, %add3A_131 : i32
      %min3A_133 = arith.constant 79 : i32
      %min3A_134 = arith.minsi %add3A_132, %min3A_133 : i32
      %add3A_135 = arith.constant 80 : i32
      %add3A_136 = arith.addi %add3A_135, %min3A_134 : i32
      %dma_start3A_137 = arith.constant 0 : i32
      %dma_start3A_138 = tpu.memref_slice %arg6[%add3A_136, %dma_start3A_137] : memref<160x128xi32, #tpu.memory_space<vmem>> -> memref<1x128xi32, #tpu.memory_space<vmem>>
      %dma_start3A_139 = tpu.memref_squeeze %dma_start3A_138 : memref<1x128xi32, #tpu.memory_space<vmem>> -> memref<128xi32, #tpu.memory_space<vmem>>
      %dma_start3A_140 = arith.constant 0 : i32
      %dma_start3A_141 = arith.constant 0 : i32
      %dma_start3A_142 = tpu.memref_slice %arg10[%dma_start3A_140, %dma_start3A_141] : memref<10240x64xf32, #tpu.memory_space<vmem_shared>> -> memref<10240x64xf32, #tpu.memory_space<vmem_shared>>
      tpu.enqueue_indirect_dma source(%dma_start3A_142 : memref<10240x64xf32, #tpu.memory_space<vmem_shared>>) target(%arg9 : memref<128x64xf32, #tpu.memory_space<vmem>>) offsets(%dma_start3A_139 : memref<128xi32, #tpu.memory_space<vmem>>) semaphore(%arg13 : memref<!tpu.dma_semaphore, #tpu.memory_space<semaphore_mem>>)
      %scan3A_143 = arith.constant 0 : i32
      scf.yield %scan3A_143 : i32
    }
    %scan3A_72 = arith.constant 40 : i32
    %dma_wait3A_73 = arith.constant 159 : i32
    %dma_wait3A_74 = arith.constant 0 : i32
    %dma_wait3A_75 = tpu.memref_slice %arg6[%dma_wait3A_73, %dma_wait3A_74] : memref<160x128xi32, #tpu.memory_space<vmem>> -> memref<1x128xi32, #tpu.memory_space<vmem>>
    %dma_wait3A_76 = tpu.memref_squeeze %dma_wait3A_75 : memref<1x128xi32, #tpu.memory_space<vmem>> -> memref<128xi32, #tpu.memory_space<vmem>>
    %dma_wait3A_77 = arith.constant 0 : i32
    %dma_wait3A_78 = arith.constant 0 : i32
    %dma_wait3A_79 = tpu.memref_slice %arg10[%dma_wait3A_77, %dma_wait3A_78] : memref<10240x64xf32, #tpu.memory_space<vmem_shared>> -> memref<10240x64xf32, #tpu.memory_space<vmem_shared>>
    tpu.wait_indirect_dma semaphore(%arg12 : memref<!tpu.dma_semaphore, #tpu.memory_space<semaphore_mem>>) src(%dma_wait3A_79 : memref<10240x64xf32, #tpu.memory_space<vmem_shared>>) dst(%arg8 : memref<128x64xf32, #tpu.memory_space<vmem>>)
    %dma_wait3A_80 = arith.constant 159 : i32
    %dma_wait3A_81 = arith.constant 0 : i32
    %dma_wait3A_82 = tpu.memref_slice %arg6[%dma_wait3A_80, %dma_wait3A_81] : memref<160x128xi32, #tpu.memory_space<vmem>> -> memref<1x128xi32, #tpu.memory_space<vmem>>
    %dma_wait3A_83 = tpu.memref_squeeze %dma_wait3A_82 : memref<1x128xi32, #tpu.memory_space<vmem>> -> memref<128xi32, #tpu.memory_space<vmem>>
    %dma_wait3A_84 = arith.constant 0 : i32
    %dma_wait3A_85 = arith.constant 0 : i32
    %dma_wait3A_86 = tpu.memref_slice %arg10[%dma_wait3A_84, %dma_wait3A_85] : memref<10240x64xf32, #tpu.memory_space<vmem_shared>> -> memref<10240x64xf32, #tpu.memory_space<vmem_shared>>
    tpu.wait_indirect_dma semaphore(%arg13 : memref<!tpu.dma_semaphore, #tpu.memory_space<semaphore_mem>>) src(%dma_wait3A_86 : memref<10240x64xf32, #tpu.memory_space<vmem_shared>>) dst(%arg9 : memref<128x64xf32, #tpu.memory_space<vmem>>)
    %barrier3A_87 = arith.constant 0 : index
    tpu.barrier barrier_id(%barrier3A_87)
    "tpu.region"() ({
      %run_scoped3A = tpu.sem_alloc : memref<!tpu.dma_semaphore, #tpu.memory_space<semaphore_mem>>
      %dma_start3A_88 = arith.constant 0 : i32
      %dma_start3A_89 = arith.constant 0 : i32
      %dma_start3A_90 = tpu.memref_slice %arg5[%arg0, %dma_start3A_88, %dma_start3A_89] : memref<2x10240x64xf32, #tpu.memory_space<hbm>> -> memref<1x10240x64xf32, #tpu.memory_space<hbm>>
      %dma_start3A_91 = tpu.memref_squeeze %dma_start3A_90 : memref<1x10240x64xf32, #tpu.memory_space<hbm>> -> memref<10240x64xf32, #tpu.memory_space<hbm>>
      %dma_start3A_92 = arith.constant 0 : i32
      %dma_start3A_93 = tpu.memref_slice %dma_start3A_91[%mul3A_0, %dma_start3A_92] : memref<10240x64xf32, #tpu.memory_space<hbm>> -> memref<640x64xf32, #tpu.memory_space<hbm>>
      %dma_start3A_94 = arith.constant 0 : i32
      %dma_start3A_95 = tpu.memref_slice %arg11[%mul3A_0, %dma_start3A_94] : memref<10240x64xf32, #tpu.memory_space<vmem_shared>> -> memref<640x64xf32, #tpu.memory_space<vmem_shared>>
      tpu.enqueue_dma source(%dma_start3A_95 : memref<640x64xf32, #tpu.memory_space<vmem_shared>>) target(%dma_start3A_93 : memref<640x64xf32, #tpu.memory_space<hbm>>) target_semaphore(%run_scoped3A : memref<!tpu.dma_semaphore, #tpu.memory_space<semaphore_mem>>)
      %dma_wait3A_96 = arith.constant 0 : i32
      %dma_wait3A_97 = arith.constant 0 : i32
      %dma_wait3A_98 = tpu.memref_slice %arg5[%arg0, %dma_wait3A_96, %dma_wait3A_97] : memref<2x10240x64xf32, #tpu.memory_space<hbm>> -> memref<1x10240x64xf32, #tpu.memory_space<hbm>>
      %dma_wait3A_99 = tpu.memref_squeeze %dma_wait3A_98 : memref<1x10240x64xf32, #tpu.memory_space<hbm>> -> memref<10240x64xf32, #tpu.memory_space<hbm>>
      %dma_wait3A_100 = arith.constant 0 : i32
      %dma_wait3A_101 = tpu.memref_slice %dma_wait3A_99[%mul3A_0, %dma_wait3A_100] : memref<10240x64xf32, #tpu.memory_space<hbm>> -> memref<640x64xf32, #tpu.memory_space<hbm>>
      %dma_wait3A_102 = arith.constant 0 : i32
      %dma_wait3A_103 = tpu.memref_slice %arg11[%mul3A_0, %dma_wait3A_102] : memref<10240x64xf32, #tpu.memory_space<vmem_shared>> -> memref<640x64xf32, #tpu.memory_space<vmem_shared>>
      tpu.wait_dma2 semaphore(%run_scoped3A : memref<!tpu.dma_semaphore, #tpu.memory_space<semaphore_mem>>) src(%dma_wait3A_103 : memref<640x64xf32, #tpu.memory_space<vmem_shared>>) dst(%dma_wait3A_101 : memref<640x64xf32, #tpu.memory_space<hbm>>)
      tpu.yield
    }) : () -> ()
    return
  }
}

#map = affine_map<(d0, d1) -> (0, 0)>
#map1 = affine_map<(d0, d1) -> (0, 0, 0)>
module attributes {stable_mosaic.version = 14 : i64} {
  func.func @body(%arg0: i32, %arg1: i32, %arg2: memref<10240x16xf32, #tpu.memory_space<hbm>>, %arg3: memref<2560x128xi32, #tpu.memory_space<hbm>>, %arg4: memref<2560x128xi32, #tpu.memory_space<hbm>>, %arg5: memref<2x10240x16xf32, #tpu.memory_space<hbm>>, %arg6: memref<80x128xi32, #tpu.memory_space<vmem>>, %arg7: memref<80x128xi32, #tpu.memory_space<vmem>>, %arg8: memref<128x16xf32, #tpu.memory_space<vmem>>, %arg9: memref<128x16xf32, #tpu.memory_space<vmem>>, %arg10: memref<128x16xf32, #tpu.memory_space<vmem>>, %arg11: memref<128x16xf32, #tpu.memory_space<vmem>>, %arg12: memref<128x16xf32, #tpu.memory_space<vmem>>, %arg13: memref<128x16xf32, #tpu.memory_space<vmem>>, %arg14: memref<128x16xf32, #tpu.memory_space<vmem>>, %arg15: memref<128x16xf32, #tpu.memory_space<vmem>>, %arg16: memref<128x16xf32, #tpu.memory_space<vmem>>, %arg17: memref<128x16xf32, #tpu.memory_space<vmem>>, %arg18: memref<128x16xf32, #tpu.memory_space<vmem>>, %arg19: memref<128x16xf32, #tpu.memory_space<vmem>>, %arg20: memref<128x16xf32, #tpu.memory_space<vmem>>, %arg21: memref<128x16xf32, #tpu.memory_space<vmem>>, %arg22: memref<128x16xf32, #tpu.memory_space<vmem>>, %arg23: memref<128x16xf32, #tpu.memory_space<vmem>>, %arg24: memref<10240x16xf32, #tpu.memory_space<vmem_shared>>, %arg25: memref<10240x16xf32, #tpu.memory_space<vmem_shared>>, %arg26: memref<!tpu.dma_semaphore, #tpu.memory_space<semaphore_mem>>, %arg27: memref<!tpu.dma_semaphore, #tpu.memory_space<semaphore_mem>>, %arg28: memref<!tpu.dma_semaphore, #tpu.memory_space<semaphore_mem>>, %arg29: memref<!tpu.dma_semaphore, #tpu.memory_space<semaphore_mem>>, %arg30: memref<!tpu.dma_semaphore, #tpu.memory_space<semaphore_mem>>, %arg31: memref<!tpu.dma_semaphore, #tpu.memory_space<semaphore_mem>>, %arg32: memref<!tpu.dma_semaphore, #tpu.memory_space<semaphore_mem>>, %arg33: memref<!tpu.dma_semaphore, #tpu.memory_space<semaphore_mem>>, %arg34: memref<!tpu.dma_semaphore, #tpu.memory_space<semaphore_mem>>, %arg35: memref<!tpu.dma_semaphore, #tpu.memory_space<semaphore_mem>>, %arg36: memref<!tpu.dma_semaphore, #tpu.memory_space<semaphore_mem>>, %arg37: memref<!tpu.dma_semaphore, #tpu.memory_space<semaphore_mem>>, %arg38: memref<!tpu.dma_semaphore, #tpu.memory_space<semaphore_mem>>, %arg39: memref<!tpu.dma_semaphore, #tpu.memory_space<semaphore_mem>>, %arg40: memref<!tpu.dma_semaphore, #tpu.memory_space<semaphore_mem>>, %arg41: memref<!tpu.dma_semaphore, #tpu.memory_space<semaphore_mem>>) attributes {dimension_semantics = [#tpu.dimension_semantics<core_parallel>, #tpu.dimension_semantics<subcore_parallel>], iteration_bounds = array<i64: 2, 16>, scalar_prefetch = 0 : i64, scratch_operands = 36 : i64, tpu.core_type = #tpu.core_type<sc_vector_subcore>, window_params = [{transform_indices = #map}, {transform_indices = #map}, {transform_indices = #map}, {transform_indices = #map1}]} {
    %mul3A = arith.constant 640 : i32
    %mul3A_0 = arith.muli %arg1, %mul3A : i32
    %mul3A_1 = arith.constant 160 : i32
    %mul3A_2 = arith.muli %arg1, %mul3A_1 : i32
    %mul3A_3 = arith.constant 80 : i32
    %mul3A_4 = arith.muli %arg0, %mul3A_3 : i32
    %add3A = arith.addi %mul3A_2, %mul3A_4 : i32
    %scan3A = arith.constant 0 : i32
    %scan3A_5 = arith.constant 0 : i32
    %scan3A_6 = arith.constant 128 : i32
    %scan3A_7 = arith.addi %scan3A_5, %scan3A_6 : i32
    %scan3A_8 = arith.constant 1 : i32
    %scan3A_9 = scf.for %scan3A_248 = %scan3A_5 to %scan3A_7 step %scan3A_8 iter_args(%scan3A_249 = %scan3A) -> (i32)  : i32 {
      %broadcast_in_dim3A = arith.constant 0.000000e+00 : f32
      %broadcast_in_dim3A_250 = vector.broadcast %broadcast_in_dim3A : f32 to vector<16xf32>
      %jit3A = arith.constant 1 : i32
      %div3A = arith.divsi %scan3A_248, %jit3A : i32
      %sign3A = arith.constant 0 : i32
      %sign3A_251 = arith.cmpi sgt, %scan3A_248, %sign3A : i32
      %sign3A_252 = arith.extui %sign3A_251 : i1 to i32
      %sign3A_253 = arith.constant 0 : i32
      %sign3A_254 = arith.cmpi slt, %scan3A_248, %sign3A_253 : i32
      %sign3A_255 = arith.extui %sign3A_254 : i1 to i32
      %sign3A_256 = arith.subi %sign3A_252, %sign3A_255 : i32
      %sign3A_257 = arith.constant 0 : i32
      %sign3A_258 = arith.cmpi sgt, %jit3A, %sign3A_257 : i32
      %sign3A_259 = arith.extui %sign3A_258 : i1 to i32
      %sign3A_260 = arith.constant 0 : i32
      %sign3A_261 = arith.cmpi slt, %jit3A, %sign3A_260 : i32
      %sign3A_262 = arith.extui %sign3A_261 : i1 to i32
      %sign3A_263 = arith.subi %sign3A_259, %sign3A_262 : i32
      %ne3A = arith.cmpi ne, %sign3A_256, %sign3A_263 : i32
      %rem3A = arith.remsi %scan3A_248, %jit3A : i32
      %ne3A_264 = arith.constant 0 : i32
      %ne3A_265 = arith.cmpi ne, %rem3A, %ne3A_264 : i32
      %and3A = arith.andi %ne3A, %ne3A_265 : i1
      %sub3A = arith.constant 1 : i32
      %sub3A_266 = arith.subi %div3A, %sub3A : i32
      %select_n3A = arith.select %and3A, %sub3A_266, %div3A : i32
      %jit3A_267 = arith.constant 1 : i32
      %eq3A = arith.constant 0 : i32
      %eq3A_268 = arith.cmpi eq, %jit3A_267, %eq3A : i32
      %jit3A_269 = arith.constant 1 : i32
      %select_n3A_270 = arith.select %eq3A_268, %jit3A_269, %jit3A_267 : i32
      %rem3A_271 = arith.remsi %scan3A_248, %select_n3A_270 : i32
      %ne3A_272 = arith.constant 0 : i32
      %ne3A_273 = arith.cmpi ne, %rem3A_271, %ne3A_272 : i32
      %lt3A = arith.constant 0 : i32
      %lt3A_274 = arith.cmpi slt, %rem3A_271, %lt3A : i32
      %lt3A_275 = arith.constant 0 : i32
      %lt3A_276 = arith.cmpi slt, %select_n3A_270, %lt3A_275 : i32
      %ne3A_277 = arith.xori %lt3A_274, %lt3A_276 : i1
      %and3A_278 = arith.andi %ne3A_277, %ne3A_273 : i1
      %add3A_279 = arith.addi %rem3A_271, %select_n3A_270 : i32
      %select_n3A_280 = arith.select %and3A_278, %add3A_279, %rem3A_271 : i32
      %mul3A_281 = arith.constant 16 : i32
      %mul3A_282 = arith.muli %select_n3A_280, %mul3A_281 : i32
      %swap3A = arith.index_cast %select_n3A : i32 to index
      %swap3A_283 = arith.index_cast %mul3A_282 : i32 to index
      %swap3A_284 = tpu.vector_load %arg8[%swap3A, %swap3A_283] {strides = array<i32>} : memref<128x16xf32, #tpu.memory_space<vmem>>, vector<1x16xf32>,
      %swap3A_285 = vector.shape_cast %swap3A_284 : vector<1x16xf32> to vector<16xf32>
      %swap3A_286 = vector.shape_cast %broadcast_in_dim3A_250 : vector<16xf32> to vector<1x16xf32>
      tpu.vector_store %arg8[%swap3A, %swap3A_283], %swap3A_286 {strides = array<i32>} : memref<128x16xf32, #tpu.memory_space<vmem>>, vector<1x16xf32>,
      %scan3A_287 = arith.constant 0 : i32
      scf.yield %scan3A_287 : i32
    }
    %scan3A_10 = arith.constant 128 : i32
    %scan3A_11 = arith.constant 0 : i32
    %scan3A_12 = arith.constant 0 : i32
    %scan3A_13 = arith.constant 5 : i32
    %scan3A_14 = arith.addi %scan3A_12, %scan3A_13 : i32
    %scan3A_15 = arith.constant 1 : i32
    %scan3A_16 = scf.for %scan3A_248 = %scan3A_12 to %scan3A_14 step %scan3A_15 iter_args(%scan3A_249 = %scan3A_11) -> (i32)  : i32 {
      %mul3A_250 = arith.constant 128 : i32
      %mul3A_251 = arith.muli %scan3A_248, %mul3A_250 : i32
      %add3A_252 = arith.addi %mul3A_0, %mul3A_251 : i32
      "tpu.region"() ({
        %run_scoped3A = tpu.sem_alloc : memref<!tpu.dma_semaphore, #tpu.memory_space<semaphore_mem>>
        %dma_start3A_254 = arith.constant 0 : i32
        %dma_start3A_255 = tpu.memref_slice %arg25[%add3A_252, %dma_start3A_254] : memref<10240x16xf32, #tpu.memory_space<vmem_shared>> -> memref<128x16xf32, #tpu.memory_space<vmem_shared>>
        %dma_start3A_256 = arith.constant 0 : i32
        %dma_start3A_257 = tpu.memref_slice %arg25[%add3A_252, %dma_start3A_256] : memref<10240x16xf32, #tpu.memory_space<vmem_shared>> -> memref<128x16xf32, #tpu.memory_space<vmem_shared>>
        tpu.enqueue_dma source(%arg8 : memref<128x16xf32, #tpu.memory_space<vmem>>) target(%dma_start3A_257 : memref<128x16xf32, #tpu.memory_space<vmem_shared>>) target_semaphore(%run_scoped3A : memref<!tpu.dma_semaphore, #tpu.memory_space<semaphore_mem>>)
        %dma_wait3A_258 = arith.constant 0 : i32
        %dma_wait3A_259 = tpu.memref_slice %arg25[%add3A_252, %dma_wait3A_258] : memref<10240x16xf32, #tpu.memory_space<vmem_shared>> -> memref<128x16xf32, #tpu.memory_space<vmem_shared>>
        %dma_wait3A_260 = arith.constant 0 : i32
        %dma_wait3A_261 = tpu.memref_slice %arg25[%add3A_252, %dma_wait3A_260] : memref<10240x16xf32, #tpu.memory_space<vmem_shared>> -> memref<128x16xf32, #tpu.memory_space<vmem_shared>>
        tpu.wait_dma2 semaphore(%run_scoped3A : memref<!tpu.dma_semaphore, #tpu.memory_space<semaphore_mem>>) src(%arg8 : memref<128x16xf32, #tpu.memory_space<vmem>>) dst(%dma_wait3A_261 : memref<128x16xf32, #tpu.memory_space<vmem_shared>>)
        tpu.yield
      }) : () -> ()
      %scan3A_253 = arith.constant 0 : i32
      scf.yield %scan3A_253 : i32
    }
    %scan3A_17 = arith.constant 5 : i32
    "tpu.region"() ({
      %run_scoped3A = tpu.sem_alloc : memref<!tpu.dma_semaphore, #tpu.memory_space<semaphore_mem>>
      %dma_start3A_248 = arith.constant 0 : i32
      %dma_start3A_249 = tpu.memref_slice %arg24[%mul3A_0, %dma_start3A_248] : memref<10240x16xf32, #tpu.memory_space<vmem_shared>> -> memref<640x16xf32, #tpu.memory_space<vmem_shared>>
      %dma_start3A_250 = arith.constant 0 : i32
      %dma_start3A_251 = tpu.memref_slice %arg2[%mul3A_0, %dma_start3A_250] : memref<10240x16xf32, #tpu.memory_space<hbm>> -> memref<640x16xf32, #tpu.memory_space<hbm>>
      tpu.enqueue_dma source(%dma_start3A_251 : memref<640x16xf32, #tpu.memory_space<hbm>>) target(%dma_start3A_249 : memref<640x16xf32, #tpu.memory_space<vmem_shared>>) target_semaphore(%run_scoped3A : memref<!tpu.dma_semaphore, #tpu.memory_space<semaphore_mem>>)
      %dma_wait3A_252 = arith.constant 0 : i32
      %dma_wait3A_253 = tpu.memref_slice %arg24[%mul3A_0, %dma_wait3A_252] : memref<10240x16xf32, #tpu.memory_space<vmem_shared>> -> memref<640x16xf32, #tpu.memory_space<vmem_shared>>
      %dma_wait3A_254 = arith.constant 0 : i32
      %dma_wait3A_255 = tpu.memref_slice %arg2[%mul3A_0, %dma_wait3A_254] : memref<10240x16xf32, #tpu.memory_space<hbm>> -> memref<640x16xf32, #tpu.memory_space<hbm>>
      tpu.wait_dma2 semaphore(%run_scoped3A : memref<!tpu.dma_semaphore, #tpu.memory_space<semaphore_mem>>) src(%dma_wait3A_255 : memref<640x16xf32, #tpu.memory_space<hbm>>) dst(%dma_wait3A_253 : memref<640x16xf32, #tpu.memory_space<vmem_shared>>)
      tpu.yield
    }) : () -> ()
    "tpu.region"() ({
      %run_scoped3A = tpu.sem_alloc : memref<!tpu.dma_semaphore, #tpu.memory_space<semaphore_mem>>
      %dma_start3A_248 = arith.constant 0 : i32
      %dma_start3A_249 = tpu.memref_slice %arg3[%add3A, %dma_start3A_248] : memref<2560x128xi32, #tpu.memory_space<hbm>> -> memref<80x128xi32, #tpu.memory_space<hbm>>
      %dma_start3A_250 = arith.constant 0 : i32
      %dma_start3A_251 = tpu.memref_slice %arg3[%add3A, %dma_start3A_250] : memref<2560x128xi32, #tpu.memory_space<hbm>> -> memref<80x128xi32, #tpu.memory_space<hbm>>
      tpu.enqueue_dma source(%dma_start3A_251 : memref<80x128xi32, #tpu.memory_space<hbm>>) target(%arg6 : memref<80x128xi32, #tpu.memory_space<vmem>>) target_semaphore(%run_scoped3A : memref<!tpu.dma_semaphore, #tpu.memory_space<semaphore_mem>>)
      %dma_wait3A_252 = arith.constant 0 : i32
      %dma_wait3A_253 = tpu.memref_slice %arg3[%add3A, %dma_wait3A_252] : memref<2560x128xi32, #tpu.memory_space<hbm>> -> memref<80x128xi32, #tpu.memory_space<hbm>>
      %dma_wait3A_254 = arith.constant 0 : i32
      %dma_wait3A_255 = tpu.memref_slice %arg3[%add3A, %dma_wait3A_254] : memref<2560x128xi32, #tpu.memory_space<hbm>> -> memref<80x128xi32, #tpu.memory_space<hbm>>
      tpu.wait_dma2 semaphore(%run_scoped3A : memref<!tpu.dma_semaphore, #tpu.memory_space<semaphore_mem>>) src(%dma_wait3A_255 : memref<80x128xi32, #tpu.memory_space<hbm>>) dst(%arg6 : memref<80x128xi32, #tpu.memory_space<vmem>>)
      tpu.yield
    }) : () -> ()
    "tpu.region"() ({
      %run_scoped3A = tpu.sem_alloc : memref<!tpu.dma_semaphore, #tpu.memory_space<semaphore_mem>>
      %dma_start3A_248 = arith.constant 0 : i32
      %dma_start3A_249 = tpu.memref_slice %arg4[%add3A, %dma_start3A_248] : memref<2560x128xi32, #tpu.memory_space<hbm>> -> memref<80x128xi32, #tpu.memory_space<hbm>>
      %dma_start3A_250 = arith.constant 0 : i32
      %dma_start3A_251 = tpu.memref_slice %arg4[%add3A, %dma_start3A_250] : memref<2560x128xi32, #tpu.memory_space<hbm>> -> memref<80x128xi32, #tpu.memory_space<hbm>>
      tpu.enqueue_dma source(%dma_start3A_251 : memref<80x128xi32, #tpu.memory_space<hbm>>) target(%arg7 : memref<80x128xi32, #tpu.memory_space<vmem>>) target_semaphore(%run_scoped3A : memref<!tpu.dma_semaphore, #tpu.memory_space<semaphore_mem>>)
      %dma_wait3A_252 = arith.constant 0 : i32
      %dma_wait3A_253 = tpu.memref_slice %arg4[%add3A, %dma_wait3A_252] : memref<2560x128xi32, #tpu.memory_space<hbm>> -> memref<80x128xi32, #tpu.memory_space<hbm>>
      %dma_wait3A_254 = arith.constant 0 : i32
      %dma_wait3A_255 = tpu.memref_slice %arg4[%add3A, %dma_wait3A_254] : memref<2560x128xi32, #tpu.memory_space<hbm>> -> memref<80x128xi32, #tpu.memory_space<hbm>>
      tpu.wait_dma2 semaphore(%run_scoped3A : memref<!tpu.dma_semaphore, #tpu.memory_space<semaphore_mem>>) src(%dma_wait3A_255 : memref<80x128xi32, #tpu.memory_space<hbm>>) dst(%arg7 : memref<80x128xi32, #tpu.memory_space<vmem>>)
      tpu.yield
    }) : () -> ()
    %barrier3A = arith.constant 0 : index
    tpu.barrier barrier_id(%barrier3A)
    %dma_start3A = arith.constant 0 : i32
    %dma_start3A_18 = arith.constant 0 : i32
    %dma_start3A_19 = tpu.memref_slice %arg6[%dma_start3A, %dma_start3A_18] : memref<80x128xi32, #tpu.memory_space<vmem>> -> memref<1x128xi32, #tpu.memory_space<vmem>>
    %dma_start3A_20 = tpu.memref_squeeze %dma_start3A_19 : memref<1x128xi32, #tpu.memory_space<vmem>> -> memref<128xi32, #tpu.memory_space<vmem>>
    %dma_start3A_21 = arith.constant 0 : i32
    %dma_start3A_22 = arith.constant 0 : i32
    %dma_start3A_23 = tpu.memref_slice %arg24[%dma_start3A_21, %dma_start3A_22] : memref<10240x16xf32, #tpu.memory_space<vmem_shared>> -> memref<10240x16xf32, #tpu.memory_space<vmem_shared>>
    tpu.enqueue_indirect_dma source(%dma_start3A_23 : memref<10240x16xf32, #tpu.memory_space<vmem_shared>>) target(%arg8 : memref<128x16xf32, #tpu.memory_space<vmem>>) offsets(%dma_start3A_20 : memref<128xi32, #tpu.memory_space<vmem>>) semaphore(%arg26 : memref<!tpu.dma_semaphore, #tpu.memory_space<semaphore_mem>>)
    %dma_start3A_24 = arith.constant 1 : i32
    %dma_start3A_25 = arith.constant 0 : i32
    %dma_start3A_26 = tpu.memref_slice %arg6[%dma_start3A_24, %dma_start3A_25] : memref<80x128xi32, #tpu.memory_space<vmem>> -> memref<1x128xi32, #tpu.memory_space<vmem>>
    %dma_start3A_27 = tpu.memref_squeeze %dma_start3A_26 : memref<1x128xi32, #tpu.memory_space<vmem>> -> memref<128xi32, #tpu.memory_space<vmem>>
    %dma_start3A_28 = arith.constant 0 : i32
    %dma_start3A_29 = arith.constant 0 : i32
    %dma_start3A_30 = tpu.memref_slice %arg24[%dma_start3A_28, %dma_start3A_29] : memref<10240x16xf32, #tpu.memory_space<vmem_shared>> -> memref<10240x16xf32, #tpu.memory_space<vmem_shared>>
    tpu.enqueue_indirect_dma source(%dma_start3A_30 : memref<10240x16xf32, #tpu.memory_space<vmem_shared>>) target(%arg9 : memref<128x16xf32, #tpu.memory_space<vmem>>) offsets(%dma_start3A_27 : memref<128xi32, #tpu.memory_space<vmem>>) semaphore(%arg27 : memref<!tpu.dma_semaphore, #tpu.memory_space<semaphore_mem>>)
    %dma_start3A_31 = arith.constant 2 : i32
    %dma_start3A_32 = arith.constant 0 : i32
    %dma_start3A_33 = tpu.memref_slice %arg6[%dma_start3A_31, %dma_start3A_32] : memref<80x128xi32, #tpu.memory_space<vmem>> -> memref<1x128xi32, #tpu.memory_space<vmem>>
    %dma_start3A_34 = tpu.memref_squeeze %dma_start3A_33 : memref<1x128xi32, #tpu.memory_space<vmem>> -> memref<128xi32, #tpu.memory_space<vmem>>
    %dma_start3A_35 = arith.constant 0 : i32
    %dma_start3A_36 = arith.constant 0 : i32
    %dma_start3A_37 = tpu.memref_slice %arg24[%dma_start3A_35, %dma_start3A_36] : memref<10240x16xf32, #tpu.memory_space<vmem_shared>> -> memref<10240x16xf32, #tpu.memory_space<vmem_shared>>
    tpu.enqueue_indirect_dma source(%dma_start3A_37 : memref<10240x16xf32, #tpu.memory_space<vmem_shared>>) target(%arg10 : memref<128x16xf32, #tpu.memory_space<vmem>>) offsets(%dma_start3A_34 : memref<128xi32, #tpu.memory_space<vmem>>) semaphore(%arg28 : memref<!tpu.dma_semaphore, #tpu.memory_space<semaphore_mem>>)
    %dma_start3A_38 = arith.constant 3 : i32
    %dma_start3A_39 = arith.constant 0 : i32
    %dma_start3A_40 = tpu.memref_slice %arg6[%dma_start3A_38, %dma_start3A_39] : memref<80x128xi32, #tpu.memory_space<vmem>> -> memref<1x128xi32, #tpu.memory_space<vmem>>
    %dma_start3A_41 = tpu.memref_squeeze %dma_start3A_40 : memref<1x128xi32, #tpu.memory_space<vmem>> -> memref<128xi32, #tpu.memory_space<vmem>>
    %dma_start3A_42 = arith.constant 0 : i32
    %dma_start3A_43 = arith.constant 0 : i32
    %dma_start3A_44 = tpu.memref_slice %arg24[%dma_start3A_42, %dma_start3A_43] : memref<10240x16xf32, #tpu.memory_space<vmem_shared>> -> memref<10240x16xf32, #tpu.memory_space<vmem_shared>>
    tpu.enqueue_indirect_dma source(%dma_start3A_44 : memref<10240x16xf32, #tpu.memory_space<vmem_shared>>) target(%arg11 : memref<128x16xf32, #tpu.memory_space<vmem>>) offsets(%dma_start3A_41 : memref<128xi32, #tpu.memory_space<vmem>>) semaphore(%arg29 : memref<!tpu.dma_semaphore, #tpu.memory_space<semaphore_mem>>)
    %dma_start3A_45 = arith.constant 4 : i32
    %dma_start3A_46 = arith.constant 0 : i32
    %dma_start3A_47 = tpu.memref_slice %arg6[%dma_start3A_45, %dma_start3A_46] : memref<80x128xi32, #tpu.memory_space<vmem>> -> memref<1x128xi32, #tpu.memory_space<vmem>>
    %dma_start3A_48 = tpu.memref_squeeze %dma_start3A_47 : memref<1x128xi32, #tpu.memory_space<vmem>> -> memref<128xi32, #tpu.memory_space<vmem>>
    %dma_start3A_49 = arith.constant 0 : i32
    %dma_start3A_50 = arith.constant 0 : i32
    %dma_start3A_51 = tpu.memref_slice %arg24[%dma_start3A_49, %dma_start3A_50] : memref<10240x16xf32, #tpu.memory_space<vmem_shared>> -> memref<10240x16xf32, #tpu.memory_space<vmem_shared>>
    tpu.enqueue_indirect_dma source(%dma_start3A_51 : memref<10240x16xf32, #tpu.memory_space<vmem_shared>>) target(%arg12 : memref<128x16xf32, #tpu.memory_space<vmem>>) offsets(%dma_start3A_48 : memref<128xi32, #tpu.memory_space<vmem>>) semaphore(%arg30 : memref<!tpu.dma_semaphore, #tpu.memory_space<semaphore_mem>>)
    %dma_start3A_52 = arith.constant 5 : i32
    %dma_start3A_53 = arith.constant 0 : i32
    %dma_start3A_54 = tpu.memref_slice %arg6[%dma_start3A_52, %dma_start3A_53] : memref<80x128xi32, #tpu.memory_space<vmem>> -> memref<1x128xi32, #tpu.memory_space<vmem>>
    %dma_start3A_55 = tpu.memref_squeeze %dma_start3A_54 : memref<1x128xi32, #tpu.memory_space<vmem>> -> memref<128xi32, #tpu.memory_space<vmem>>
    %dma_start3A_56 = arith.constant 0 : i32
    %dma_start3A_57 = arith.constant 0 : i32
    %dma_start3A_58 = tpu.memref_slice %arg24[%dma_start3A_56, %dma_start3A_57] : memref<10240x16xf32, #tpu.memory_space<vmem_shared>> -> memref<10240x16xf32, #tpu.memory_space<vmem_shared>>
    tpu.enqueue_indirect_dma source(%dma_start3A_58 : memref<10240x16xf32, #tpu.memory_space<vmem_shared>>) target(%arg13 : memref<128x16xf32, #tpu.memory_space<vmem>>) offsets(%dma_start3A_55 : memref<128xi32, #tpu.memory_space<vmem>>) semaphore(%arg31 : memref<!tpu.dma_semaphore, #tpu.memory_space<semaphore_mem>>)
    %dma_start3A_59 = arith.constant 6 : i32
    %dma_start3A_60 = arith.constant 0 : i32
    %dma_start3A_61 = tpu.memref_slice %arg6[%dma_start3A_59, %dma_start3A_60] : memref<80x128xi32, #tpu.memory_space<vmem>> -> memref<1x128xi32, #tpu.memory_space<vmem>>
    %dma_start3A_62 = tpu.memref_squeeze %dma_start3A_61 : memref<1x128xi32, #tpu.memory_space<vmem>> -> memref<128xi32, #tpu.memory_space<vmem>>
    %dma_start3A_63 = arith.constant 0 : i32
    %dma_start3A_64 = arith.constant 0 : i32
    %dma_start3A_65 = tpu.memref_slice %arg24[%dma_start3A_63, %dma_start3A_64] : memref<10240x16xf32, #tpu.memory_space<vmem_shared>> -> memref<10240x16xf32, #tpu.memory_space<vmem_shared>>
    tpu.enqueue_indirect_dma source(%dma_start3A_65 : memref<10240x16xf32, #tpu.memory_space<vmem_shared>>) target(%arg14 : memref<128x16xf32, #tpu.memory_space<vmem>>) offsets(%dma_start3A_62 : memref<128xi32, #tpu.memory_space<vmem>>) semaphore(%arg32 : memref<!tpu.dma_semaphore, #tpu.memory_space<semaphore_mem>>)
    %dma_start3A_66 = arith.constant 7 : i32
    %dma_start3A_67 = arith.constant 0 : i32
    %dma_start3A_68 = tpu.memref_slice %arg6[%dma_start3A_66, %dma_start3A_67] : memref<80x128xi32, #tpu.memory_space<vmem>> -> memref<1x128xi32, #tpu.memory_space<vmem>>
    %dma_start3A_69 = tpu.memref_squeeze %dma_start3A_68 : memref<1x128xi32, #tpu.memory_space<vmem>> -> memref<128xi32, #tpu.memory_space<vmem>>
    %dma_start3A_70 = arith.constant 0 : i32
    %dma_start3A_71 = arith.constant 0 : i32
    %dma_start3A_72 = tpu.memref_slice %arg24[%dma_start3A_70, %dma_start3A_71] : memref<10240x16xf32, #tpu.memory_space<vmem_shared>> -> memref<10240x16xf32, #tpu.memory_space<vmem_shared>>
    tpu.enqueue_indirect_dma source(%dma_start3A_72 : memref<10240x16xf32, #tpu.memory_space<vmem_shared>>) target(%arg15 : memref<128x16xf32, #tpu.memory_space<vmem>>) offsets(%dma_start3A_69 : memref<128xi32, #tpu.memory_space<vmem>>) semaphore(%arg33 : memref<!tpu.dma_semaphore, #tpu.memory_space<semaphore_mem>>)
    %dma_start3A_73 = arith.constant 8 : i32
    %dma_start3A_74 = arith.constant 0 : i32
    %dma_start3A_75 = tpu.memref_slice %arg6[%dma_start3A_73, %dma_start3A_74] : memref<80x128xi32, #tpu.memory_space<vmem>> -> memref<1x128xi32, #tpu.memory_space<vmem>>
    %dma_start3A_76 = tpu.memref_squeeze %dma_start3A_75 : memref<1x128xi32, #tpu.memory_space<vmem>> -> memref<128xi32, #tpu.memory_space<vmem>>
    %dma_start3A_77 = arith.constant 0 : i32
    %dma_start3A_78 = arith.constant 0 : i32
    %dma_start3A_79 = tpu.memref_slice %arg24[%dma_start3A_77, %dma_start3A_78] : memref<10240x16xf32, #tpu.memory_space<vmem_shared>> -> memref<10240x16xf32, #tpu.memory_space<vmem_shared>>
    tpu.enqueue_indirect_dma source(%dma_start3A_79 : memref<10240x16xf32, #tpu.memory_space<vmem_shared>>) target(%arg16 : memref<128x16xf32, #tpu.memory_space<vmem>>) offsets(%dma_start3A_76 : memref<128xi32, #tpu.memory_space<vmem>>) semaphore(%arg34 : memref<!tpu.dma_semaphore, #tpu.memory_space<semaphore_mem>>)
    %dma_start3A_80 = arith.constant 9 : i32
    %dma_start3A_81 = arith.constant 0 : i32
    %dma_start3A_82 = tpu.memref_slice %arg6[%dma_start3A_80, %dma_start3A_81] : memref<80x128xi32, #tpu.memory_space<vmem>> -> memref<1x128xi32, #tpu.memory_space<vmem>>
    %dma_start3A_83 = tpu.memref_squeeze %dma_start3A_82 : memref<1x128xi32, #tpu.memory_space<vmem>> -> memref<128xi32, #tpu.memory_space<vmem>>
    %dma_start3A_84 = arith.constant 0 : i32
    %dma_start3A_85 = arith.constant 0 : i32
    %dma_start3A_86 = tpu.memref_slice %arg24[%dma_start3A_84, %dma_start3A_85] : memref<10240x16xf32, #tpu.memory_space<vmem_shared>> -> memref<10240x16xf32, #tpu.memory_space<vmem_shared>>
    tpu.enqueue_indirect_dma source(%dma_start3A_86 : memref<10240x16xf32, #tpu.memory_space<vmem_shared>>) target(%arg17 : memref<128x16xf32, #tpu.memory_space<vmem>>) offsets(%dma_start3A_83 : memref<128xi32, #tpu.memory_space<vmem>>) semaphore(%arg35 : memref<!tpu.dma_semaphore, #tpu.memory_space<semaphore_mem>>)
    %dma_start3A_87 = arith.constant 10 : i32
    %dma_start3A_88 = arith.constant 0 : i32
    %dma_start3A_89 = tpu.memref_slice %arg6[%dma_start3A_87, %dma_start3A_88] : memref<80x128xi32, #tpu.memory_space<vmem>> -> memref<1x128xi32, #tpu.memory_space<vmem>>
    %dma_start3A_90 = tpu.memref_squeeze %dma_start3A_89 : memref<1x128xi32, #tpu.memory_space<vmem>> -> memref<128xi32, #tpu.memory_space<vmem>>
    %dma_start3A_91 = arith.constant 0 : i32
    %dma_start3A_92 = arith.constant 0 : i32
    %dma_start3A_93 = tpu.memref_slice %arg24[%dma_start3A_91, %dma_start3A_92] : memref<10240x16xf32, #tpu.memory_space<vmem_shared>> -> memref<10240x16xf32, #tpu.memory_space<vmem_shared>>
    tpu.enqueue_indirect_dma source(%dma_start3A_93 : memref<10240x16xf32, #tpu.memory_space<vmem_shared>>) target(%arg18 : memref<128x16xf32, #tpu.memory_space<vmem>>) offsets(%dma_start3A_90 : memref<128xi32, #tpu.memory_space<vmem>>) semaphore(%arg36 : memref<!tpu.dma_semaphore, #tpu.memory_space<semaphore_mem>>)
    %dma_start3A_94 = arith.constant 11 : i32
    %dma_start3A_95 = arith.constant 0 : i32
    %dma_start3A_96 = tpu.memref_slice %arg6[%dma_start3A_94, %dma_start3A_95] : memref<80x128xi32, #tpu.memory_space<vmem>> -> memref<1x128xi32, #tpu.memory_space<vmem>>
    %dma_start3A_97 = tpu.memref_squeeze %dma_start3A_96 : memref<1x128xi32, #tpu.memory_space<vmem>> -> memref<128xi32, #tpu.memory_space<vmem>>
    %dma_start3A_98 = arith.constant 0 : i32
    %dma_start3A_99 = arith.constant 0 : i32
    %dma_start3A_100 = tpu.memref_slice %arg24[%dma_start3A_98, %dma_start3A_99] : memref<10240x16xf32, #tpu.memory_space<vmem_shared>> -> memref<10240x16xf32, #tpu.memory_space<vmem_shared>>
    tpu.enqueue_indirect_dma source(%dma_start3A_100 : memref<10240x16xf32, #tpu.memory_space<vmem_shared>>) target(%arg19 : memref<128x16xf32, #tpu.memory_space<vmem>>) offsets(%dma_start3A_97 : memref<128xi32, #tpu.memory_space<vmem>>) semaphore(%arg37 : memref<!tpu.dma_semaphore, #tpu.memory_space<semaphore_mem>>)
    %dma_start3A_101 = arith.constant 12 : i32
    %dma_start3A_102 = arith.constant 0 : i32
    %dma_start3A_103 = tpu.memref_slice %arg6[%dma_start3A_101, %dma_start3A_102] : memref<80x128xi32, #tpu.memory_space<vmem>> -> memref<1x128xi32, #tpu.memory_space<vmem>>
    %dma_start3A_104 = tpu.memref_squeeze %dma_start3A_103 : memref<1x128xi32, #tpu.memory_space<vmem>> -> memref<128xi32, #tpu.memory_space<vmem>>
    %dma_start3A_105 = arith.constant 0 : i32
    %dma_start3A_106 = arith.constant 0 : i32
    %dma_start3A_107 = tpu.memref_slice %arg24[%dma_start3A_105, %dma_start3A_106] : memref<10240x16xf32, #tpu.memory_space<vmem_shared>> -> memref<10240x16xf32, #tpu.memory_space<vmem_shared>>
    tpu.enqueue_indirect_dma source(%dma_start3A_107 : memref<10240x16xf32, #tpu.memory_space<vmem_shared>>) target(%arg20 : memref<128x16xf32, #tpu.memory_space<vmem>>) offsets(%dma_start3A_104 : memref<128xi32, #tpu.memory_space<vmem>>) semaphore(%arg38 : memref<!tpu.dma_semaphore, #tpu.memory_space<semaphore_mem>>)
    %dma_start3A_108 = arith.constant 13 : i32
    %dma_start3A_109 = arith.constant 0 : i32
    %dma_start3A_110 = tpu.memref_slice %arg6[%dma_start3A_108, %dma_start3A_109] : memref<80x128xi32, #tpu.memory_space<vmem>> -> memref<1x128xi32, #tpu.memory_space<vmem>>
    %dma_start3A_111 = tpu.memref_squeeze %dma_start3A_110 : memref<1x128xi32, #tpu.memory_space<vmem>> -> memref<128xi32, #tpu.memory_space<vmem>>
    %dma_start3A_112 = arith.constant 0 : i32
    %dma_start3A_113 = arith.constant 0 : i32
    %dma_start3A_114 = tpu.memref_slice %arg24[%dma_start3A_112, %dma_start3A_113] : memref<10240x16xf32, #tpu.memory_space<vmem_shared>> -> memref<10240x16xf32, #tpu.memory_space<vmem_shared>>
    tpu.enqueue_indirect_dma source(%dma_start3A_114 : memref<10240x16xf32, #tpu.memory_space<vmem_shared>>) target(%arg21 : memref<128x16xf32, #tpu.memory_space<vmem>>) offsets(%dma_start3A_111 : memref<128xi32, #tpu.memory_space<vmem>>) semaphore(%arg39 : memref<!tpu.dma_semaphore, #tpu.memory_space<semaphore_mem>>)
    %dma_start3A_115 = arith.constant 14 : i32
    %dma_start3A_116 = arith.constant 0 : i32
    %dma_start3A_117 = tpu.memref_slice %arg6[%dma_start3A_115, %dma_start3A_116] : memref<80x128xi32, #tpu.memory_space<vmem>> -> memref<1x128xi32, #tpu.memory_space<vmem>>
    %dma_start3A_118 = tpu.memref_squeeze %dma_start3A_117 : memref<1x128xi32, #tpu.memory_space<vmem>> -> memref<128xi32, #tpu.memory_space<vmem>>
    %dma_start3A_119 = arith.constant 0 : i32
    %dma_start3A_120 = arith.constant 0 : i32
    %dma_start3A_121 = tpu.memref_slice %arg24[%dma_start3A_119, %dma_start3A_120] : memref<10240x16xf32, #tpu.memory_space<vmem_shared>> -> memref<10240x16xf32, #tpu.memory_space<vmem_shared>>
    tpu.enqueue_indirect_dma source(%dma_start3A_121 : memref<10240x16xf32, #tpu.memory_space<vmem_shared>>) target(%arg22 : memref<128x16xf32, #tpu.memory_space<vmem>>) offsets(%dma_start3A_118 : memref<128xi32, #tpu.memory_space<vmem>>) semaphore(%arg40 : memref<!tpu.dma_semaphore, #tpu.memory_space<semaphore_mem>>)
    %dma_start3A_122 = arith.constant 15 : i32
    %dma_start3A_123 = arith.constant 0 : i32
    %dma_start3A_124 = tpu.memref_slice %arg6[%dma_start3A_122, %dma_start3A_123] : memref<80x128xi32, #tpu.memory_space<vmem>> -> memref<1x128xi32, #tpu.memory_space<vmem>>
    %dma_start3A_125 = tpu.memref_squeeze %dma_start3A_124 : memref<1x128xi32, #tpu.memory_space<vmem>> -> memref<128xi32, #tpu.memory_space<vmem>>
    %dma_start3A_126 = arith.constant 0 : i32
    %dma_start3A_127 = arith.constant 0 : i32
    %dma_start3A_128 = tpu.memref_slice %arg24[%dma_start3A_126, %dma_start3A_127] : memref<10240x16xf32, #tpu.memory_space<vmem_shared>> -> memref<10240x16xf32, #tpu.memory_space<vmem_shared>>
    tpu.enqueue_indirect_dma source(%dma_start3A_128 : memref<10240x16xf32, #tpu.memory_space<vmem_shared>>) target(%arg23 : memref<128x16xf32, #tpu.memory_space<vmem>>) offsets(%dma_start3A_125 : memref<128xi32, #tpu.memory_space<vmem>>) semaphore(%arg41 : memref<!tpu.dma_semaphore, #tpu.memory_space<semaphore_mem>>)
    %scan3A_129 = arith.constant 0 : i32
    %scan3A_130 = arith.constant 0 : i32
    %scan3A_131 = arith.constant 5 : i32
    %scan3A_132 = arith.addi %scan3A_130, %scan3A_131 : i32
    %scan3A_133 = arith.constant 1 : i32
    %scan3A_134 = scf.for %scan3A_248 = %scan3A_130 to %scan3A_132 step %scan3A_133 iter_args(%scan3A_249 = %scan3A_129) -> (i32)  : i32 {
      %mul3A_250 = arith.constant 16 : i32
      %mul3A_251 = arith.muli %scan3A_248, %mul3A_250 : i32
      %add3A_252 = arith.constant 0 : i32
      %add3A_253 = arith.addi %mul3A_251, %add3A_252 : i32
      %dma_wait3A_254 = arith.constant 0 : i32
      %dma_wait3A_255 = tpu.memref_slice %arg6[%add3A_253, %dma_wait3A_254] : memref<80x128xi32, #tpu.memory_space<vmem>> -> memref<1x128xi32, #tpu.memory_space<vmem>>
      %dma_wait3A_256 = tpu.memref_squeeze %dma_wait3A_255 : memref<1x128xi32, #tpu.memory_space<vmem>> -> memref<128xi32, #tpu.memory_space<vmem>>
      %dma_wait3A_257 = arith.constant 0 : i32
      %dma_wait3A_258 = arith.constant 0 : i32
      %dma_wait3A_259 = tpu.memref_slice %arg24[%dma_wait3A_257, %dma_wait3A_258] : memref<10240x16xf32, #tpu.memory_space<vmem_shared>> -> memref<10240x16xf32, #tpu.memory_space<vmem_shared>>
      tpu.wait_indirect_dma semaphore(%arg26 : memref<!tpu.dma_semaphore, #tpu.memory_space<semaphore_mem>>) src(%dma_wait3A_259 : memref<10240x16xf32, #tpu.memory_space<vmem_shared>>) dst(%arg8 : memref<128x16xf32, #tpu.memory_space<vmem>>)
      %add3A_260 = arith.constant 0 : i32
      %add3A_261 = arith.addi %mul3A_251, %add3A_260 : i32
      "tpu.region"() ({
        %run_scoped3A = tpu.sem_alloc : memref<!tpu.dma_semaphore, #tpu.memory_space<semaphore_mem>>
        %dma_start3A_604 = arith.constant 0 : i32
        %dma_start3A_605 = tpu.memref_slice %arg7[%add3A_261, %dma_start3A_604] : memref<80x128xi32, #tpu.memory_space<vmem>> -> memref<1x128xi32, #tpu.memory_space<vmem>>
        %dma_start3A_606 = tpu.memref_squeeze %dma_start3A_605 : memref<1x128xi32, #tpu.memory_space<vmem>> -> memref<128xi32, #tpu.memory_space<vmem>>
        %dma_start3A_607 = arith.constant 0 : i32
        %dma_start3A_608 = arith.constant 0 : i32
        %dma_start3A_609 = tpu.memref_slice %arg25[%dma_start3A_607, %dma_start3A_608] : memref<10240x16xf32, #tpu.memory_space<vmem_shared>> -> memref<10240x16xf32, #tpu.memory_space<vmem_shared>>
        tpu.enqueue_indirect_dma source(%arg8 : memref<128x16xf32, #tpu.memory_space<vmem>>) target(%dma_start3A_609 : memref<10240x16xf32, #tpu.memory_space<vmem_shared>>) offsets(%dma_start3A_606 : memref<128xi32, #tpu.memory_space<vmem>>) semaphore(%run_scoped3A : memref<!tpu.dma_semaphore, #tpu.memory_space<semaphore_mem>>) {add = true}
        %dma_wait3A_610 = arith.constant 0 : i32
        %dma_wait3A_611 = tpu.memref_slice %arg7[%add3A_261, %dma_wait3A_610] : memref<80x128xi32, #tpu.memory_space<vmem>> -> memref<1x128xi32, #tpu.memory_space<vmem>>
        %dma_wait3A_612 = tpu.memref_squeeze %dma_wait3A_611 : memref<1x128xi32, #tpu.memory_space<vmem>> -> memref<128xi32, #tpu.memory_space<vmem>>
        %dma_wait3A_613 = arith.constant 0 : i32
        %dma_wait3A_614 = arith.constant 0 : i32
        %dma_wait3A_615 = tpu.memref_slice %arg25[%dma_wait3A_613, %dma_wait3A_614] : memref<10240x16xf32, #tpu.memory_space<vmem_shared>> -> memref<10240x16xf32, #tpu.memory_space<vmem_shared>>
        tpu.wait_indirect_dma semaphore(%run_scoped3A : memref<!tpu.dma_semaphore, #tpu.memory_space<semaphore_mem>>) src(%arg8 : memref<128x16xf32, #tpu.memory_space<vmem>>) dst(%dma_wait3A_615 : memref<10240x16xf32, #tpu.memory_space<vmem_shared>>)
        tpu.yield
      }) : () -> ()
      %add3A_262 = arith.constant 16 : i32
      %add3A_263 = arith.addi %mul3A_251, %add3A_262 : i32
      %add3A_264 = arith.constant 0 : i32
      %add3A_265 = arith.addi %add3A_263, %add3A_264 : i32
      %min3A = arith.constant 79 : i32
      %min3A_266 = arith.minsi %add3A_265, %min3A : i32
      %dma_start3A_267 = arith.constant 0 : i32
      %dma_start3A_268 = tpu.memref_slice %arg6[%min3A_266, %dma_start3A_267] : memref<80x128xi32, #tpu.memory_space<vmem>> -> memref<1x128xi32, #tpu.memory_space<vmem>>
      %dma_start3A_269 = tpu.memref_squeeze %dma_start3A_268 : memref<1x128xi32, #tpu.memory_space<vmem>> -> memref<128xi32, #tpu.memory_space<vmem>>
      %dma_start3A_270 = arith.constant 0 : i32
      %dma_start3A_271 = arith.constant 0 : i32
      %dma_start3A_272 = tpu.memref_slice %arg24[%dma_start3A_270, %dma_start3A_271] : memref<10240x16xf32, #tpu.memory_space<vmem_shared>> -> memref<10240x16xf32, #tpu.memory_space<vmem_shared>>
      tpu.enqueue_indirect_dma source(%dma_start3A_272 : memref<10240x16xf32, #tpu.memory_space<vmem_shared>>) target(%arg8 : memref<128x16xf32, #tpu.memory_space<vmem>>) offsets(%dma_start3A_269 : memref<128xi32, #tpu.memory_space<vmem>>) semaphore(%arg26 : memref<!tpu.dma_semaphore, #tpu.memory_space<semaphore_mem>>)
      %add3A_273 = arith.constant 1 : i32
      %add3A_274 = arith.addi %mul3A_251, %add3A_273 : i32
      %dma_wait3A_275 = arith.constant 0 : i32
      %dma_wait3A_276 = tpu.memref_slice %arg6[%add3A_274, %dma_wait3A_275] : memref<80x128xi32, #tpu.memory_space<vmem>> -> memref<1x128xi32, #tpu.memory_space<vmem>>
      %dma_wait3A_277 = tpu.memref_squeeze %dma_wait3A_276 : memref<1x128xi32, #tpu.memory_space<vmem>> -> memref<128xi32, #tpu.memory_space<vmem>>
      %dma_wait3A_278 = arith.constant 0 : i32
      %dma_wait3A_279 = arith.constant 0 : i32
      %dma_wait3A_280 = tpu.memref_slice %arg24[%dma_wait3A_278, %dma_wait3A_279] : memref<10240x16xf32, #tpu.memory_space<vmem_shared>> -> memref<10240x16xf32, #tpu.memory_space<vmem_shared>>
      tpu.wait_indirect_dma semaphore(%arg27 : memref<!tpu.dma_semaphore, #tpu.memory_space<semaphore_mem>>) src(%dma_wait3A_280 : memref<10240x16xf32, #tpu.memory_space<vmem_shared>>) dst(%arg9 : memref<128x16xf32, #tpu.memory_space<vmem>>)
      %add3A_281 = arith.constant 1 : i32
      %add3A_282 = arith.addi %mul3A_251, %add3A_281 : i32
      "tpu.region"() ({
        %run_scoped3A = tpu.sem_alloc : memref<!tpu.dma_semaphore, #tpu.memory_space<semaphore_mem>>
        %dma_start3A_604 = arith.constant 0 : i32
        %dma_start3A_605 = tpu.memref_slice %arg7[%add3A_282, %dma_start3A_604] : memref<80x128xi32, #tpu.memory_space<vmem>> -> memref<1x128xi32, #tpu.memory_space<vmem>>
        %dma_start3A_606 = tpu.memref_squeeze %dma_start3A_605 : memref<1x128xi32, #tpu.memory_space<vmem>> -> memref<128xi32, #tpu.memory_space<vmem>>
        %dma_start3A_607 = arith.constant 0 : i32
        %dma_start3A_608 = arith.constant 0 : i32
        %dma_start3A_609 = tpu.memref_slice %arg25[%dma_start3A_607, %dma_start3A_608] : memref<10240x16xf32, #tpu.memory_space<vmem_shared>> -> memref<10240x16xf32, #tpu.memory_space<vmem_shared>>
        tpu.enqueue_indirect_dma source(%arg9 : memref<128x16xf32, #tpu.memory_space<vmem>>) target(%dma_start3A_609 : memref<10240x16xf32, #tpu.memory_space<vmem_shared>>) offsets(%dma_start3A_606 : memref<128xi32, #tpu.memory_space<vmem>>) semaphore(%run_scoped3A : memref<!tpu.dma_semaphore, #tpu.memory_space<semaphore_mem>>) {add = true}
        %dma_wait3A_610 = arith.constant 0 : i32
        %dma_wait3A_611 = tpu.memref_slice %arg7[%add3A_282, %dma_wait3A_610] : memref<80x128xi32, #tpu.memory_space<vmem>> -> memref<1x128xi32, #tpu.memory_space<vmem>>
        %dma_wait3A_612 = tpu.memref_squeeze %dma_wait3A_611 : memref<1x128xi32, #tpu.memory_space<vmem>> -> memref<128xi32, #tpu.memory_space<vmem>>
        %dma_wait3A_613 = arith.constant 0 : i32
        %dma_wait3A_614 = arith.constant 0 : i32
        %dma_wait3A_615 = tpu.memref_slice %arg25[%dma_wait3A_613, %dma_wait3A_614] : memref<10240x16xf32, #tpu.memory_space<vmem_shared>> -> memref<10240x16xf32, #tpu.memory_space<vmem_shared>>
        tpu.wait_indirect_dma semaphore(%run_scoped3A : memref<!tpu.dma_semaphore, #tpu.memory_space<semaphore_mem>>) src(%arg9 : memref<128x16xf32, #tpu.memory_space<vmem>>) dst(%dma_wait3A_615 : memref<10240x16xf32, #tpu.memory_space<vmem_shared>>)
        tpu.yield
      }) : () -> ()
      %add3A_283 = arith.constant 16 : i32
      %add3A_284 = arith.addi %mul3A_251, %add3A_283 : i32
      %add3A_285 = arith.constant 1 : i32
      %add3A_286 = arith.addi %add3A_284, %add3A_285 : i32
      %min3A_287 = arith.constant 79 : i32
      %min3A_288 = arith.minsi %add3A_286, %min3A_287 : i32
      %dma_start3A_289 = arith.constant 0 : i32
      %dma_start3A_290 = tpu.memref_slice %arg6[%min3A_288, %dma_start3A_289] : memref<80x128xi32, #tpu.memory_space<vmem>> -> memref<1x128xi32, #tpu.memory_space<vmem>>
      %dma_start3A_291 = tpu.memref_squeeze %dma_start3A_290 : memref<1x128xi32, #tpu.memory_space<vmem>> -> memref<128xi32, #tpu.memory_space<vmem>>
      %dma_start3A_292 = arith.constant 0 : i32
      %dma_start3A_293 = arith.constant 0 : i32
      %dma_start3A_294 = tpu.memref_slice %arg24[%dma_start3A_292, %dma_start3A_293] : memref<10240x16xf32, #tpu.memory_space<vmem_shared>> -> memref<10240x16xf32, #tpu.memory_space<vmem_shared>>
      tpu.enqueue_indirect_dma source(%dma_start3A_294 : memref<10240x16xf32, #tpu.memory_space<vmem_shared>>) target(%arg9 : memref<128x16xf32, #tpu.memory_space<vmem>>) offsets(%dma_start3A_291 : memref<128xi32, #tpu.memory_space<vmem>>) semaphore(%arg27 : memref<!tpu.dma_semaphore, #tpu.memory_space<semaphore_mem>>)
      %add3A_295 = arith.constant 2 : i32
      %add3A_296 = arith.addi %mul3A_251, %add3A_295 : i32
      %dma_wait3A_297 = arith.constant 0 : i32
      %dma_wait3A_298 = tpu.memref_slice %arg6[%add3A_296, %dma_wait3A_297] : memref<80x128xi32, #tpu.memory_space<vmem>> -> memref<1x128xi32, #tpu.memory_space<vmem>>
      %dma_wait3A_299 = tpu.memref_squeeze %dma_wait3A_298 : memref<1x128xi32, #tpu.memory_space<vmem>> -> memref<128xi32, #tpu.memory_space<vmem>>
      %dma_wait3A_300 = arith.constant 0 : i32
      %dma_wait3A_301 = arith.constant 0 : i32
      %dma_wait3A_302 = tpu.memref_slice %arg24[%dma_wait3A_300, %dma_wait3A_301] : memref<10240x16xf32, #tpu.memory_space<vmem_shared>> -> memref<10240x16xf32, #tpu.memory_space<vmem_shared>>
      tpu.wait_indirect_dma semaphore(%arg28 : memref<!tpu.dma_semaphore, #tpu.memory_space<semaphore_mem>>) src(%dma_wait3A_302 : memref<10240x16xf32, #tpu.memory_space<vmem_shared>>) dst(%arg10 : memref<128x16xf32, #tpu.memory_space<vmem>>)
      %add3A_303 = arith.constant 2 : i32
      %add3A_304 = arith.addi %mul3A_251, %add3A_303 : i32
      "tpu.region"() ({
        %run_scoped3A = tpu.sem_alloc : memref<!tpu.dma_semaphore, #tpu.memory_space<semaphore_mem>>
        %dma_start3A_604 = arith.constant 0 : i32
        %dma_start3A_605 = tpu.memref_slice %arg7[%add3A_304, %dma_start3A_604] : memref<80x128xi32, #tpu.memory_space<vmem>> -> memref<1x128xi32, #tpu.memory_space<vmem>>
        %dma_start3A_606 = tpu.memref_squeeze %dma_start3A_605 : memref<1x128xi32, #tpu.memory_space<vmem>> -> memref<128xi32, #tpu.memory_space<vmem>>
        %dma_start3A_607 = arith.constant 0 : i32
        %dma_start3A_608 = arith.constant 0 : i32
        %dma_start3A_609 = tpu.memref_slice %arg25[%dma_start3A_607, %dma_start3A_608] : memref<10240x16xf32, #tpu.memory_space<vmem_shared>> -> memref<10240x16xf32, #tpu.memory_space<vmem_shared>>
        tpu.enqueue_indirect_dma source(%arg10 : memref<128x16xf32, #tpu.memory_space<vmem>>) target(%dma_start3A_609 : memref<10240x16xf32, #tpu.memory_space<vmem_shared>>) offsets(%dma_start3A_606 : memref<128xi32, #tpu.memory_space<vmem>>) semaphore(%run_scoped3A : memref<!tpu.dma_semaphore, #tpu.memory_space<semaphore_mem>>) {add = true}
        %dma_wait3A_610 = arith.constant 0 : i32
        %dma_wait3A_611 = tpu.memref_slice %arg7[%add3A_304, %dma_wait3A_610] : memref<80x128xi32, #tpu.memory_space<vmem>> -> memref<1x128xi32, #tpu.memory_space<vmem>>
        %dma_wait3A_612 = tpu.memref_squeeze %dma_wait3A_611 : memref<1x128xi32, #tpu.memory_space<vmem>> -> memref<128xi32, #tpu.memory_space<vmem>>
        %dma_wait3A_613 = arith.constant 0 : i32
        %dma_wait3A_614 = arith.constant 0 : i32
        %dma_wait3A_615 = tpu.memref_slice %arg25[%dma_wait3A_613, %dma_wait3A_614] : memref<10240x16xf32, #tpu.memory_space<vmem_shared>> -> memref<10240x16xf32, #tpu.memory_space<vmem_shared>>
        tpu.wait_indirect_dma semaphore(%run_scoped3A : memref<!tpu.dma_semaphore, #tpu.memory_space<semaphore_mem>>) src(%arg10 : memref<128x16xf32, #tpu.memory_space<vmem>>) dst(%dma_wait3A_615 : memref<10240x16xf32, #tpu.memory_space<vmem_shared>>)
        tpu.yield
      }) : () -> ()
      %add3A_305 = arith.constant 16 : i32
      %add3A_306 = arith.addi %mul3A_251, %add3A_305 : i32
      %add3A_307 = arith.constant 2 : i32
      %add3A_308 = arith.addi %add3A_306, %add3A_307 : i32
      %min3A_309 = arith.constant 79 : i32
      %min3A_310 = arith.minsi %add3A_308, %min3A_309 : i32
      %dma_start3A_311 = arith.constant 0 : i32
      %dma_start3A_312 = tpu.memref_slice %arg6[%min3A_310, %dma_start3A_311] : memref<80x128xi32, #tpu.memory_space<vmem>> -> memref<1x128xi32, #tpu.memory_space<vmem>>
      %dma_start3A_313 = tpu.memref_squeeze %dma_start3A_312 : memref<1x128xi32, #tpu.memory_space<vmem>> -> memref<128xi32, #tpu.memory_space<vmem>>
      %dma_start3A_314 = arith.constant 0 : i32
      %dma_start3A_315 = arith.constant 0 : i32
      %dma_start3A_316 = tpu.memref_slice %arg24[%dma_start3A_314, %dma_start3A_315] : memref<10240x16xf32, #tpu.memory_space<vmem_shared>> -> memref<10240x16xf32, #tpu.memory_space<vmem_shared>>
      tpu.enqueue_indirect_dma source(%dma_start3A_316 : memref<10240x16xf32, #tpu.memory_space<vmem_shared>>) target(%arg10 : memref<128x16xf32, #tpu.memory_space<vmem>>) offsets(%dma_start3A_313 : memref<128xi32, #tpu.memory_space<vmem>>) semaphore(%arg28 : memref<!tpu.dma_semaphore, #tpu.memory_space<semaphore_mem>>)
      %add3A_317 = arith.constant 3 : i32
      %add3A_318 = arith.addi %mul3A_251, %add3A_317 : i32
      %dma_wait3A_319 = arith.constant 0 : i32
      %dma_wait3A_320 = tpu.memref_slice %arg6[%add3A_318, %dma_wait3A_319] : memref<80x128xi32, #tpu.memory_space<vmem>> -> memref<1x128xi32, #tpu.memory_space<vmem>>
      %dma_wait3A_321 = tpu.memref_squeeze %dma_wait3A_320 : memref<1x128xi32, #tpu.memory_space<vmem>> -> memref<128xi32, #tpu.memory_space<vmem>>
      %dma_wait3A_322 = arith.constant 0 : i32
      %dma_wait3A_323 = arith.constant 0 : i32
      %dma_wait3A_324 = tpu.memref_slice %arg24[%dma_wait3A_322, %dma_wait3A_323] : memref<10240x16xf32, #tpu.memory_space<vmem_shared>> -> memref<10240x16xf32, #tpu.memory_space<vmem_shared>>
      tpu.wait_indirect_dma semaphore(%arg29 : memref<!tpu.dma_semaphore, #tpu.memory_space<semaphore_mem>>) src(%dma_wait3A_324 : memref<10240x16xf32, #tpu.memory_space<vmem_shared>>) dst(%arg11 : memref<128x16xf32, #tpu.memory_space<vmem>>)
      %add3A_325 = arith.constant 3 : i32
      %add3A_326 = arith.addi %mul3A_251, %add3A_325 : i32
      "tpu.region"() ({
        %run_scoped3A = tpu.sem_alloc : memref<!tpu.dma_semaphore, #tpu.memory_space<semaphore_mem>>
        %dma_start3A_604 = arith.constant 0 : i32
        %dma_start3A_605 = tpu.memref_slice %arg7[%add3A_326, %dma_start3A_604] : memref<80x128xi32, #tpu.memory_space<vmem>> -> memref<1x128xi32, #tpu.memory_space<vmem>>
        %dma_start3A_606 = tpu.memref_squeeze %dma_start3A_605 : memref<1x128xi32, #tpu.memory_space<vmem>> -> memref<128xi32, #tpu.memory_space<vmem>>
        %dma_start3A_607 = arith.constant 0 : i32
        %dma_start3A_608 = arith.constant 0 : i32
        %dma_start3A_609 = tpu.memref_slice %arg25[%dma_start3A_607, %dma_start3A_608] : memref<10240x16xf32, #tpu.memory_space<vmem_shared>> -> memref<10240x16xf32, #tpu.memory_space<vmem_shared>>
        tpu.enqueue_indirect_dma source(%arg11 : memref<128x16xf32, #tpu.memory_space<vmem>>) target(%dma_start3A_609 : memref<10240x16xf32, #tpu.memory_space<vmem_shared>>) offsets(%dma_start3A_606 : memref<128xi32, #tpu.memory_space<vmem>>) semaphore(%run_scoped3A : memref<!tpu.dma_semaphore, #tpu.memory_space<semaphore_mem>>) {add = true}
        %dma_wait3A_610 = arith.constant 0 : i32
        %dma_wait3A_611 = tpu.memref_slice %arg7[%add3A_326, %dma_wait3A_610] : memref<80x128xi32, #tpu.memory_space<vmem>> -> memref<1x128xi32, #tpu.memory_space<vmem>>
        %dma_wait3A_612 = tpu.memref_squeeze %dma_wait3A_611 : memref<1x128xi32, #tpu.memory_space<vmem>> -> memref<128xi32, #tpu.memory_space<vmem>>
        %dma_wait3A_613 = arith.constant 0 : i32
        %dma_wait3A_614 = arith.constant 0 : i32
        %dma_wait3A_615 = tpu.memref_slice %arg25[%dma_wait3A_613, %dma_wait3A_614] : memref<10240x16xf32, #tpu.memory_space<vmem_shared>> -> memref<10240x16xf32, #tpu.memory_space<vmem_shared>>
        tpu.wait_indirect_dma semaphore(%run_scoped3A : memref<!tpu.dma_semaphore, #tpu.memory_space<semaphore_mem>>) src(%arg11 : memref<128x16xf32, #tpu.memory_space<vmem>>) dst(%dma_wait3A_615 : memref<10240x16xf32, #tpu.memory_space<vmem_shared>>)
        tpu.yield
      }) : () -> ()
      %add3A_327 = arith.constant 16 : i32
      %add3A_328 = arith.addi %mul3A_251, %add3A_327 : i32
      %add3A_329 = arith.constant 3 : i32
      %add3A_330 = arith.addi %add3A_328, %add3A_329 : i32
      %min3A_331 = arith.constant 79 : i32
      %min3A_332 = arith.minsi %add3A_330, %min3A_331 : i32
      %dma_start3A_333 = arith.constant 0 : i32
      %dma_start3A_334 = tpu.memref_slice %arg6[%min3A_332, %dma_start3A_333] : memref<80x128xi32, #tpu.memory_space<vmem>> -> memref<1x128xi32, #tpu.memory_space<vmem>>
      %dma_start3A_335 = tpu.memref_squeeze %dma_start3A_334 : memref<1x128xi32, #tpu.memory_space<vmem>> -> memref<128xi32, #tpu.memory_space<vmem>>
      %dma_start3A_336 = arith.constant 0 : i32
      %dma_start3A_337 = arith.constant 0 : i32
      %dma_start3A_338 = tpu.memref_slice %arg24[%dma_start3A_336, %dma_start3A_337] : memref<10240x16xf32, #tpu.memory_space<vmem_shared>> -> memref<10240x16xf32, #tpu.memory_space<vmem_shared>>
      tpu.enqueue_indirect_dma source(%dma_start3A_338 : memref<10240x16xf32, #tpu.memory_space<vmem_shared>>) target(%arg11 : memref<128x16xf32, #tpu.memory_space<vmem>>) offsets(%dma_start3A_335 : memref<128xi32, #tpu.memory_space<vmem>>) semaphore(%arg29 : memref<!tpu.dma_semaphore, #tpu.memory_space<semaphore_mem>>)
      %add3A_339 = arith.constant 4 : i32
      %add3A_340 = arith.addi %mul3A_251, %add3A_339 : i32
      %dma_wait3A_341 = arith.constant 0 : i32
      %dma_wait3A_342 = tpu.memref_slice %arg6[%add3A_340, %dma_wait3A_341] : memref<80x128xi32, #tpu.memory_space<vmem>> -> memref<1x128xi32, #tpu.memory_space<vmem>>
      %dma_wait3A_343 = tpu.memref_squeeze %dma_wait3A_342 : memref<1x128xi32, #tpu.memory_space<vmem>> -> memref<128xi32, #tpu.memory_space<vmem>>
      %dma_wait3A_344 = arith.constant 0 : i32
      %dma_wait3A_345 = arith.constant 0 : i32
      %dma_wait3A_346 = tpu.memref_slice %arg24[%dma_wait3A_344, %dma_wait3A_345] : memref<10240x16xf32, #tpu.memory_space<vmem_shared>> -> memref<10240x16xf32, #tpu.memory_space<vmem_shared>>
      tpu.wait_indirect_dma semaphore(%arg30 : memref<!tpu.dma_semaphore, #tpu.memory_space<semaphore_mem>>) src(%dma_wait3A_346 : memref<10240x16xf32, #tpu.memory_space<vmem_shared>>) dst(%arg12 : memref<128x16xf32, #tpu.memory_space<vmem>>)
      %add3A_347 = arith.constant 4 : i32
      %add3A_348 = arith.addi %mul3A_251, %add3A_347 : i32
      "tpu.region"() ({
        %run_scoped3A = tpu.sem_alloc : memref<!tpu.dma_semaphore, #tpu.memory_space<semaphore_mem>>
        %dma_start3A_604 = arith.constant 0 : i32
        %dma_start3A_605 = tpu.memref_slice %arg7[%add3A_348, %dma_start3A_604] : memref<80x128xi32, #tpu.memory_space<vmem>> -> memref<1x128xi32, #tpu.memory_space<vmem>>
        %dma_start3A_606 = tpu.memref_squeeze %dma_start3A_605 : memref<1x128xi32, #tpu.memory_space<vmem>> -> memref<128xi32, #tpu.memory_space<vmem>>
        %dma_start3A_607 = arith.constant 0 : i32
        %dma_start3A_608 = arith.constant 0 : i32
        %dma_start3A_609 = tpu.memref_slice %arg25[%dma_start3A_607, %dma_start3A_608] : memref<10240x16xf32, #tpu.memory_space<vmem_shared>> -> memref<10240x16xf32, #tpu.memory_space<vmem_shared>>
        tpu.enqueue_indirect_dma source(%arg12 : memref<128x16xf32, #tpu.memory_space<vmem>>) target(%dma_start3A_609 : memref<10240x16xf32, #tpu.memory_space<vmem_shared>>) offsets(%dma_start3A_606 : memref<128xi32, #tpu.memory_space<vmem>>) semaphore(%run_scoped3A : memref<!tpu.dma_semaphore, #tpu.memory_space<semaphore_mem>>) {add = true}
        %dma_wait3A_610 = arith.constant 0 : i32
        %dma_wait3A_611 = tpu.memref_slice %arg7[%add3A_348, %dma_wait3A_610] : memref<80x128xi32, #tpu.memory_space<vmem>> -> memref<1x128xi32, #tpu.memory_space<vmem>>
        %dma_wait3A_612 = tpu.memref_squeeze %dma_wait3A_611 : memref<1x128xi32, #tpu.memory_space<vmem>> -> memref<128xi32, #tpu.memory_space<vmem>>
        %dma_wait3A_613 = arith.constant 0 : i32
        %dma_wait3A_614 = arith.constant 0 : i32
        %dma_wait3A_615 = tpu.memref_slice %arg25[%dma_wait3A_613, %dma_wait3A_614] : memref<10240x16xf32, #tpu.memory_space<vmem_shared>> -> memref<10240x16xf32, #tpu.memory_space<vmem_shared>>
        tpu.wait_indirect_dma semaphore(%run_scoped3A : memref<!tpu.dma_semaphore, #tpu.memory_space<semaphore_mem>>) src(%arg12 : memref<128x16xf32, #tpu.memory_space<vmem>>) dst(%dma_wait3A_615 : memref<10240x16xf32, #tpu.memory_space<vmem_shared>>)
        tpu.yield
      }) : () -> ()
      %add3A_349 = arith.constant 16 : i32
      %add3A_350 = arith.addi %mul3A_251, %add3A_349 : i32
      %add3A_351 = arith.constant 4 : i32
      %add3A_352 = arith.addi %add3A_350, %add3A_351 : i32
      %min3A_353 = arith.constant 79 : i32
      %min3A_354 = arith.minsi %add3A_352, %min3A_353 : i32
      %dma_start3A_355 = arith.constant 0 : i32
      %dma_start3A_356 = tpu.memref_slice %arg6[%min3A_354, %dma_start3A_355] : memref<80x128xi32, #tpu.memory_space<vmem>> -> memref<1x128xi32, #tpu.memory_space<vmem>>
      %dma_start3A_357 = tpu.memref_squeeze %dma_start3A_356 : memref<1x128xi32, #tpu.memory_space<vmem>> -> memref<128xi32, #tpu.memory_space<vmem>>
      %dma_start3A_358 = arith.constant 0 : i32
      %dma_start3A_359 = arith.constant 0 : i32
      %dma_start3A_360 = tpu.memref_slice %arg24[%dma_start3A_358, %dma_start3A_359] : memref<10240x16xf32, #tpu.memory_space<vmem_shared>> -> memref<10240x16xf32, #tpu.memory_space<vmem_shared>>
      tpu.enqueue_indirect_dma source(%dma_start3A_360 : memref<10240x16xf32, #tpu.memory_space<vmem_shared>>) target(%arg12 : memref<128x16xf32, #tpu.memory_space<vmem>>) offsets(%dma_start3A_357 : memref<128xi32, #tpu.memory_space<vmem>>) semaphore(%arg30 : memref<!tpu.dma_semaphore, #tpu.memory_space<semaphore_mem>>)
      %add3A_361 = arith.constant 5 : i32
      %add3A_362 = arith.addi %mul3A_251, %add3A_361 : i32
      %dma_wait3A_363 = arith.constant 0 : i32
      %dma_wait3A_364 = tpu.memref_slice %arg6[%add3A_362, %dma_wait3A_363] : memref<80x128xi32, #tpu.memory_space<vmem>> -> memref<1x128xi32, #tpu.memory_space<vmem>>
      %dma_wait3A_365 = tpu.memref_squeeze %dma_wait3A_364 : memref<1x128xi32, #tpu.memory_space<vmem>> -> memref<128xi32, #tpu.memory_space<vmem>>
      %dma_wait3A_366 = arith.constant 0 : i32
      %dma_wait3A_367 = arith.constant 0 : i32
      %dma_wait3A_368 = tpu.memref_slice %arg24[%dma_wait3A_366, %dma_wait3A_367] : memref<10240x16xf32, #tpu.memory_space<vmem_shared>> -> memref<10240x16xf32, #tpu.memory_space<vmem_shared>>
      tpu.wait_indirect_dma semaphore(%arg31 : memref<!tpu.dma_semaphore, #tpu.memory_space<semaphore_mem>>) src(%dma_wait3A_368 : memref<10240x16xf32, #tpu.memory_space<vmem_shared>>) dst(%arg13 : memref<128x16xf32, #tpu.memory_space<vmem>>)
      %add3A_369 = arith.constant 5 : i32
      %add3A_370 = arith.addi %mul3A_251, %add3A_369 : i32
      "tpu.region"() ({
        %run_scoped3A = tpu.sem_alloc : memref<!tpu.dma_semaphore, #tpu.memory_space<semaphore_mem>>
        %dma_start3A_604 = arith.constant 0 : i32
        %dma_start3A_605 = tpu.memref_slice %arg7[%add3A_370, %dma_start3A_604] : memref<80x128xi32, #tpu.memory_space<vmem>> -> memref<1x128xi32, #tpu.memory_space<vmem>>
        %dma_start3A_606 = tpu.memref_squeeze %dma_start3A_605 : memref<1x128xi32, #tpu.memory_space<vmem>> -> memref<128xi32, #tpu.memory_space<vmem>>
        %dma_start3A_607 = arith.constant 0 : i32
        %dma_start3A_608 = arith.constant 0 : i32
        %dma_start3A_609 = tpu.memref_slice %arg25[%dma_start3A_607, %dma_start3A_608] : memref<10240x16xf32, #tpu.memory_space<vmem_shared>> -> memref<10240x16xf32, #tpu.memory_space<vmem_shared>>
        tpu.enqueue_indirect_dma source(%arg13 : memref<128x16xf32, #tpu.memory_space<vmem>>) target(%dma_start3A_609 : memref<10240x16xf32, #tpu.memory_space<vmem_shared>>) offsets(%dma_start3A_606 : memref<128xi32, #tpu.memory_space<vmem>>) semaphore(%run_scoped3A : memref<!tpu.dma_semaphore, #tpu.memory_space<semaphore_mem>>) {add = true}
        %dma_wait3A_610 = arith.constant 0 : i32
        %dma_wait3A_611 = tpu.memref_slice %arg7[%add3A_370, %dma_wait3A_610] : memref<80x128xi32, #tpu.memory_space<vmem>> -> memref<1x128xi32, #tpu.memory_space<vmem>>
        %dma_wait3A_612 = tpu.memref_squeeze %dma_wait3A_611 : memref<1x128xi32, #tpu.memory_space<vmem>> -> memref<128xi32, #tpu.memory_space<vmem>>
        %dma_wait3A_613 = arith.constant 0 : i32
        %dma_wait3A_614 = arith.constant 0 : i32
        %dma_wait3A_615 = tpu.memref_slice %arg25[%dma_wait3A_613, %dma_wait3A_614] : memref<10240x16xf32, #tpu.memory_space<vmem_shared>> -> memref<10240x16xf32, #tpu.memory_space<vmem_shared>>
        tpu.wait_indirect_dma semaphore(%run_scoped3A : memref<!tpu.dma_semaphore, #tpu.memory_space<semaphore_mem>>) src(%arg13 : memref<128x16xf32, #tpu.memory_space<vmem>>) dst(%dma_wait3A_615 : memref<10240x16xf32, #tpu.memory_space<vmem_shared>>)
        tpu.yield
      }) : () -> ()
      %add3A_371 = arith.constant 16 : i32
      %add3A_372 = arith.addi %mul3A_251, %add3A_371 : i32
      %add3A_373 = arith.constant 5 : i32
      %add3A_374 = arith.addi %add3A_372, %add3A_373 : i32
      %min3A_375 = arith.constant 79 : i32
      %min3A_376 = arith.minsi %add3A_374, %min3A_375 : i32
      %dma_start3A_377 = arith.constant 0 : i32
      %dma_start3A_378 = tpu.memref_slice %arg6[%min3A_376, %dma_start3A_377] : memref<80x128xi32, #tpu.memory_space<vmem>> -> memref<1x128xi32, #tpu.memory_space<vmem>>
      %dma_start3A_379 = tpu.memref_squeeze %dma_start3A_378 : memref<1x128xi32, #tpu.memory_space<vmem>> -> memref<128xi32, #tpu.memory_space<vmem>>
      %dma_start3A_380 = arith.constant 0 : i32
      %dma_start3A_381 = arith.constant 0 : i32
      %dma_start3A_382 = tpu.memref_slice %arg24[%dma_start3A_380, %dma_start3A_381] : memref<10240x16xf32, #tpu.memory_space<vmem_shared>> -> memref<10240x16xf32, #tpu.memory_space<vmem_shared>>
      tpu.enqueue_indirect_dma source(%dma_start3A_382 : memref<10240x16xf32, #tpu.memory_space<vmem_shared>>) target(%arg13 : memref<128x16xf32, #tpu.memory_space<vmem>>) offsets(%dma_start3A_379 : memref<128xi32, #tpu.memory_space<vmem>>) semaphore(%arg31 : memref<!tpu.dma_semaphore, #tpu.memory_space<semaphore_mem>>)
      %add3A_383 = arith.constant 6 : i32
      %add3A_384 = arith.addi %mul3A_251, %add3A_383 : i32
      %dma_wait3A_385 = arith.constant 0 : i32
      %dma_wait3A_386 = tpu.memref_slice %arg6[%add3A_384, %dma_wait3A_385] : memref<80x128xi32, #tpu.memory_space<vmem>> -> memref<1x128xi32, #tpu.memory_space<vmem>>
      %dma_wait3A_387 = tpu.memref_squeeze %dma_wait3A_386 : memref<1x128xi32, #tpu.memory_space<vmem>> -> memref<128xi32, #tpu.memory_space<vmem>>
      %dma_wait3A_388 = arith.constant 0 : i32
      %dma_wait3A_389 = arith.constant 0 : i32
      %dma_wait3A_390 = tpu.memref_slice %arg24[%dma_wait3A_388, %dma_wait3A_389] : memref<10240x16xf32, #tpu.memory_space<vmem_shared>> -> memref<10240x16xf32, #tpu.memory_space<vmem_shared>>
      tpu.wait_indirect_dma semaphore(%arg32 : memref<!tpu.dma_semaphore, #tpu.memory_space<semaphore_mem>>) src(%dma_wait3A_390 : memref<10240x16xf32, #tpu.memory_space<vmem_shared>>) dst(%arg14 : memref<128x16xf32, #tpu.memory_space<vmem>>)
      %add3A_391 = arith.constant 6 : i32
      %add3A_392 = arith.addi %mul3A_251, %add3A_391 : i32
      "tpu.region"() ({
        %run_scoped3A = tpu.sem_alloc : memref<!tpu.dma_semaphore, #tpu.memory_space<semaphore_mem>>
        %dma_start3A_604 = arith.constant 0 : i32
        %dma_start3A_605 = tpu.memref_slice %arg7[%add3A_392, %dma_start3A_604] : memref<80x128xi32, #tpu.memory_space<vmem>> -> memref<1x128xi32, #tpu.memory_space<vmem>>
        %dma_start3A_606 = tpu.memref_squeeze %dma_start3A_605 : memref<1x128xi32, #tpu.memory_space<vmem>> -> memref<128xi32, #tpu.memory_space<vmem>>
        %dma_start3A_607 = arith.constant 0 : i32
        %dma_start3A_608 = arith.constant 0 : i32
        %dma_start3A_609 = tpu.memref_slice %arg25[%dma_start3A_607, %dma_start3A_608] : memref<10240x16xf32, #tpu.memory_space<vmem_shared>> -> memref<10240x16xf32, #tpu.memory_space<vmem_shared>>
        tpu.enqueue_indirect_dma source(%arg14 : memref<128x16xf32, #tpu.memory_space<vmem>>) target(%dma_start3A_609 : memref<10240x16xf32, #tpu.memory_space<vmem_shared>>) offsets(%dma_start3A_606 : memref<128xi32, #tpu.memory_space<vmem>>) semaphore(%run_scoped3A : memref<!tpu.dma_semaphore, #tpu.memory_space<semaphore_mem>>) {add = true}
        %dma_wait3A_610 = arith.constant 0 : i32
        %dma_wait3A_611 = tpu.memref_slice %arg7[%add3A_392, %dma_wait3A_610] : memref<80x128xi32, #tpu.memory_space<vmem>> -> memref<1x128xi32, #tpu.memory_space<vmem>>
        %dma_wait3A_612 = tpu.memref_squeeze %dma_wait3A_611 : memref<1x128xi32, #tpu.memory_space<vmem>> -> memref<128xi32, #tpu.memory_space<vmem>>
        %dma_wait3A_613 = arith.constant 0 : i32
        %dma_wait3A_614 = arith.constant 0 : i32
        %dma_wait3A_615 = tpu.memref_slice %arg25[%dma_wait3A_613, %dma_wait3A_614] : memref<10240x16xf32, #tpu.memory_space<vmem_shared>> -> memref<10240x16xf32, #tpu.memory_space<vmem_shared>>
        tpu.wait_indirect_dma semaphore(%run_scoped3A : memref<!tpu.dma_semaphore, #tpu.memory_space<semaphore_mem>>) src(%arg14 : memref<128x16xf32, #tpu.memory_space<vmem>>) dst(%dma_wait3A_615 : memref<10240x16xf32, #tpu.memory_space<vmem_shared>>)
        tpu.yield
      }) : () -> ()
      %add3A_393 = arith.constant 16 : i32
      %add3A_394 = arith.addi %mul3A_251, %add3A_393 : i32
      %add3A_395 = arith.constant 6 : i32
      %add3A_396 = arith.addi %add3A_394, %add3A_395 : i32
      %min3A_397 = arith.constant 79 : i32
      %min3A_398 = arith.minsi %add3A_396, %min3A_397 : i32
      %dma_start3A_399 = arith.constant 0 : i32
      %dma_start3A_400 = tpu.memref_slice %arg6[%min3A_398, %dma_start3A_399] : memref<80x128xi32, #tpu.memory_space<vmem>> -> memref<1x128xi32, #tpu.memory_space<vmem>>
      %dma_start3A_401 = tpu.memref_squeeze %dma_start3A_400 : memref<1x128xi32, #tpu.memory_space<vmem>> -> memref<128xi32, #tpu.memory_space<vmem>>
      %dma_start3A_402 = arith.constant 0 : i32
      %dma_start3A_403 = arith.constant 0 : i32
      %dma_start3A_404 = tpu.memref_slice %arg24[%dma_start3A_402, %dma_start3A_403] : memref<10240x16xf32, #tpu.memory_space<vmem_shared>> -> memref<10240x16xf32, #tpu.memory_space<vmem_shared>>
      tpu.enqueue_indirect_dma source(%dma_start3A_404 : memref<10240x16xf32, #tpu.memory_space<vmem_shared>>) target(%arg14 : memref<128x16xf32, #tpu.memory_space<vmem>>) offsets(%dma_start3A_401 : memref<128xi32, #tpu.memory_space<vmem>>) semaphore(%arg32 : memref<!tpu.dma_semaphore, #tpu.memory_space<semaphore_mem>>)
      %add3A_405 = arith.constant 7 : i32
      %add3A_406 = arith.addi %mul3A_251, %add3A_405 : i32
      %dma_wait3A_407 = arith.constant 0 : i32
      %dma_wait3A_408 = tpu.memref_slice %arg6[%add3A_406, %dma_wait3A_407] : memref<80x128xi32, #tpu.memory_space<vmem>> -> memref<1x128xi32, #tpu.memory_space<vmem>>
      %dma_wait3A_409 = tpu.memref_squeeze %dma_wait3A_408 : memref<1x128xi32, #tpu.memory_space<vmem>> -> memref<128xi32, #tpu.memory_space<vmem>>
      %dma_wait3A_410 = arith.constant 0 : i32
      %dma_wait3A_411 = arith.constant 0 : i32
      %dma_wait3A_412 = tpu.memref_slice %arg24[%dma_wait3A_410, %dma_wait3A_411] : memref<10240x16xf32, #tpu.memory_space<vmem_shared>> -> memref<10240x16xf32, #tpu.memory_space<vmem_shared>>
      tpu.wait_indirect_dma semaphore(%arg33 : memref<!tpu.dma_semaphore, #tpu.memory_space<semaphore_mem>>) src(%dma_wait3A_412 : memref<10240x16xf32, #tpu.memory_space<vmem_shared>>) dst(%arg15 : memref<128x16xf32, #tpu.memory_space<vmem>>)
      %add3A_413 = arith.constant 7 : i32
      %add3A_414 = arith.addi %mul3A_251, %add3A_413 : i32
      "tpu.region"() ({
        %run_scoped3A = tpu.sem_alloc : memref<!tpu.dma_semaphore, #tpu.memory_space<semaphore_mem>>
        %dma_start3A_604 = arith.constant 0 : i32
        %dma_start3A_605 = tpu.memref_slice %arg7[%add3A_414, %dma_start3A_604] : memref<80x128xi32, #tpu.memory_space<vmem>> -> memref<1x128xi32, #tpu.memory_space<vmem>>
        %dma_start3A_606 = tpu.memref_squeeze %dma_start3A_605 : memref<1x128xi32, #tpu.memory_space<vmem>> -> memref<128xi32, #tpu.memory_space<vmem>>
        %dma_start3A_607 = arith.constant 0 : i32
        %dma_start3A_608 = arith.constant 0 : i32
        %dma_start3A_609 = tpu.memref_slice %arg25[%dma_start3A_607, %dma_start3A_608] : memref<10240x16xf32, #tpu.memory_space<vmem_shared>> -> memref<10240x16xf32, #tpu.memory_space<vmem_shared>>
        tpu.enqueue_indirect_dma source(%arg15 : memref<128x16xf32, #tpu.memory_space<vmem>>) target(%dma_start3A_609 : memref<10240x16xf32, #tpu.memory_space<vmem_shared>>) offsets(%dma_start3A_606 : memref<128xi32, #tpu.memory_space<vmem>>) semaphore(%run_scoped3A : memref<!tpu.dma_semaphore, #tpu.memory_space<semaphore_mem>>) {add = true}
        %dma_wait3A_610 = arith.constant 0 : i32
        %dma_wait3A_611 = tpu.memref_slice %arg7[%add3A_414, %dma_wait3A_610] : memref<80x128xi32, #tpu.memory_space<vmem>> -> memref<1x128xi32, #tpu.memory_space<vmem>>
        %dma_wait3A_612 = tpu.memref_squeeze %dma_wait3A_611 : memref<1x128xi32, #tpu.memory_space<vmem>> -> memref<128xi32, #tpu.memory_space<vmem>>
        %dma_wait3A_613 = arith.constant 0 : i32
        %dma_wait3A_614 = arith.constant 0 : i32
        %dma_wait3A_615 = tpu.memref_slice %arg25[%dma_wait3A_613, %dma_wait3A_614] : memref<10240x16xf32, #tpu.memory_space<vmem_shared>> -> memref<10240x16xf32, #tpu.memory_space<vmem_shared>>
        tpu.wait_indirect_dma semaphore(%run_scoped3A : memref<!tpu.dma_semaphore, #tpu.memory_space<semaphore_mem>>) src(%arg15 : memref<128x16xf32, #tpu.memory_space<vmem>>) dst(%dma_wait3A_615 : memref<10240x16xf32, #tpu.memory_space<vmem_shared>>)
        tpu.yield
      }) : () -> ()
      %add3A_415 = arith.constant 16 : i32
      %add3A_416 = arith.addi %mul3A_251, %add3A_415 : i32
      %add3A_417 = arith.constant 7 : i32
      %add3A_418 = arith.addi %add3A_416, %add3A_417 : i32
      %min3A_419 = arith.constant 79 : i32
      %min3A_420 = arith.minsi %add3A_418, %min3A_419 : i32
      %dma_start3A_421 = arith.constant 0 : i32
      %dma_start3A_422 = tpu.memref_slice %arg6[%min3A_420, %dma_start3A_421] : memref<80x128xi32, #tpu.memory_space<vmem>> -> memref<1x128xi32, #tpu.memory_space<vmem>>
      %dma_start3A_423 = tpu.memref_squeeze %dma_start3A_422 : memref<1x128xi32, #tpu.memory_space<vmem>> -> memref<128xi32, #tpu.memory_space<vmem>>
      %dma_start3A_424 = arith.constant 0 : i32
      %dma_start3A_425 = arith.constant 0 : i32
      %dma_start3A_426 = tpu.memref_slice %arg24[%dma_start3A_424, %dma_start3A_425] : memref<10240x16xf32, #tpu.memory_space<vmem_shared>> -> memref<10240x16xf32, #tpu.memory_space<vmem_shared>>
      tpu.enqueue_indirect_dma source(%dma_start3A_426 : memref<10240x16xf32, #tpu.memory_space<vmem_shared>>) target(%arg15 : memref<128x16xf32, #tpu.memory_space<vmem>>) offsets(%dma_start3A_423 : memref<128xi32, #tpu.memory_space<vmem>>) semaphore(%arg33 : memref<!tpu.dma_semaphore, #tpu.memory_space<semaphore_mem>>)
      %add3A_427 = arith.constant 8 : i32
      %add3A_428 = arith.addi %mul3A_251, %add3A_427 : i32
      %dma_wait3A_429 = arith.constant 0 : i32
      %dma_wait3A_430 = tpu.memref_slice %arg6[%add3A_428, %dma_wait3A_429] : memref<80x128xi32, #tpu.memory_space<vmem>> -> memref<1x128xi32, #tpu.memory_space<vmem>>
      %dma_wait3A_431 = tpu.memref_squeeze %dma_wait3A_430 : memref<1x128xi32, #tpu.memory_space<vmem>> -> memref<128xi32, #tpu.memory_space<vmem>>
      %dma_wait3A_432 = arith.constant 0 : i32
      %dma_wait3A_433 = arith.constant 0 : i32
      %dma_wait3A_434 = tpu.memref_slice %arg24[%dma_wait3A_432, %dma_wait3A_433] : memref<10240x16xf32, #tpu.memory_space<vmem_shared>> -> memref<10240x16xf32, #tpu.memory_space<vmem_shared>>
      tpu.wait_indirect_dma semaphore(%arg34 : memref<!tpu.dma_semaphore, #tpu.memory_space<semaphore_mem>>) src(%dma_wait3A_434 : memref<10240x16xf32, #tpu.memory_space<vmem_shared>>) dst(%arg16 : memref<128x16xf32, #tpu.memory_space<vmem>>)
      %add3A_435 = arith.constant 8 : i32
      %add3A_436 = arith.addi %mul3A_251, %add3A_435 : i32
      "tpu.region"() ({
        %run_scoped3A = tpu.sem_alloc : memref<!tpu.dma_semaphore, #tpu.memory_space<semaphore_mem>>
        %dma_start3A_604 = arith.constant 0 : i32
        %dma_start3A_605 = tpu.memref_slice %arg7[%add3A_436, %dma_start3A_604] : memref<80x128xi32, #tpu.memory_space<vmem>> -> memref<1x128xi32, #tpu.memory_space<vmem>>
        %dma_start3A_606 = tpu.memref_squeeze %dma_start3A_605 : memref<1x128xi32, #tpu.memory_space<vmem>> -> memref<128xi32, #tpu.memory_space<vmem>>
        %dma_start3A_607 = arith.constant 0 : i32
        %dma_start3A_608 = arith.constant 0 : i32
        %dma_start3A_609 = tpu.memref_slice %arg25[%dma_start3A_607, %dma_start3A_608] : memref<10240x16xf32, #tpu.memory_space<vmem_shared>> -> memref<10240x16xf32, #tpu.memory_space<vmem_shared>>
        tpu.enqueue_indirect_dma source(%arg16 : memref<128x16xf32, #tpu.memory_space<vmem>>) target(%dma_start3A_609 : memref<10240x16xf32, #tpu.memory_space<vmem_shared>>) offsets(%dma_start3A_606 : memref<128xi32, #tpu.memory_space<vmem>>) semaphore(%run_scoped3A : memref<!tpu.dma_semaphore, #tpu.memory_space<semaphore_mem>>) {add = true}
        %dma_wait3A_610 = arith.constant 0 : i32
        %dma_wait3A_611 = tpu.memref_slice %arg7[%add3A_436, %dma_wait3A_610] : memref<80x128xi32, #tpu.memory_space<vmem>> -> memref<1x128xi32, #tpu.memory_space<vmem>>
        %dma_wait3A_612 = tpu.memref_squeeze %dma_wait3A_611 : memref<1x128xi32, #tpu.memory_space<vmem>> -> memref<128xi32, #tpu.memory_space<vmem>>
        %dma_wait3A_613 = arith.constant 0 : i32
        %dma_wait3A_614 = arith.constant 0 : i32
        %dma_wait3A_615 = tpu.memref_slice %arg25[%dma_wait3A_613, %dma_wait3A_614] : memref<10240x16xf32, #tpu.memory_space<vmem_shared>> -> memref<10240x16xf32, #tpu.memory_space<vmem_shared>>
        tpu.wait_indirect_dma semaphore(%run_scoped3A : memref<!tpu.dma_semaphore, #tpu.memory_space<semaphore_mem>>) src(%arg16 : memref<128x16xf32, #tpu.memory_space<vmem>>) dst(%dma_wait3A_615 : memref<10240x16xf32, #tpu.memory_space<vmem_shared>>)
        tpu.yield
      }) : () -> ()
      %add3A_437 = arith.constant 16 : i32
      %add3A_438 = arith.addi %mul3A_251, %add3A_437 : i32
      %add3A_439 = arith.constant 8 : i32
      %add3A_440 = arith.addi %add3A_438, %add3A_439 : i32
      %min3A_441 = arith.constant 79 : i32
      %min3A_442 = arith.minsi %add3A_440, %min3A_441 : i32
      %dma_start3A_443 = arith.constant 0 : i32
      %dma_start3A_444 = tpu.memref_slice %arg6[%min3A_442, %dma_start3A_443] : memref<80x128xi32, #tpu.memory_space<vmem>> -> memref<1x128xi32, #tpu.memory_space<vmem>>
      %dma_start3A_445 = tpu.memref_squeeze %dma_start3A_444 : memref<1x128xi32, #tpu.memory_space<vmem>> -> memref<128xi32, #tpu.memory_space<vmem>>
      %dma_start3A_446 = arith.constant 0 : i32
      %dma_start3A_447 = arith.constant 0 : i32
      %dma_start3A_448 = tpu.memref_slice %arg24[%dma_start3A_446, %dma_start3A_447] : memref<10240x16xf32, #tpu.memory_space<vmem_shared>> -> memref<10240x16xf32, #tpu.memory_space<vmem_shared>>
      tpu.enqueue_indirect_dma source(%dma_start3A_448 : memref<10240x16xf32, #tpu.memory_space<vmem_shared>>) target(%arg16 : memref<128x16xf32, #tpu.memory_space<vmem>>) offsets(%dma_start3A_445 : memref<128xi32, #tpu.memory_space<vmem>>) semaphore(%arg34 : memref<!tpu.dma_semaphore, #tpu.memory_space<semaphore_mem>>)
      %add3A_449 = arith.constant 9 : i32
      %add3A_450 = arith.addi %mul3A_251, %add3A_449 : i32
      %dma_wait3A_451 = arith.constant 0 : i32
      %dma_wait3A_452 = tpu.memref_slice %arg6[%add3A_450, %dma_wait3A_451] : memref<80x128xi32, #tpu.memory_space<vmem>> -> memref<1x128xi32, #tpu.memory_space<vmem>>
      %dma_wait3A_453 = tpu.memref_squeeze %dma_wait3A_452 : memref<1x128xi32, #tpu.memory_space<vmem>> -> memref<128xi32, #tpu.memory_space<vmem>>
      %dma_wait3A_454 = arith.constant 0 : i32
      %dma_wait3A_455 = arith.constant 0 : i32
      %dma_wait3A_456 = tpu.memref_slice %arg24[%dma_wait3A_454, %dma_wait3A_455] : memref<10240x16xf32, #tpu.memory_space<vmem_shared>> -> memref<10240x16xf32, #tpu.memory_space<vmem_shared>>
      tpu.wait_indirect_dma semaphore(%arg35 : memref<!tpu.dma_semaphore, #tpu.memory_space<semaphore_mem>>) src(%dma_wait3A_456 : memref<10240x16xf32, #tpu.memory_space<vmem_shared>>) dst(%arg17 : memref<128x16xf32, #tpu.memory_space<vmem>>)
      %add3A_457 = arith.constant 9 : i32
      %add3A_458 = arith.addi %mul3A_251, %add3A_457 : i32
      "tpu.region"() ({
        %run_scoped3A = tpu.sem_alloc : memref<!tpu.dma_semaphore, #tpu.memory_space<semaphore_mem>>
        %dma_start3A_604 = arith.constant 0 : i32
        %dma_start3A_605 = tpu.memref_slice %arg7[%add3A_458, %dma_start3A_604] : memref<80x128xi32, #tpu.memory_space<vmem>> -> memref<1x128xi32, #tpu.memory_space<vmem>>
        %dma_start3A_606 = tpu.memref_squeeze %dma_start3A_605 : memref<1x128xi32, #tpu.memory_space<vmem>> -> memref<128xi32, #tpu.memory_space<vmem>>
        %dma_start3A_607 = arith.constant 0 : i32
        %dma_start3A_608 = arith.constant 0 : i32
        %dma_start3A_609 = tpu.memref_slice %arg25[%dma_start3A_607, %dma_start3A_608] : memref<10240x16xf32, #tpu.memory_space<vmem_shared>> -> memref<10240x16xf32, #tpu.memory_space<vmem_shared>>
        tpu.enqueue_indirect_dma source(%arg17 : memref<128x16xf32, #tpu.memory_space<vmem>>) target(%dma_start3A_609 : memref<10240x16xf32, #tpu.memory_space<vmem_shared>>) offsets(%dma_start3A_606 : memref<128xi32, #tpu.memory_space<vmem>>) semaphore(%run_scoped3A : memref<!tpu.dma_semaphore, #tpu.memory_space<semaphore_mem>>) {add = true}
        %dma_wait3A_610 = arith.constant 0 : i32
        %dma_wait3A_611 = tpu.memref_slice %arg7[%add3A_458, %dma_wait3A_610] : memref<80x128xi32, #tpu.memory_space<vmem>> -> memref<1x128xi32, #tpu.memory_space<vmem>>
        %dma_wait3A_612 = tpu.memref_squeeze %dma_wait3A_611 : memref<1x128xi32, #tpu.memory_space<vmem>> -> memref<128xi32, #tpu.memory_space<vmem>>
        %dma_wait3A_613 = arith.constant 0 : i32
        %dma_wait3A_614 = arith.constant 0 : i32
        %dma_wait3A_615 = tpu.memref_slice %arg25[%dma_wait3A_613, %dma_wait3A_614] : memref<10240x16xf32, #tpu.memory_space<vmem_shared>> -> memref<10240x16xf32, #tpu.memory_space<vmem_shared>>
        tpu.wait_indirect_dma semaphore(%run_scoped3A : memref<!tpu.dma_semaphore, #tpu.memory_space<semaphore_mem>>) src(%arg17 : memref<128x16xf32, #tpu.memory_space<vmem>>) dst(%dma_wait3A_615 : memref<10240x16xf32, #tpu.memory_space<vmem_shared>>)
        tpu.yield
      }) : () -> ()
      %add3A_459 = arith.constant 16 : i32
      %add3A_460 = arith.addi %mul3A_251, %add3A_459 : i32
      %add3A_461 = arith.constant 9 : i32
      %add3A_462 = arith.addi %add3A_460, %add3A_461 : i32
      %min3A_463 = arith.constant 79 : i32
      %min3A_464 = arith.minsi %add3A_462, %min3A_463 : i32
      %dma_start3A_465 = arith.constant 0 : i32
      %dma_start3A_466 = tpu.memref_slice %arg6[%min3A_464, %dma_start3A_465] : memref<80x128xi32, #tpu.memory_space<vmem>> -> memref<1x128xi32, #tpu.memory_space<vmem>>
      %dma_start3A_467 = tpu.memref_squeeze %dma_start3A_466 : memref<1x128xi32, #tpu.memory_space<vmem>> -> memref<128xi32, #tpu.memory_space<vmem>>
      %dma_start3A_468 = arith.constant 0 : i32
      %dma_start3A_469 = arith.constant 0 : i32
      %dma_start3A_470 = tpu.memref_slice %arg24[%dma_start3A_468, %dma_start3A_469] : memref<10240x16xf32, #tpu.memory_space<vmem_shared>> -> memref<10240x16xf32, #tpu.memory_space<vmem_shared>>
      tpu.enqueue_indirect_dma source(%dma_start3A_470 : memref<10240x16xf32, #tpu.memory_space<vmem_shared>>) target(%arg17 : memref<128x16xf32, #tpu.memory_space<vmem>>) offsets(%dma_start3A_467 : memref<128xi32, #tpu.memory_space<vmem>>) semaphore(%arg35 : memref<!tpu.dma_semaphore, #tpu.memory_space<semaphore_mem>>)
      %add3A_471 = arith.constant 10 : i32
      %add3A_472 = arith.addi %mul3A_251, %add3A_471 : i32
      %dma_wait3A_473 = arith.constant 0 : i32
      %dma_wait3A_474 = tpu.memref_slice %arg6[%add3A_472, %dma_wait3A_473] : memref<80x128xi32, #tpu.memory_space<vmem>> -> memref<1x128xi32, #tpu.memory_space<vmem>>
      %dma_wait3A_475 = tpu.memref_squeeze %dma_wait3A_474 : memref<1x128xi32, #tpu.memory_space<vmem>> -> memref<128xi32, #tpu.memory_space<vmem>>
      %dma_wait3A_476 = arith.constant 0 : i32
      %dma_wait3A_477 = arith.constant 0 : i32
      %dma_wait3A_478 = tpu.memref_slice %arg24[%dma_wait3A_476, %dma_wait3A_477] : memref<10240x16xf32, #tpu.memory_space<vmem_shared>> -> memref<10240x16xf32, #tpu.memory_space<vmem_shared>>
      tpu.wait_indirect_dma semaphore(%arg36 : memref<!tpu.dma_semaphore, #tpu.memory_space<semaphore_mem>>) src(%dma_wait3A_478 : memref<10240x16xf32, #tpu.memory_space<vmem_shared>>) dst(%arg18 : memref<128x16xf32, #tpu.memory_space<vmem>>)
      %add3A_479 = arith.constant 10 : i32
      %add3A_480 = arith.addi %mul3A_251, %add3A_479 : i32
      "tpu.region"() ({
        %run_scoped3A = tpu.sem_alloc : memref<!tpu.dma_semaphore, #tpu.memory_space<semaphore_mem>>
        %dma_start3A_604 = arith.constant 0 : i32
        %dma_start3A_605 = tpu.memref_slice %arg7[%add3A_480, %dma_start3A_604] : memref<80x128xi32, #tpu.memory_space<vmem>> -> memref<1x128xi32, #tpu.memory_space<vmem>>
        %dma_start3A_606 = tpu.memref_squeeze %dma_start3A_605 : memref<1x128xi32, #tpu.memory_space<vmem>> -> memref<128xi32, #tpu.memory_space<vmem>>
        %dma_start3A_607 = arith.constant 0 : i32
        %dma_start3A_608 = arith.constant 0 : i32
        %dma_start3A_609 = tpu.memref_slice %arg25[%dma_start3A_607, %dma_start3A_608] : memref<10240x16xf32, #tpu.memory_space<vmem_shared>> -> memref<10240x16xf32, #tpu.memory_space<vmem_shared>>
        tpu.enqueue_indirect_dma source(%arg18 : memref<128x16xf32, #tpu.memory_space<vmem>>) target(%dma_start3A_609 : memref<10240x16xf32, #tpu.memory_space<vmem_shared>>) offsets(%dma_start3A_606 : memref<128xi32, #tpu.memory_space<vmem>>) semaphore(%run_scoped3A : memref<!tpu.dma_semaphore, #tpu.memory_space<semaphore_mem>>) {add = true}
        %dma_wait3A_610 = arith.constant 0 : i32
        %dma_wait3A_611 = tpu.memref_slice %arg7[%add3A_480, %dma_wait3A_610] : memref<80x128xi32, #tpu.memory_space<vmem>> -> memref<1x128xi32, #tpu.memory_space<vmem>>
        %dma_wait3A_612 = tpu.memref_squeeze %dma_wait3A_611 : memref<1x128xi32, #tpu.memory_space<vmem>> -> memref<128xi32, #tpu.memory_space<vmem>>
        %dma_wait3A_613 = arith.constant 0 : i32
        %dma_wait3A_614 = arith.constant 0 : i32
        %dma_wait3A_615 = tpu.memref_slice %arg25[%dma_wait3A_613, %dma_wait3A_614] : memref<10240x16xf32, #tpu.memory_space<vmem_shared>> -> memref<10240x16xf32, #tpu.memory_space<vmem_shared>>
        tpu.wait_indirect_dma semaphore(%run_scoped3A : memref<!tpu.dma_semaphore, #tpu.memory_space<semaphore_mem>>) src(%arg18 : memref<128x16xf32, #tpu.memory_space<vmem>>) dst(%dma_wait3A_615 : memref<10240x16xf32, #tpu.memory_space<vmem_shared>>)
        tpu.yield
      }) : () -> ()
      %add3A_481 = arith.constant 16 : i32
      %add3A_482 = arith.addi %mul3A_251, %add3A_481 : i32
      %add3A_483 = arith.constant 10 : i32
      %add3A_484 = arith.addi %add3A_482, %add3A_483 : i32
      %min3A_485 = arith.constant 79 : i32
      %min3A_486 = arith.minsi %add3A_484, %min3A_485 : i32
      %dma_start3A_487 = arith.constant 0 : i32
      %dma_start3A_488 = tpu.memref_slice %arg6[%min3A_486, %dma_start3A_487] : memref<80x128xi32, #tpu.memory_space<vmem>> -> memref<1x128xi32, #tpu.memory_space<vmem>>
      %dma_start3A_489 = tpu.memref_squeeze %dma_start3A_488 : memref<1x128xi32, #tpu.memory_space<vmem>> -> memref<128xi32, #tpu.memory_space<vmem>>
      %dma_start3A_490 = arith.constant 0 : i32
      %dma_start3A_491 = arith.constant 0 : i32
      %dma_start3A_492 = tpu.memref_slice %arg24[%dma_start3A_490, %dma_start3A_491] : memref<10240x16xf32, #tpu.memory_space<vmem_shared>> -> memref<10240x16xf32, #tpu.memory_space<vmem_shared>>
      tpu.enqueue_indirect_dma source(%dma_start3A_492 : memref<10240x16xf32, #tpu.memory_space<vmem_shared>>) target(%arg18 : memref<128x16xf32, #tpu.memory_space<vmem>>) offsets(%dma_start3A_489 : memref<128xi32, #tpu.memory_space<vmem>>) semaphore(%arg36 : memref<!tpu.dma_semaphore, #tpu.memory_space<semaphore_mem>>)
      %add3A_493 = arith.constant 11 : i32
      %add3A_494 = arith.addi %mul3A_251, %add3A_493 : i32
      %dma_wait3A_495 = arith.constant 0 : i32
      %dma_wait3A_496 = tpu.memref_slice %arg6[%add3A_494, %dma_wait3A_495] : memref<80x128xi32, #tpu.memory_space<vmem>> -> memref<1x128xi32, #tpu.memory_space<vmem>>
      %dma_wait3A_497 = tpu.memref_squeeze %dma_wait3A_496 : memref<1x128xi32, #tpu.memory_space<vmem>> -> memref<128xi32, #tpu.memory_space<vmem>>
      %dma_wait3A_498 = arith.constant 0 : i32
      %dma_wait3A_499 = arith.constant 0 : i32
      %dma_wait3A_500 = tpu.memref_slice %arg24[%dma_wait3A_498, %dma_wait3A_499] : memref<10240x16xf32, #tpu.memory_space<vmem_shared>> -> memref<10240x16xf32, #tpu.memory_space<vmem_shared>>
      tpu.wait_indirect_dma semaphore(%arg37 : memref<!tpu.dma_semaphore, #tpu.memory_space<semaphore_mem>>) src(%dma_wait3A_500 : memref<10240x16xf32, #tpu.memory_space<vmem_shared>>) dst(%arg19 : memref<128x16xf32, #tpu.memory_space<vmem>>)
      %add3A_501 = arith.constant 11 : i32
      %add3A_502 = arith.addi %mul3A_251, %add3A_501 : i32
      "tpu.region"() ({
        %run_scoped3A = tpu.sem_alloc : memref<!tpu.dma_semaphore, #tpu.memory_space<semaphore_mem>>
        %dma_start3A_604 = arith.constant 0 : i32
        %dma_start3A_605 = tpu.memref_slice %arg7[%add3A_502, %dma_start3A_604] : memref<80x128xi32, #tpu.memory_space<vmem>> -> memref<1x128xi32, #tpu.memory_space<vmem>>
        %dma_start3A_606 = tpu.memref_squeeze %dma_start3A_605 : memref<1x128xi32, #tpu.memory_space<vmem>> -> memref<128xi32, #tpu.memory_space<vmem>>
        %dma_start3A_607 = arith.constant 0 : i32
        %dma_start3A_608 = arith.constant 0 : i32
        %dma_start3A_609 = tpu.memref_slice %arg25[%dma_start3A_607, %dma_start3A_608] : memref<10240x16xf32, #tpu.memory_space<vmem_shared>> -> memref<10240x16xf32, #tpu.memory_space<vmem_shared>>
        tpu.enqueue_indirect_dma source(%arg19 : memref<128x16xf32, #tpu.memory_space<vmem>>) target(%dma_start3A_609 : memref<10240x16xf32, #tpu.memory_space<vmem_shared>>) offsets(%dma_start3A_606 : memref<128xi32, #tpu.memory_space<vmem>>) semaphore(%run_scoped3A : memref<!tpu.dma_semaphore, #tpu.memory_space<semaphore_mem>>) {add = true}
        %dma_wait3A_610 = arith.constant 0 : i32
        %dma_wait3A_611 = tpu.memref_slice %arg7[%add3A_502, %dma_wait3A_610] : memref<80x128xi32, #tpu.memory_space<vmem>> -> memref<1x128xi32, #tpu.memory_space<vmem>>
        %dma_wait3A_612 = tpu.memref_squeeze %dma_wait3A_611 : memref<1x128xi32, #tpu.memory_space<vmem>> -> memref<128xi32, #tpu.memory_space<vmem>>
        %dma_wait3A_613 = arith.constant 0 : i32
        %dma_wait3A_614 = arith.constant 0 : i32
        %dma_wait3A_615 = tpu.memref_slice %arg25[%dma_wait3A_613, %dma_wait3A_614] : memref<10240x16xf32, #tpu.memory_space<vmem_shared>> -> memref<10240x16xf32, #tpu.memory_space<vmem_shared>>
        tpu.wait_indirect_dma semaphore(%run_scoped3A : memref<!tpu.dma_semaphore, #tpu.memory_space<semaphore_mem>>) src(%arg19 : memref<128x16xf32, #tpu.memory_space<vmem>>) dst(%dma_wait3A_615 : memref<10240x16xf32, #tpu.memory_space<vmem_shared>>)
        tpu.yield
      }) : () -> ()
      %add3A_503 = arith.constant 16 : i32
      %add3A_504 = arith.addi %mul3A_251, %add3A_503 : i32
      %add3A_505 = arith.constant 11 : i32
      %add3A_506 = arith.addi %add3A_504, %add3A_505 : i32
      %min3A_507 = arith.constant 79 : i32
      %min3A_508 = arith.minsi %add3A_506, %min3A_507 : i32
      %dma_start3A_509 = arith.constant 0 : i32
      %dma_start3A_510 = tpu.memref_slice %arg6[%min3A_508, %dma_start3A_509] : memref<80x128xi32, #tpu.memory_space<vmem>> -> memref<1x128xi32, #tpu.memory_space<vmem>>
      %dma_start3A_511 = tpu.memref_squeeze %dma_start3A_510 : memref<1x128xi32, #tpu.memory_space<vmem>> -> memref<128xi32, #tpu.memory_space<vmem>>
      %dma_start3A_512 = arith.constant 0 : i32
      %dma_start3A_513 = arith.constant 0 : i32
      %dma_start3A_514 = tpu.memref_slice %arg24[%dma_start3A_512, %dma_start3A_513] : memref<10240x16xf32, #tpu.memory_space<vmem_shared>> -> memref<10240x16xf32, #tpu.memory_space<vmem_shared>>
      tpu.enqueue_indirect_dma source(%dma_start3A_514 : memref<10240x16xf32, #tpu.memory_space<vmem_shared>>) target(%arg19 : memref<128x16xf32, #tpu.memory_space<vmem>>) offsets(%dma_start3A_511 : memref<128xi32, #tpu.memory_space<vmem>>) semaphore(%arg37 : memref<!tpu.dma_semaphore, #tpu.memory_space<semaphore_mem>>)
      %add3A_515 = arith.constant 12 : i32
      %add3A_516 = arith.addi %mul3A_251, %add3A_515 : i32
      %dma_wait3A_517 = arith.constant 0 : i32
      %dma_wait3A_518 = tpu.memref_slice %arg6[%add3A_516, %dma_wait3A_517] : memref<80x128xi32, #tpu.memory_space<vmem>> -> memref<1x128xi32, #tpu.memory_space<vmem>>
      %dma_wait3A_519 = tpu.memref_squeeze %dma_wait3A_518 : memref<1x128xi32, #tpu.memory_space<vmem>> -> memref<128xi32, #tpu.memory_space<vmem>>
      %dma_wait3A_520 = arith.constant 0 : i32
      %dma_wait3A_521 = arith.constant 0 : i32
      %dma_wait3A_522 = tpu.memref_slice %arg24[%dma_wait3A_520, %dma_wait3A_521] : memref<10240x16xf32, #tpu.memory_space<vmem_shared>> -> memref<10240x16xf32, #tpu.memory_space<vmem_shared>>
      tpu.wait_indirect_dma semaphore(%arg38 : memref<!tpu.dma_semaphore, #tpu.memory_space<semaphore_mem>>) src(%dma_wait3A_522 : memref<10240x16xf32, #tpu.memory_space<vmem_shared>>) dst(%arg20 : memref<128x16xf32, #tpu.memory_space<vmem>>)
      %add3A_523 = arith.constant 12 : i32
      %add3A_524 = arith.addi %mul3A_251, %add3A_523 : i32
      "tpu.region"() ({
        %run_scoped3A = tpu.sem_alloc : memref<!tpu.dma_semaphore, #tpu.memory_space<semaphore_mem>>
        %dma_start3A_604 = arith.constant 0 : i32
        %dma_start3A_605 = tpu.memref_slice %arg7[%add3A_524, %dma_start3A_604] : memref<80x128xi32, #tpu.memory_space<vmem>> -> memref<1x128xi32, #tpu.memory_space<vmem>>
        %dma_start3A_606 = tpu.memref_squeeze %dma_start3A_605 : memref<1x128xi32, #tpu.memory_space<vmem>> -> memref<128xi32, #tpu.memory_space<vmem>>
        %dma_start3A_607 = arith.constant 0 : i32
        %dma_start3A_608 = arith.constant 0 : i32
        %dma_start3A_609 = tpu.memref_slice %arg25[%dma_start3A_607, %dma_start3A_608] : memref<10240x16xf32, #tpu.memory_space<vmem_shared>> -> memref<10240x16xf32, #tpu.memory_space<vmem_shared>>
        tpu.enqueue_indirect_dma source(%arg20 : memref<128x16xf32, #tpu.memory_space<vmem>>) target(%dma_start3A_609 : memref<10240x16xf32, #tpu.memory_space<vmem_shared>>) offsets(%dma_start3A_606 : memref<128xi32, #tpu.memory_space<vmem>>) semaphore(%run_scoped3A : memref<!tpu.dma_semaphore, #tpu.memory_space<semaphore_mem>>) {add = true}
        %dma_wait3A_610 = arith.constant 0 : i32
        %dma_wait3A_611 = tpu.memref_slice %arg7[%add3A_524, %dma_wait3A_610] : memref<80x128xi32, #tpu.memory_space<vmem>> -> memref<1x128xi32, #tpu.memory_space<vmem>>
        %dma_wait3A_612 = tpu.memref_squeeze %dma_wait3A_611 : memref<1x128xi32, #tpu.memory_space<vmem>> -> memref<128xi32, #tpu.memory_space<vmem>>
        %dma_wait3A_613 = arith.constant 0 : i32
        %dma_wait3A_614 = arith.constant 0 : i32
        %dma_wait3A_615 = tpu.memref_slice %arg25[%dma_wait3A_613, %dma_wait3A_614] : memref<10240x16xf32, #tpu.memory_space<vmem_shared>> -> memref<10240x16xf32, #tpu.memory_space<vmem_shared>>
        tpu.wait_indirect_dma semaphore(%run_scoped3A : memref<!tpu.dma_semaphore, #tpu.memory_space<semaphore_mem>>) src(%arg20 : memref<128x16xf32, #tpu.memory_space<vmem>>) dst(%dma_wait3A_615 : memref<10240x16xf32, #tpu.memory_space<vmem_shared>>)
        tpu.yield
      }) : () -> ()
      %add3A_525 = arith.constant 16 : i32
      %add3A_526 = arith.addi %mul3A_251, %add3A_525 : i32
      %add3A_527 = arith.constant 12 : i32
      %add3A_528 = arith.addi %add3A_526, %add3A_527 : i32
      %min3A_529 = arith.constant 79 : i32
      %min3A_530 = arith.minsi %add3A_528, %min3A_529 : i32
      %dma_start3A_531 = arith.constant 0 : i32
      %dma_start3A_532 = tpu.memref_slice %arg6[%min3A_530, %dma_start3A_531] : memref<80x128xi32, #tpu.memory_space<vmem>> -> memref<1x128xi32, #tpu.memory_space<vmem>>
      %dma_start3A_533 = tpu.memref_squeeze %dma_start3A_532 : memref<1x128xi32, #tpu.memory_space<vmem>> -> memref<128xi32, #tpu.memory_space<vmem>>
      %dma_start3A_534 = arith.constant 0 : i32
      %dma_start3A_535 = arith.constant 0 : i32
      %dma_start3A_536 = tpu.memref_slice %arg24[%dma_start3A_534, %dma_start3A_535] : memref<10240x16xf32, #tpu.memory_space<vmem_shared>> -> memref<10240x16xf32, #tpu.memory_space<vmem_shared>>
      tpu.enqueue_indirect_dma source(%dma_start3A_536 : memref<10240x16xf32, #tpu.memory_space<vmem_shared>>) target(%arg20 : memref<128x16xf32, #tpu.memory_space<vmem>>) offsets(%dma_start3A_533 : memref<128xi32, #tpu.memory_space<vmem>>) semaphore(%arg38 : memref<!tpu.dma_semaphore, #tpu.memory_space<semaphore_mem>>)
      %add3A_537 = arith.constant 13 : i32
      %add3A_538 = arith.addi %mul3A_251, %add3A_537 : i32
      %dma_wait3A_539 = arith.constant 0 : i32
      %dma_wait3A_540 = tpu.memref_slice %arg6[%add3A_538, %dma_wait3A_539] : memref<80x128xi32, #tpu.memory_space<vmem>> -> memref<1x128xi32, #tpu.memory_space<vmem>>
      %dma_wait3A_541 = tpu.memref_squeeze %dma_wait3A_540 : memref<1x128xi32, #tpu.memory_space<vmem>> -> memref<128xi32, #tpu.memory_space<vmem>>
      %dma_wait3A_542 = arith.constant 0 : i32
      %dma_wait3A_543 = arith.constant 0 : i32
      %dma_wait3A_544 = tpu.memref_slice %arg24[%dma_wait3A_542, %dma_wait3A_543] : memref<10240x16xf32, #tpu.memory_space<vmem_shared>> -> memref<10240x16xf32, #tpu.memory_space<vmem_shared>>
      tpu.wait_indirect_dma semaphore(%arg39 : memref<!tpu.dma_semaphore, #tpu.memory_space<semaphore_mem>>) src(%dma_wait3A_544 : memref<10240x16xf32, #tpu.memory_space<vmem_shared>>) dst(%arg21 : memref<128x16xf32, #tpu.memory_space<vmem>>)
      %add3A_545 = arith.constant 13 : i32
      %add3A_546 = arith.addi %mul3A_251, %add3A_545 : i32
      "tpu.region"() ({
        %run_scoped3A = tpu.sem_alloc : memref<!tpu.dma_semaphore, #tpu.memory_space<semaphore_mem>>
        %dma_start3A_604 = arith.constant 0 : i32
        %dma_start3A_605 = tpu.memref_slice %arg7[%add3A_546, %dma_start3A_604] : memref<80x128xi32, #tpu.memory_space<vmem>> -> memref<1x128xi32, #tpu.memory_space<vmem>>
        %dma_start3A_606 = tpu.memref_squeeze %dma_start3A_605 : memref<1x128xi32, #tpu.memory_space<vmem>> -> memref<128xi32, #tpu.memory_space<vmem>>
        %dma_start3A_607 = arith.constant 0 : i32
        %dma_start3A_608 = arith.constant 0 : i32
        %dma_start3A_609 = tpu.memref_slice %arg25[%dma_start3A_607, %dma_start3A_608] : memref<10240x16xf32, #tpu.memory_space<vmem_shared>> -> memref<10240x16xf32, #tpu.memory_space<vmem_shared>>
        tpu.enqueue_indirect_dma source(%arg21 : memref<128x16xf32, #tpu.memory_space<vmem>>) target(%dma_start3A_609 : memref<10240x16xf32, #tpu.memory_space<vmem_shared>>) offsets(%dma_start3A_606 : memref<128xi32, #tpu.memory_space<vmem>>) semaphore(%run_scoped3A : memref<!tpu.dma_semaphore, #tpu.memory_space<semaphore_mem>>) {add = true}
        %dma_wait3A_610 = arith.constant 0 : i32
        %dma_wait3A_611 = tpu.memref_slice %arg7[%add3A_546, %dma_wait3A_610] : memref<80x128xi32, #tpu.memory_space<vmem>> -> memref<1x128xi32, #tpu.memory_space<vmem>>
        %dma_wait3A_612 = tpu.memref_squeeze %dma_wait3A_611 : memref<1x128xi32, #tpu.memory_space<vmem>> -> memref<128xi32, #tpu.memory_space<vmem>>
        %dma_wait3A_613 = arith.constant 0 : i32
        %dma_wait3A_614 = arith.constant 0 : i32
        %dma_wait3A_615 = tpu.memref_slice %arg25[%dma_wait3A_613, %dma_wait3A_614] : memref<10240x16xf32, #tpu.memory_space<vmem_shared>> -> memref<10240x16xf32, #tpu.memory_space<vmem_shared>>
        tpu.wait_indirect_dma semaphore(%run_scoped3A : memref<!tpu.dma_semaphore, #tpu.memory_space<semaphore_mem>>) src(%arg21 : memref<128x16xf32, #tpu.memory_space<vmem>>) dst(%dma_wait3A_615 : memref<10240x16xf32, #tpu.memory_space<vmem_shared>>)
        tpu.yield
      }) : () -> ()
      %add3A_547 = arith.constant 16 : i32
      %add3A_548 = arith.addi %mul3A_251, %add3A_547 : i32
      %add3A_549 = arith.constant 13 : i32
      %add3A_550 = arith.addi %add3A_548, %add3A_549 : i32
      %min3A_551 = arith.constant 79 : i32
      %min3A_552 = arith.minsi %add3A_550, %min3A_551 : i32
      %dma_start3A_553 = arith.constant 0 : i32
      %dma_start3A_554 = tpu.memref_slice %arg6[%min3A_552, %dma_start3A_553] : memref<80x128xi32, #tpu.memory_space<vmem>> -> memref<1x128xi32, #tpu.memory_space<vmem>>
      %dma_start3A_555 = tpu.memref_squeeze %dma_start3A_554 : memref<1x128xi32, #tpu.memory_space<vmem>> -> memref<128xi32, #tpu.memory_space<vmem>>
      %dma_start3A_556 = arith.constant 0 : i32
      %dma_start3A_557 = arith.constant 0 : i32
      %dma_start3A_558 = tpu.memref_slice %arg24[%dma_start3A_556, %dma_start3A_557] : memref<10240x16xf32, #tpu.memory_space<vmem_shared>> -> memref<10240x16xf32, #tpu.memory_space<vmem_shared>>
      tpu.enqueue_indirect_dma source(%dma_start3A_558 : memref<10240x16xf32, #tpu.memory_space<vmem_shared>>) target(%arg21 : memref<128x16xf32, #tpu.memory_space<vmem>>) offsets(%dma_start3A_555 : memref<128xi32, #tpu.memory_space<vmem>>) semaphore(%arg39 : memref<!tpu.dma_semaphore, #tpu.memory_space<semaphore_mem>>)
      %add3A_559 = arith.constant 14 : i32
      %add3A_560 = arith.addi %mul3A_251, %add3A_559 : i32
      %dma_wait3A_561 = arith.constant 0 : i32
      %dma_wait3A_562 = tpu.memref_slice %arg6[%add3A_560, %dma_wait3A_561] : memref<80x128xi32, #tpu.memory_space<vmem>> -> memref<1x128xi32, #tpu.memory_space<vmem>>
      %dma_wait3A_563 = tpu.memref_squeeze %dma_wait3A_562 : memref<1x128xi32, #tpu.memory_space<vmem>> -> memref<128xi32, #tpu.memory_space<vmem>>
      %dma_wait3A_564 = arith.constant 0 : i32
      %dma_wait3A_565 = arith.constant 0 : i32
      %dma_wait3A_566 = tpu.memref_slice %arg24[%dma_wait3A_564, %dma_wait3A_565] : memref<10240x16xf32, #tpu.memory_space<vmem_shared>> -> memref<10240x16xf32, #tpu.memory_space<vmem_shared>>
      tpu.wait_indirect_dma semaphore(%arg40 : memref<!tpu.dma_semaphore, #tpu.memory_space<semaphore_mem>>) src(%dma_wait3A_566 : memref<10240x16xf32, #tpu.memory_space<vmem_shared>>) dst(%arg22 : memref<128x16xf32, #tpu.memory_space<vmem>>)
      %add3A_567 = arith.constant 14 : i32
      %add3A_568 = arith.addi %mul3A_251, %add3A_567 : i32
      "tpu.region"() ({
        %run_scoped3A = tpu.sem_alloc : memref<!tpu.dma_semaphore, #tpu.memory_space<semaphore_mem>>
        %dma_start3A_604 = arith.constant 0 : i32
        %dma_start3A_605 = tpu.memref_slice %arg7[%add3A_568, %dma_start3A_604] : memref<80x128xi32, #tpu.memory_space<vmem>> -> memref<1x128xi32, #tpu.memory_space<vmem>>
        %dma_start3A_606 = tpu.memref_squeeze %dma_start3A_605 : memref<1x128xi32, #tpu.memory_space<vmem>> -> memref<128xi32, #tpu.memory_space<vmem>>
        %dma_start3A_607 = arith.constant 0 : i32
        %dma_start3A_608 = arith.constant 0 : i32
        %dma_start3A_609 = tpu.memref_slice %arg25[%dma_start3A_607, %dma_start3A_608] : memref<10240x16xf32, #tpu.memory_space<vmem_shared>> -> memref<10240x16xf32, #tpu.memory_space<vmem_shared>>
        tpu.enqueue_indirect_dma source(%arg22 : memref<128x16xf32, #tpu.memory_space<vmem>>) target(%dma_start3A_609 : memref<10240x16xf32, #tpu.memory_space<vmem_shared>>) offsets(%dma_start3A_606 : memref<128xi32, #tpu.memory_space<vmem>>) semaphore(%run_scoped3A : memref<!tpu.dma_semaphore, #tpu.memory_space<semaphore_mem>>) {add = true}
        %dma_wait3A_610 = arith.constant 0 : i32
        %dma_wait3A_611 = tpu.memref_slice %arg7[%add3A_568, %dma_wait3A_610] : memref<80x128xi32, #tpu.memory_space<vmem>> -> memref<1x128xi32, #tpu.memory_space<vmem>>
        %dma_wait3A_612 = tpu.memref_squeeze %dma_wait3A_611 : memref<1x128xi32, #tpu.memory_space<vmem>> -> memref<128xi32, #tpu.memory_space<vmem>>
        %dma_wait3A_613 = arith.constant 0 : i32
        %dma_wait3A_614 = arith.constant 0 : i32
        %dma_wait3A_615 = tpu.memref_slice %arg25[%dma_wait3A_613, %dma_wait3A_614] : memref<10240x16xf32, #tpu.memory_space<vmem_shared>> -> memref<10240x16xf32, #tpu.memory_space<vmem_shared>>
        tpu.wait_indirect_dma semaphore(%run_scoped3A : memref<!tpu.dma_semaphore, #tpu.memory_space<semaphore_mem>>) src(%arg22 : memref<128x16xf32, #tpu.memory_space<vmem>>) dst(%dma_wait3A_615 : memref<10240x16xf32, #tpu.memory_space<vmem_shared>>)
        tpu.yield
      }) : () -> ()
      %add3A_569 = arith.constant 16 : i32
      %add3A_570 = arith.addi %mul3A_251, %add3A_569 : i32
      %add3A_571 = arith.constant 14 : i32
      %add3A_572 = arith.addi %add3A_570, %add3A_571 : i32
      %min3A_573 = arith.constant 79 : i32
      %min3A_574 = arith.minsi %add3A_572, %min3A_573 : i32
      %dma_start3A_575 = arith.constant 0 : i32
      %dma_start3A_576 = tpu.memref_slice %arg6[%min3A_574, %dma_start3A_575] : memref<80x128xi32, #tpu.memory_space<vmem>> -> memref<1x128xi32, #tpu.memory_space<vmem>>
      %dma_start3A_577 = tpu.memref_squeeze %dma_start3A_576 : memref<1x128xi32, #tpu.memory_space<vmem>> -> memref<128xi32, #tpu.memory_space<vmem>>
      %dma_start3A_578 = arith.constant 0 : i32
      %dma_start3A_579 = arith.constant 0 : i32
      %dma_start3A_580 = tpu.memref_slice %arg24[%dma_start3A_578, %dma_start3A_579] : memref<10240x16xf32, #tpu.memory_space<vmem_shared>> -> memref<10240x16xf32, #tpu.memory_space<vmem_shared>>
      tpu.enqueue_indirect_dma source(%dma_start3A_580 : memref<10240x16xf32, #tpu.memory_space<vmem_shared>>) target(%arg22 : memref<128x16xf32, #tpu.memory_space<vmem>>) offsets(%dma_start3A_577 : memref<128xi32, #tpu.memory_space<vmem>>) semaphore(%arg40 : memref<!tpu.dma_semaphore, #tpu.memory_space<semaphore_mem>>)
      %add3A_581 = arith.constant 15 : i32
      %add3A_582 = arith.addi %mul3A_251, %add3A_581 : i32
      %dma_wait3A_583 = arith.constant 0 : i32
      %dma_wait3A_584 = tpu.memref_slice %arg6[%add3A_582, %dma_wait3A_583] : memref<80x128xi32, #tpu.memory_space<vmem>> -> memref<1x128xi32, #tpu.memory_space<vmem>>
      %dma_wait3A_585 = tpu.memref_squeeze %dma_wait3A_584 : memref<1x128xi32, #tpu.memory_space<vmem>> -> memref<128xi32, #tpu.memory_space<vmem>>
      %dma_wait3A_586 = arith.constant 0 : i32
      %dma_wait3A_587 = arith.constant 0 : i32
      %dma_wait3A_588 = tpu.memref_slice %arg24[%dma_wait3A_586, %dma_wait3A_587] : memref<10240x16xf32, #tpu.memory_space<vmem_shared>> -> memref<10240x16xf32, #tpu.memory_space<vmem_shared>>
      tpu.wait_indirect_dma semaphore(%arg41 : memref<!tpu.dma_semaphore, #tpu.memory_space<semaphore_mem>>) src(%dma_wait3A_588 : memref<10240x16xf32, #tpu.memory_space<vmem_shared>>) dst(%arg23 : memref<128x16xf32, #tpu.memory_space<vmem>>)
      %add3A_589 = arith.constant 15 : i32
      %add3A_590 = arith.addi %mul3A_251, %add3A_589 : i32
      "tpu.region"() ({
        %run_scoped3A = tpu.sem_alloc : memref<!tpu.dma_semaphore, #tpu.memory_space<semaphore_mem>>
        %dma_start3A_604 = arith.constant 0 : i32
        %dma_start3A_605 = tpu.memref_slice %arg7[%add3A_590, %dma_start3A_604] : memref<80x128xi32, #tpu.memory_space<vmem>> -> memref<1x128xi32, #tpu.memory_space<vmem>>
        %dma_start3A_606 = tpu.memref_squeeze %dma_start3A_605 : memref<1x128xi32, #tpu.memory_space<vmem>> -> memref<128xi32, #tpu.memory_space<vmem>>
        %dma_start3A_607 = arith.constant 0 : i32
        %dma_start3A_608 = arith.constant 0 : i32
        %dma_start3A_609 = tpu.memref_slice %arg25[%dma_start3A_607, %dma_start3A_608] : memref<10240x16xf32, #tpu.memory_space<vmem_shared>> -> memref<10240x16xf32, #tpu.memory_space<vmem_shared>>
        tpu.enqueue_indirect_dma source(%arg23 : memref<128x16xf32, #tpu.memory_space<vmem>>) target(%dma_start3A_609 : memref<10240x16xf32, #tpu.memory_space<vmem_shared>>) offsets(%dma_start3A_606 : memref<128xi32, #tpu.memory_space<vmem>>) semaphore(%run_scoped3A : memref<!tpu.dma_semaphore, #tpu.memory_space<semaphore_mem>>) {add = true}
        %dma_wait3A_610 = arith.constant 0 : i32
        %dma_wait3A_611 = tpu.memref_slice %arg7[%add3A_590, %dma_wait3A_610] : memref<80x128xi32, #tpu.memory_space<vmem>> -> memref<1x128xi32, #tpu.memory_space<vmem>>
        %dma_wait3A_612 = tpu.memref_squeeze %dma_wait3A_611 : memref<1x128xi32, #tpu.memory_space<vmem>> -> memref<128xi32, #tpu.memory_space<vmem>>
        %dma_wait3A_613 = arith.constant 0 : i32
        %dma_wait3A_614 = arith.constant 0 : i32
        %dma_wait3A_615 = tpu.memref_slice %arg25[%dma_wait3A_613, %dma_wait3A_614] : memref<10240x16xf32, #tpu.memory_space<vmem_shared>> -> memref<10240x16xf32, #tpu.memory_space<vmem_shared>>
        tpu.wait_indirect_dma semaphore(%run_scoped3A : memref<!tpu.dma_semaphore, #tpu.memory_space<semaphore_mem>>) src(%arg23 : memref<128x16xf32, #tpu.memory_space<vmem>>) dst(%dma_wait3A_615 : memref<10240x16xf32, #tpu.memory_space<vmem_shared>>)
        tpu.yield
      }) : () -> ()
      %add3A_591 = arith.constant 16 : i32
      %add3A_592 = arith.addi %mul3A_251, %add3A_591 : i32
      %add3A_593 = arith.constant 15 : i32
      %add3A_594 = arith.addi %add3A_592, %add3A_593 : i32
      %min3A_595 = arith.constant 79 : i32
      %min3A_596 = arith.minsi %add3A_594, %min3A_595 : i32
      %dma_start3A_597 = arith.constant 0 : i32
      %dma_start3A_598 = tpu.memref_slice %arg6[%min3A_596, %dma_start3A_597] : memref<80x128xi32, #tpu.memory_space<vmem>> -> memref<1x128xi32, #tpu.memory_space<vmem>>
      %dma_start3A_599 = tpu.memref_squeeze %dma_start3A_598 : memref<1x128xi32, #tpu.memory_space<vmem>> -> memref<128xi32, #tpu.memory_space<vmem>>
      %dma_start3A_600 = arith.constant 0 : i32
      %dma_start3A_601 = arith.constant 0 : i32
      %dma_start3A_602 = tpu.memref_slice %arg24[%dma_start3A_600, %dma_start3A_601] : memref<10240x16xf32, #tpu.memory_space<vmem_shared>> -> memref<10240x16xf32, #tpu.memory_space<vmem_shared>>
      tpu.enqueue_indirect_dma source(%dma_start3A_602 : memref<10240x16xf32, #tpu.memory_space<vmem_shared>>) target(%arg23 : memref<128x16xf32, #tpu.memory_space<vmem>>) offsets(%dma_start3A_599 : memref<128xi32, #tpu.memory_space<vmem>>) semaphore(%arg41 : memref<!tpu.dma_semaphore, #tpu.memory_space<semaphore_mem>>)
      %scan3A_603 = arith.constant 0 : i32
      scf.yield %scan3A_603 : i32
    }
    %scan3A_135 = arith.constant 5 : i32
    %dma_wait3A = arith.constant 79 : i32
    %dma_wait3A_136 = arith.constant 0 : i32
    %dma_wait3A_137 = tpu.memref_slice %arg6[%dma_wait3A, %dma_wait3A_136] : memref<80x128xi32, #tpu.memory_space<vmem>> -> memref<1x128xi32, #tpu.memory_space<vmem>>
    %dma_wait3A_138 = tpu.memref_squeeze %dma_wait3A_137 : memref<1x128xi32, #tpu.memory_space<vmem>> -> memref<128xi32, #tpu.memory_space<vmem>>
    %dma_wait3A_139 = arith.constant 0 : i32
    %dma_wait3A_140 = arith.constant 0 : i32
    %dma_wait3A_141 = tpu.memref_slice %arg24[%dma_wait3A_139, %dma_wait3A_140] : memref<10240x16xf32, #tpu.memory_space<vmem_shared>> -> memref<10240x16xf32, #tpu.memory_space<vmem_shared>>
    tpu.wait_indirect_dma semaphore(%arg26 : memref<!tpu.dma_semaphore, #tpu.memory_space<semaphore_mem>>) src(%dma_wait3A_141 : memref<10240x16xf32, #tpu.memory_space<vmem_shared>>) dst(%arg8 : memref<128x16xf32, #tpu.memory_space<vmem>>)
    %dma_wait3A_142 = arith.constant 79 : i32
    %dma_wait3A_143 = arith.constant 0 : i32
    %dma_wait3A_144 = tpu.memref_slice %arg6[%dma_wait3A_142, %dma_wait3A_143] : memref<80x128xi32, #tpu.memory_space<vmem>> -> memref<1x128xi32, #tpu.memory_space<vmem>>
    %dma_wait3A_145 = tpu.memref_squeeze %dma_wait3A_144 : memref<1x128xi32, #tpu.memory_space<vmem>> -> memref<128xi32, #tpu.memory_space<vmem>>
    %dma_wait3A_146 = arith.constant 0 : i32
    %dma_wait3A_147 = arith.constant 0 : i32
    %dma_wait3A_148 = tpu.memref_slice %arg24[%dma_wait3A_146, %dma_wait3A_147] : memref<10240x16xf32, #tpu.memory_space<vmem_shared>> -> memref<10240x16xf32, #tpu.memory_space<vmem_shared>>
    tpu.wait_indirect_dma semaphore(%arg27 : memref<!tpu.dma_semaphore, #tpu.memory_space<semaphore_mem>>) src(%dma_wait3A_148 : memref<10240x16xf32, #tpu.memory_space<vmem_shared>>) dst(%arg9 : memref<128x16xf32, #tpu.memory_space<vmem>>)
    %dma_wait3A_149 = arith.constant 79 : i32
    %dma_wait3A_150 = arith.constant 0 : i32
    %dma_wait3A_151 = tpu.memref_slice %arg6[%dma_wait3A_149, %dma_wait3A_150] : memref<80x128xi32, #tpu.memory_space<vmem>> -> memref<1x128xi32, #tpu.memory_space<vmem>>
    %dma_wait3A_152 = tpu.memref_squeeze %dma_wait3A_151 : memref<1x128xi32, #tpu.memory_space<vmem>> -> memref<128xi32, #tpu.memory_space<vmem>>
    %dma_wait3A_153 = arith.constant 0 : i32
    %dma_wait3A_154 = arith.constant 0 : i32
    %dma_wait3A_155 = tpu.memref_slice %arg24[%dma_wait3A_153, %dma_wait3A_154] : memref<10240x16xf32, #tpu.memory_space<vmem_shared>> -> memref<10240x16xf32, #tpu.memory_space<vmem_shared>>
    tpu.wait_indirect_dma semaphore(%arg28 : memref<!tpu.dma_semaphore, #tpu.memory_space<semaphore_mem>>) src(%dma_wait3A_155 : memref<10240x16xf32, #tpu.memory_space<vmem_shared>>) dst(%arg10 : memref<128x16xf32, #tpu.memory_space<vmem>>)
    %dma_wait3A_156 = arith.constant 79 : i32
    %dma_wait3A_157 = arith.constant 0 : i32
    %dma_wait3A_158 = tpu.memref_slice %arg6[%dma_wait3A_156, %dma_wait3A_157] : memref<80x128xi32, #tpu.memory_space<vmem>> -> memref<1x128xi32, #tpu.memory_space<vmem>>
    %dma_wait3A_159 = tpu.memref_squeeze %dma_wait3A_158 : memref<1x128xi32, #tpu.memory_space<vmem>> -> memref<128xi32, #tpu.memory_space<vmem>>
    %dma_wait3A_160 = arith.constant 0 : i32
    %dma_wait3A_161 = arith.constant 0 : i32
    %dma_wait3A_162 = tpu.memref_slice %arg24[%dma_wait3A_160, %dma_wait3A_161] : memref<10240x16xf32, #tpu.memory_space<vmem_shared>> -> memref<10240x16xf32, #tpu.memory_space<vmem_shared>>
    tpu.wait_indirect_dma semaphore(%arg29 : memref<!tpu.dma_semaphore, #tpu.memory_space<semaphore_mem>>) src(%dma_wait3A_162 : memref<10240x16xf32, #tpu.memory_space<vmem_shared>>) dst(%arg11 : memref<128x16xf32, #tpu.memory_space<vmem>>)
    %dma_wait3A_163 = arith.constant 79 : i32
    %dma_wait3A_164 = arith.constant 0 : i32
    %dma_wait3A_165 = tpu.memref_slice %arg6[%dma_wait3A_163, %dma_wait3A_164] : memref<80x128xi32, #tpu.memory_space<vmem>> -> memref<1x128xi32, #tpu.memory_space<vmem>>
    %dma_wait3A_166 = tpu.memref_squeeze %dma_wait3A_165 : memref<1x128xi32, #tpu.memory_space<vmem>> -> memref<128xi32, #tpu.memory_space<vmem>>
    %dma_wait3A_167 = arith.constant 0 : i32
    %dma_wait3A_168 = arith.constant 0 : i32
    %dma_wait3A_169 = tpu.memref_slice %arg24[%dma_wait3A_167, %dma_wait3A_168] : memref<10240x16xf32, #tpu.memory_space<vmem_shared>> -> memref<10240x16xf32, #tpu.memory_space<vmem_shared>>
    tpu.wait_indirect_dma semaphore(%arg30 : memref<!tpu.dma_semaphore, #tpu.memory_space<semaphore_mem>>) src(%dma_wait3A_169 : memref<10240x16xf32, #tpu.memory_space<vmem_shared>>) dst(%arg12 : memref<128x16xf32, #tpu.memory_space<vmem>>)
    %dma_wait3A_170 = arith.constant 79 : i32
    %dma_wait3A_171 = arith.constant 0 : i32
    %dma_wait3A_172 = tpu.memref_slice %arg6[%dma_wait3A_170, %dma_wait3A_171] : memref<80x128xi32, #tpu.memory_space<vmem>> -> memref<1x128xi32, #tpu.memory_space<vmem>>
    %dma_wait3A_173 = tpu.memref_squeeze %dma_wait3A_172 : memref<1x128xi32, #tpu.memory_space<vmem>> -> memref<128xi32, #tpu.memory_space<vmem>>
    %dma_wait3A_174 = arith.constant 0 : i32
    %dma_wait3A_175 = arith.constant 0 : i32
    %dma_wait3A_176 = tpu.memref_slice %arg24[%dma_wait3A_174, %dma_wait3A_175] : memref<10240x16xf32, #tpu.memory_space<vmem_shared>> -> memref<10240x16xf32, #tpu.memory_space<vmem_shared>>
    tpu.wait_indirect_dma semaphore(%arg31 : memref<!tpu.dma_semaphore, #tpu.memory_space<semaphore_mem>>) src(%dma_wait3A_176 : memref<10240x16xf32, #tpu.memory_space<vmem_shared>>) dst(%arg13 : memref<128x16xf32, #tpu.memory_space<vmem>>)
    %dma_wait3A_177 = arith.constant 79 : i32
    %dma_wait3A_178 = arith.constant 0 : i32
    %dma_wait3A_179 = tpu.memref_slice %arg6[%dma_wait3A_177, %dma_wait3A_178] : memref<80x128xi32, #tpu.memory_space<vmem>> -> memref<1x128xi32, #tpu.memory_space<vmem>>
    %dma_wait3A_180 = tpu.memref_squeeze %dma_wait3A_179 : memref<1x128xi32, #tpu.memory_space<vmem>> -> memref<128xi32, #tpu.memory_space<vmem>>
    %dma_wait3A_181 = arith.constant 0 : i32
    %dma_wait3A_182 = arith.constant 0 : i32
    %dma_wait3A_183 = tpu.memref_slice %arg24[%dma_wait3A_181, %dma_wait3A_182] : memref<10240x16xf32, #tpu.memory_space<vmem_shared>> -> memref<10240x16xf32, #tpu.memory_space<vmem_shared>>
    tpu.wait_indirect_dma semaphore(%arg32 : memref<!tpu.dma_semaphore, #tpu.memory_space<semaphore_mem>>) src(%dma_wait3A_183 : memref<10240x16xf32, #tpu.memory_space<vmem_shared>>) dst(%arg14 : memref<128x16xf32, #tpu.memory_space<vmem>>)
    %dma_wait3A_184 = arith.constant 79 : i32
    %dma_wait3A_185 = arith.constant 0 : i32
    %dma_wait3A_186 = tpu.memref_slice %arg6[%dma_wait3A_184, %dma_wait3A_185] : memref<80x128xi32, #tpu.memory_space<vmem>> -> memref<1x128xi32, #tpu.memory_space<vmem>>
    %dma_wait3A_187 = tpu.memref_squeeze %dma_wait3A_186 : memref<1x128xi32, #tpu.memory_space<vmem>> -> memref<128xi32, #tpu.memory_space<vmem>>
    %dma_wait3A_188 = arith.constant 0 : i32
    %dma_wait3A_189 = arith.constant 0 : i32
    %dma_wait3A_190 = tpu.memref_slice %arg24[%dma_wait3A_188, %dma_wait3A_189] : memref<10240x16xf32, #tpu.memory_space<vmem_shared>> -> memref<10240x16xf32, #tpu.memory_space<vmem_shared>>
    tpu.wait_indirect_dma semaphore(%arg33 : memref<!tpu.dma_semaphore, #tpu.memory_space<semaphore_mem>>) src(%dma_wait3A_190 : memref<10240x16xf32, #tpu.memory_space<vmem_shared>>) dst(%arg15 : memref<128x16xf32, #tpu.memory_space<vmem>>)
    %dma_wait3A_191 = arith.constant 79 : i32
    %dma_wait3A_192 = arith.constant 0 : i32
    %dma_wait3A_193 = tpu.memref_slice %arg6[%dma_wait3A_191, %dma_wait3A_192] : memref<80x128xi32, #tpu.memory_space<vmem>> -> memref<1x128xi32, #tpu.memory_space<vmem>>
    %dma_wait3A_194 = tpu.memref_squeeze %dma_wait3A_193 : memref<1x128xi32, #tpu.memory_space<vmem>> -> memref<128xi32, #tpu.memory_space<vmem>>
    %dma_wait3A_195 = arith.constant 0 : i32
    %dma_wait3A_196 = arith.constant 0 : i32
    %dma_wait3A_197 = tpu.memref_slice %arg24[%dma_wait3A_195, %dma_wait3A_196] : memref<10240x16xf32, #tpu.memory_space<vmem_shared>> -> memref<10240x16xf32, #tpu.memory_space<vmem_shared>>
    tpu.wait_indirect_dma semaphore(%arg34 : memref<!tpu.dma_semaphore, #tpu.memory_space<semaphore_mem>>) src(%dma_wait3A_197 : memref<10240x16xf32, #tpu.memory_space<vmem_shared>>) dst(%arg16 : memref<128x16xf32, #tpu.memory_space<vmem>>)
    %dma_wait3A_198 = arith.constant 79 : i32
    %dma_wait3A_199 = arith.constant 0 : i32
    %dma_wait3A_200 = tpu.memref_slice %arg6[%dma_wait3A_198, %dma_wait3A_199] : memref<80x128xi32, #tpu.memory_space<vmem>> -> memref<1x128xi32, #tpu.memory_space<vmem>>
    %dma_wait3A_201 = tpu.memref_squeeze %dma_wait3A_200 : memref<1x128xi32, #tpu.memory_space<vmem>> -> memref<128xi32, #tpu.memory_space<vmem>>
    %dma_wait3A_202 = arith.constant 0 : i32
    %dma_wait3A_203 = arith.constant 0 : i32
    %dma_wait3A_204 = tpu.memref_slice %arg24[%dma_wait3A_202, %dma_wait3A_203] : memref<10240x16xf32, #tpu.memory_space<vmem_shared>> -> memref<10240x16xf32, #tpu.memory_space<vmem_shared>>
    tpu.wait_indirect_dma semaphore(%arg35 : memref<!tpu.dma_semaphore, #tpu.memory_space<semaphore_mem>>) src(%dma_wait3A_204 : memref<10240x16xf32, #tpu.memory_space<vmem_shared>>) dst(%arg17 : memref<128x16xf32, #tpu.memory_space<vmem>>)
    %dma_wait3A_205 = arith.constant 79 : i32
    %dma_wait3A_206 = arith.constant 0 : i32
    %dma_wait3A_207 = tpu.memref_slice %arg6[%dma_wait3A_205, %dma_wait3A_206] : memref<80x128xi32, #tpu.memory_space<vmem>> -> memref<1x128xi32, #tpu.memory_space<vmem>>
    %dma_wait3A_208 = tpu.memref_squeeze %dma_wait3A_207 : memref<1x128xi32, #tpu.memory_space<vmem>> -> memref<128xi32, #tpu.memory_space<vmem>>
    %dma_wait3A_209 = arith.constant 0 : i32
    %dma_wait3A_210 = arith.constant 0 : i32
    %dma_wait3A_211 = tpu.memref_slice %arg24[%dma_wait3A_209, %dma_wait3A_210] : memref<10240x16xf32, #tpu.memory_space<vmem_shared>> -> memref<10240x16xf32, #tpu.memory_space<vmem_shared>>
    tpu.wait_indirect_dma semaphore(%arg36 : memref<!tpu.dma_semaphore, #tpu.memory_space<semaphore_mem>>) src(%dma_wait3A_211 : memref<10240x16xf32, #tpu.memory_space<vmem_shared>>) dst(%arg18 : memref<128x16xf32, #tpu.memory_space<vmem>>)
    %dma_wait3A_212 = arith.constant 79 : i32
    %dma_wait3A_213 = arith.constant 0 : i32
    %dma_wait3A_214 = tpu.memref_slice %arg6[%dma_wait3A_212, %dma_wait3A_213] : memref<80x128xi32, #tpu.memory_space<vmem>> -> memref<1x128xi32, #tpu.memory_space<vmem>>
    %dma_wait3A_215 = tpu.memref_squeeze %dma_wait3A_214 : memref<1x128xi32, #tpu.memory_space<vmem>> -> memref<128xi32, #tpu.memory_space<vmem>>
    %dma_wait3A_216 = arith.constant 0 : i32
    %dma_wait3A_217 = arith.constant 0 : i32
    %dma_wait3A_218 = tpu.memref_slice %arg24[%dma_wait3A_216, %dma_wait3A_217] : memref<10240x16xf32, #tpu.memory_space<vmem_shared>> -> memref<10240x16xf32, #tpu.memory_space<vmem_shared>>
    tpu.wait_indirect_dma semaphore(%arg37 : memref<!tpu.dma_semaphore, #tpu.memory_space<semaphore_mem>>) src(%dma_wait3A_218 : memref<10240x16xf32, #tpu.memory_space<vmem_shared>>) dst(%arg19 : memref<128x16xf32, #tpu.memory_space<vmem>>)
    %dma_wait3A_219 = arith.constant 79 : i32
    %dma_wait3A_220 = arith.constant 0 : i32
    %dma_wait3A_221 = tpu.memref_slice %arg6[%dma_wait3A_219, %dma_wait3A_220] : memref<80x128xi32, #tpu.memory_space<vmem>> -> memref<1x128xi32, #tpu.memory_space<vmem>>
    %dma_wait3A_222 = tpu.memref_squeeze %dma_wait3A_221 : memref<1x128xi32, #tpu.memory_space<vmem>> -> memref<128xi32, #tpu.memory_space<vmem>>
    %dma_wait3A_223 = arith.constant 0 : i32
    %dma_wait3A_224 = arith.constant 0 : i32
    %dma_wait3A_225 = tpu.memref_slice %arg24[%dma_wait3A_223, %dma_wait3A_224] : memref<10240x16xf32, #tpu.memory_space<vmem_shared>> -> memref<10240x16xf32, #tpu.memory_space<vmem_shared>>
    tpu.wait_indirect_dma semaphore(%arg38 : memref<!tpu.dma_semaphore, #tpu.memory_space<semaphore_mem>>) src(%dma_wait3A_225 : memref<10240x16xf32, #tpu.memory_space<vmem_shared>>) dst(%arg20 : memref<128x16xf32, #tpu.memory_space<vmem>>)
    %dma_wait3A_226 = arith.constant 79 : i32
    %dma_wait3A_227 = arith.constant 0 : i32
    %dma_wait3A_228 = tpu.memref_slice %arg6[%dma_wait3A_226, %dma_wait3A_227] : memref<80x128xi32, #tpu.memory_space<vmem>> -> memref<1x128xi32, #tpu.memory_space<vmem>>
    %dma_wait3A_229 = tpu.memref_squeeze %dma_wait3A_228 : memref<1x128xi32, #tpu.memory_space<vmem>> -> memref<128xi32, #tpu.memory_space<vmem>>
    %dma_wait3A_230 = arith.constant 0 : i32
    %dma_wait3A_231 = arith.constant 0 : i32
    %dma_wait3A_232 = tpu.memref_slice %arg24[%dma_wait3A_230, %dma_wait3A_231] : memref<10240x16xf32, #tpu.memory_space<vmem_shared>> -> memref<10240x16xf32, #tpu.memory_space<vmem_shared>>
    tpu.wait_indirect_dma semaphore(%arg39 : memref<!tpu.dma_semaphore, #tpu.memory_space<semaphore_mem>>) src(%dma_wait3A_232 : memref<10240x16xf32, #tpu.memory_space<vmem_shared>>) dst(%arg21 : memref<128x16xf32, #tpu.memory_space<vmem>>)
    %dma_wait3A_233 = arith.constant 79 : i32
    %dma_wait3A_234 = arith.constant 0 : i32
    %dma_wait3A_235 = tpu.memref_slice %arg6[%dma_wait3A_233, %dma_wait3A_234] : memref<80x128xi32, #tpu.memory_space<vmem>> -> memref<1x128xi32, #tpu.memory_space<vmem>>
    %dma_wait3A_236 = tpu.memref_squeeze %dma_wait3A_235 : memref<1x128xi32, #tpu.memory_space<vmem>> -> memref<128xi32, #tpu.memory_space<vmem>>
    %dma_wait3A_237 = arith.constant 0 : i32
    %dma_wait3A_238 = arith.constant 0 : i32
    %dma_wait3A_239 = tpu.memref_slice %arg24[%dma_wait3A_237, %dma_wait3A_238] : memref<10240x16xf32, #tpu.memory_space<vmem_shared>> -> memref<10240x16xf32, #tpu.memory_space<vmem_shared>>
    tpu.wait_indirect_dma semaphore(%arg40 : memref<!tpu.dma_semaphore, #tpu.memory_space<semaphore_mem>>) src(%dma_wait3A_239 : memref<10240x16xf32, #tpu.memory_space<vmem_shared>>) dst(%arg22 : memref<128x16xf32, #tpu.memory_space<vmem>>)
    %dma_wait3A_240 = arith.constant 79 : i32
    %dma_wait3A_241 = arith.constant 0 : i32
    %dma_wait3A_242 = tpu.memref_slice %arg6[%dma_wait3A_240, %dma_wait3A_241] : memref<80x128xi32, #tpu.memory_space<vmem>> -> memref<1x128xi32, #tpu.memory_space<vmem>>
    %dma_wait3A_243 = tpu.memref_squeeze %dma_wait3A_242 : memref<1x128xi32, #tpu.memory_space<vmem>> -> memref<128xi32, #tpu.memory_space<vmem>>
    %dma_wait3A_244 = arith.constant 0 : i32
    %dma_wait3A_245 = arith.constant 0 : i32
    %dma_wait3A_246 = tpu.memref_slice %arg24[%dma_wait3A_244, %dma_wait3A_245] : memref<10240x16xf32, #tpu.memory_space<vmem_shared>> -> memref<10240x16xf32, #tpu.memory_space<vmem_shared>>
    tpu.wait_indirect_dma semaphore(%arg41 : memref<!tpu.dma_semaphore, #tpu.memory_space<semaphore_mem>>) src(%dma_wait3A_246 : memref<10240x16xf32, #tpu.memory_space<vmem_shared>>) dst(%arg23 : memref<128x16xf32, #tpu.memory_space<vmem>>)
    %barrier3A_247 = arith.constant 0 : index
    tpu.barrier barrier_id(%barrier3A_247)
    "tpu.region"() ({
      %run_scoped3A = tpu.sem_alloc : memref<!tpu.dma_semaphore, #tpu.memory_space<semaphore_mem>>
      %dma_start3A_248 = arith.constant 0 : i32
      %dma_start3A_249 = arith.constant 0 : i32
      %dma_start3A_250 = tpu.memref_slice %arg5[%arg0, %dma_start3A_248, %dma_start3A_249] : memref<2x10240x16xf32, #tpu.memory_space<hbm>> -> memref<1x10240x16xf32, #tpu.memory_space<hbm>>
      %dma_start3A_251 = tpu.memref_squeeze %dma_start3A_250 : memref<1x10240x16xf32, #tpu.memory_space<hbm>> -> memref<10240x16xf32, #tpu.memory_space<hbm>>
      %dma_start3A_252 = arith.constant 0 : i32
      %dma_start3A_253 = tpu.memref_slice %dma_start3A_251[%mul3A_0, %dma_start3A_252] : memref<10240x16xf32, #tpu.memory_space<hbm>> -> memref<640x16xf32, #tpu.memory_space<hbm>>
      %dma_start3A_254 = arith.constant 0 : i32
      %dma_start3A_255 = tpu.memref_slice %arg25[%mul3A_0, %dma_start3A_254] : memref<10240x16xf32, #tpu.memory_space<vmem_shared>> -> memref<640x16xf32, #tpu.memory_space<vmem_shared>>
      tpu.enqueue_dma source(%dma_start3A_255 : memref<640x16xf32, #tpu.memory_space<vmem_shared>>) target(%dma_start3A_253 : memref<640x16xf32, #tpu.memory_space<hbm>>) target_semaphore(%run_scoped3A : memref<!tpu.dma_semaphore, #tpu.memory_space<semaphore_mem>>)
      %dma_wait3A_256 = arith.constant 0 : i32
      %dma_wait3A_257 = arith.constant 0 : i32
      %dma_wait3A_258 = tpu.memref_slice %arg5[%arg0, %dma_wait3A_256, %dma_wait3A_257] : memref<2x10240x16xf32, #tpu.memory_space<hbm>> -> memref<1x10240x16xf32, #tpu.memory_space<hbm>>
      %dma_wait3A_259 = tpu.memref_squeeze %dma_wait3A_258 : memref<1x10240x16xf32, #tpu.memory_space<hbm>> -> memref<10240x16xf32, #tpu.memory_space<hbm>>
      %dma_wait3A_260 = arith.constant 0 : i32
      %dma_wait3A_261 = tpu.memref_slice %dma_wait3A_259[%mul3A_0, %dma_wait3A_260] : memref<10240x16xf32, #tpu.memory_space<hbm>> -> memref<640x16xf32, #tpu.memory_space<hbm>>
      %dma_wait3A_262 = arith.constant 0 : i32
      %dma_wait3A_263 = tpu.memref_slice %arg25[%mul3A_0, %dma_wait3A_262] : memref<10240x16xf32, #tpu.memory_space<vmem_shared>> -> memref<640x16xf32, #tpu.memory_space<vmem_shared>>
      tpu.wait_dma2 semaphore(%run_scoped3A : memref<!tpu.dma_semaphore, #tpu.memory_space<semaphore_mem>>) src(%dma_wait3A_263 : memref<640x16xf32, #tpu.memory_space<vmem_shared>>) dst(%dma_wait3A_261 : memref<640x16xf32, #tpu.memory_space<hbm>>)
      tpu.yield
    }) : () -> ()
    return
  }
}

module attributes {stable_mosaic.version = 14 : i64} {
  func.func @body(%arg0: i32, %arg1: memref<2x256x16xf32, #tpu.memory_space<vmem>>, %arg2: memref<256x128xf32, #tpu.memory_space<vmem>>, %arg3: memref<128x128xf32, #tpu.memory_space<vmem>>, %arg4: memref<2x256x64xf32, #tpu.memory_space<vmem>>) attributes {dimension_semantics = [#tpu.dimension_semantics<arbitrary>], iteration_bounds = array<i64: 40>, scalar_prefetch = 0 : i64, scratch_operands = 0 : i64, tpu.core_type = #tpu.core_type<tc>, window_params = [{transform_indices = @transform_0, window_bounds = array<i64: 2, 256, 16>}, {transform_indices = @transform_1, window_bounds = array<i64: 256, 128>}, {pipeline_mode = #tpu.pipeline_mode<synchronous>, transform_indices = @transform_2, window_bounds = array<i64: 128, 128>}, {transform_indices = @transform_3, window_bounds = array<i64: 2, 256, 64>}]} {
    %get3A = arith.constant 0 : index
    %get3A_0 = arith.constant 0 : index
    %get3A_1 = arith.constant 0 : index
    %get3A_2 = vector.load %arg1[%get3A, %get3A_0, %get3A_1] : memref<2x256x16xf32, #tpu.memory_space<vmem>>, vector<1x256x1xf32>
    %get3A_3 = vector.shape_cast %get3A_2 : vector<1x256x1xf32> to vector<256x1xf32>
    %get3A_4 = arith.constant 1 : index
    %get3A_5 = arith.constant 0 : index
    %get3A_6 = arith.constant 0 : index
    %get3A_7 = vector.load %arg1[%get3A_4, %get3A_5, %get3A_6] : memref<2x256x16xf32, #tpu.memory_space<vmem>>, vector<1x256x1xf32>
    %get3A_8 = vector.shape_cast %get3A_7 : vector<1x256x1xf32> to vector<256x1xf32>
    %add3A = arith.addf %get3A_3, %get3A_8 : vector<256x1xf32>
    %add3A_9 = arith.constant 1.000000e+00 : f32
    %add3A_10 = vector.broadcast %add3A_9 : f32 to vector<256x1xf32>
    %add3A_11 = arith.addf %add3A, %add3A_10 : vector<256x1xf32>
    %rsqrt3A = math.rsqrt %add3A_11 : vector<256x1xf32>
    %get3A_12 = arith.constant 0 : index
    %get3A_13 = arith.constant 0 : index
    %get3A_14 = vector.load %arg2[%get3A_12, %get3A_13] : memref<256x128xf32, #tpu.memory_space<vmem>>, vector<256x128xf32>
    %get3A_15 = arith.constant 0 : index
    %get3A_16 = arith.constant 0 : index
    %get3A_17 = vector.load %arg3[%get3A_15, %get3A_16] : memref<128x128xf32, #tpu.memory_space<vmem>>, vector<128x128xf32>
    %dot_general3A = arith.constant dense<0.000000e+00> : vector<256x128xf32>
    %dot_general3A_18 = tpu.matmul %get3A_14, %get3A_17, %dot_general3A {dimension_numbers = #tpu.dot_dimension_numbers<[1], [0], [0], [1], [0, 0, 1, 1], [], []>, transpose_lhs_hint = false} : vector<256x128xf32>, vector<128x128xf32>, vector<256x128xf32> -> vector<256x128xf32>
    %mul3A = vector.broadcast %rsqrt3A : vector<256x1xf32> to vector<256x128xf32>
    %mul3A_19 = arith.mulf %mul3A, %dot_general3A_18 : vector<256x128xf32>
    %slice3A = vector.extract_strided_slice %mul3A_19 {offsets = [0, 0], sizes = [256, 64], strides = [1, 1]} : vector<256x128xf32> to vector<256x64xf32>
    %swap3A = arith.constant 0 : index
    %swap3A_20 = arith.constant 0 : index
    %swap3A_21 = arith.constant 0 : index
    %swap3A_22 = vector.load %arg4[%swap3A, %swap3A_20, %swap3A_21] : memref<2x256x64xf32, #tpu.memory_space<vmem>>, vector<1x256x64xf32>
    %swap3A_23 = vector.shape_cast %swap3A_22 : vector<1x256x64xf32> to vector<256x64xf32>
    %swap3A_24 = vector.shape_cast %slice3A : vector<256x64xf32> to vector<1x256x64xf32>
    tpu.vector_store %arg4[%swap3A, %swap3A_20, %swap3A_21], %swap3A_24 {strides = array<i32>} : memref<2x256x64xf32, #tpu.memory_space<vmem>>, vector<1x256x64xf32>,
    %slice3A_25 = vector.extract_strided_slice %mul3A_19 {offsets = [0, 64], sizes = [256, 64], strides = [1, 1]} : vector<256x128xf32> to vector<256x64xf32>
    %swap3A_26 = arith.constant 1 : index
    %swap3A_27 = arith.constant 0 : index
    %swap3A_28 = arith.constant 0 : index
    %swap3A_29 = vector.load %arg4[%swap3A_26, %swap3A_27, %swap3A_28] : memref<2x256x64xf32, #tpu.memory_space<vmem>>, vector<1x256x64xf32>
    %swap3A_30 = vector.shape_cast %swap3A_29 : vector<1x256x64xf32> to vector<256x64xf32>
    %swap3A_31 = vector.shape_cast %slice3A_25 : vector<256x64xf32> to vector<1x256x64xf32>
    tpu.vector_store %arg4[%swap3A_26, %swap3A_27, %swap3A_28], %swap3A_31 {strides = array<i32>} : memref<2x256x64xf32, #tpu.memory_space<vmem>>, vector<1x256x64xf32>,
    return
  }
  func.func @transform_0(%arg0: i32) -> (i32, i32, i32) {
    %c0_i32 = arith.constant 0 : i32
    %c0_i32_0 = arith.constant 0 : i32
    %c0_i32_1 = arith.constant 0 : i32
    return %c0_i32, %arg0, %c0_i32_0 : i32, i32, i32
  }
  func.func @transform_1(%arg0: i32) -> (i32, i32) {
    %c0_i32 = arith.constant 0 : i32
    %c0_i32_0 = arith.constant 0 : i32
    return %arg0, %c0_i32 : i32, i32
  }
  func.func @transform_2(%arg0: i32) -> (i32, i32) {
    %c0_i32 = arith.constant 0 : i32
    %c0_i32_0 = arith.constant 0 : i32
    %c0_i32_1 = arith.constant 0 : i32
    return %c0_i32, %c0_i32_0 : i32, i32
  }
  func.func @transform_3(%arg0: i32) -> (i32, i32, i32) {
    %c0_i32 = arith.constant 0 : i32
    %c0_i32_0 = arith.constant 0 : i32
    %c0_i32_1 = arith.constant 0 : i32
    return %c0_i32, %arg0, %c0_i32_0 : i32, i32, i32
  }
}

module attributes {stable_mosaic.version = 14 : i64} {
  func.func @body(%arg0: i32, %arg1: memref<2x256x16xf32, #tpu.memory_space<vmem>>, %arg2: memref<2x256x64xf32, #tpu.memory_space<vmem>>, %arg3: memref<2x256x64xf32, #tpu.memory_space<vmem>>, %arg4: memref<1x128xf32, #tpu.memory_space<vmem>>, %arg5: memref<128x16xf32, #tpu.memory_space<vmem>>, %arg6: memref<256x16xf32, #tpu.memory_space<vmem>>) attributes {dimension_semantics = [#tpu.dimension_semantics<arbitrary>], iteration_bounds = array<i64: 40>, scalar_prefetch = 0 : i64, scratch_operands = 0 : i64, tpu.core_type = #tpu.core_type<tc>, window_params = [{transform_indices = @transform_0, window_bounds = array<i64: 2, 256, 16>}, {transform_indices = @transform_1, window_bounds = array<i64: 2, 256, 64>}, {transform_indices = @transform_2, window_bounds = array<i64: 2, 256, 64>}, {pipeline_mode = #tpu.pipeline_mode<synchronous>, transform_indices = @transform_3, window_bounds = array<i64: 1, 128>}, {pipeline_mode = #tpu.pipeline_mode<synchronous>, transform_indices = @transform_4, window_bounds = array<i64: 128, 16>}, {transform_indices = @transform_5, window_bounds = array<i64: 256, 16>}]} {
    %get3A = arith.constant 0 : index
    %get3A_0 = arith.constant 0 : index
    %get3A_1 = arith.constant 0 : index
    %get3A_2 = vector.load %arg1[%get3A, %get3A_0, %get3A_1] : memref<2x256x16xf32, #tpu.memory_space<vmem>>, vector<1x256x1xf32>
    %get3A_3 = vector.shape_cast %get3A_2 : vector<1x256x1xf32> to vector<256x1xf32>
    %get3A_4 = arith.constant 1 : index
    %get3A_5 = arith.constant 0 : index
    %get3A_6 = arith.constant 0 : index
    %get3A_7 = vector.load %arg1[%get3A_4, %get3A_5, %get3A_6] : memref<2x256x16xf32, #tpu.memory_space<vmem>>, vector<1x256x1xf32>
    %get3A_8 = vector.shape_cast %get3A_7 : vector<1x256x1xf32> to vector<256x1xf32>
    %add3A = arith.addf %get3A_3, %get3A_8 : vector<256x1xf32>
    %add3A_9 = arith.constant 1.000000e+00 : f32
    %add3A_10 = vector.broadcast %add3A_9 : f32 to vector<256x1xf32>
    %add3A_11 = arith.addf %add3A, %add3A_10 : vector<256x1xf32>
    %rsqrt3A = math.rsqrt %add3A_11 : vector<256x1xf32>
    %get3A_12 = arith.constant 0 : index
    %get3A_13 = arith.constant 0 : index
    %get3A_14 = arith.constant 0 : index
    %get3A_15 = vector.load %arg2[%get3A_12, %get3A_13, %get3A_14] : memref<2x256x64xf32, #tpu.memory_space<vmem>>, vector<1x256x64xf32>
    %get3A_16 = vector.shape_cast %get3A_15 : vector<1x256x64xf32> to vector<256x64xf32>
    %get3A_17 = arith.constant 0 : index
    %get3A_18 = arith.constant 0 : index
    %get3A_19 = arith.constant 0 : index
    %get3A_20 = vector.load %arg3[%get3A_17, %get3A_18, %get3A_19] : memref<2x256x64xf32, #tpu.memory_space<vmem>>, vector<1x256x64xf32>
    %get3A_21 = vector.shape_cast %get3A_20 : vector<1x256x64xf32> to vector<256x64xf32>
    %add3A_22 = arith.addf %get3A_16, %get3A_21 : vector<256x64xf32>
    %get3A_23 = arith.constant 1 : index
    %get3A_24 = arith.constant 0 : index
    %get3A_25 = arith.constant 0 : index
    %get3A_26 = vector.load %arg2[%get3A_23, %get3A_24, %get3A_25] : memref<2x256x64xf32, #tpu.memory_space<vmem>>, vector<1x256x64xf32>
    %get3A_27 = vector.shape_cast %get3A_26 : vector<1x256x64xf32> to vector<256x64xf32>
    %get3A_28 = arith.constant 1 : index
    %get3A_29 = arith.constant 0 : index
    %get3A_30 = arith.constant 0 : index
    %get3A_31 = vector.load %arg3[%get3A_28, %get3A_29, %get3A_30] : memref<2x256x64xf32, #tpu.memory_space<vmem>>, vector<1x256x64xf32>
    %get3A_32 = vector.shape_cast %get3A_31 : vector<1x256x64xf32> to vector<256x64xf32>
    %add3A_33 = arith.addf %get3A_27, %get3A_32 : vector<256x64xf32>
    %concatenate3A = tpu.concatenate %add3A_22, %add3A_33 in 1 : vector<256x64xf32>, vector<256x64xf32> -> vector<256x128xf32>
    %mul3A = vector.broadcast %rsqrt3A : vector<256x1xf32> to vector<256x128xf32>
    %mul3A_34 = arith.mulf %mul3A, %concatenate3A : vector<256x128xf32>
    %get3A_35 = arith.constant 0 : index
    %get3A_36 = arith.constant 0 : index
    %get3A_37 = vector.load %arg4[%get3A_35, %get3A_36] : memref<1x128xf32, #tpu.memory_space<vmem>>, vector<1x128xf32>
    %add3A_38 = vector.broadcast %get3A_37 : vector<1x128xf32> to vector<256x128xf32>
    %add3A_39 = arith.addf %mul3A_34, %add3A_38 : vector<256x128xf32>
    %max3A = arith.constant 0.000000e+00 : f32
    %max3A_40 = vector.broadcast %max3A : f32 to vector<256x128xf32>
    %max3A_41 = arith.maximumf %add3A_39, %max3A_40 : vector<256x128xf32>
    %get3A_42 = arith.constant 0 : index
    %get3A_43 = arith.constant 0 : index
    %get3A_44 = vector.load %arg5[%get3A_42, %get3A_43] : memref<128x16xf32, #tpu.memory_space<vmem>>, vector<128x16xf32>
    %dot_general3A = arith.constant dense<0.000000e+00> : vector<256x16xf32>
    %dot_general3A_45 = tpu.matmul %max3A_41, %get3A_44, %dot_general3A {dimension_numbers = #tpu.dot_dimension_numbers<[1], [0], [0], [1], [0, 0, 1, 1], [], []>, transpose_lhs_hint = false} : vector<256x128xf32>, vector<128x16xf32>, vector<256x16xf32> -> vector<256x16xf32>
    %mul3A_46 = vector.broadcast %rsqrt3A : vector<256x1xf32> to vector<256x16xf32>
    %mul3A_47 = arith.mulf %mul3A_46, %dot_general3A_45 : vector<256x16xf32>
    %swap3A = arith.constant 0 : index
    %swap3A_48 = arith.constant 0 : index
    %swap3A_49 = vector.load %arg6[%swap3A, %swap3A_48] : memref<256x16xf32, #tpu.memory_space<vmem>>, vector<256x16xf32>
    tpu.vector_store %arg6[%swap3A, %swap3A_48], %mul3A_47 {strides = array<i32>} : memref<256x16xf32, #tpu.memory_space<vmem>>, vector<256x16xf32>,
    return
  }
  func.func @transform_0(%arg0: i32) -> (i32, i32, i32) {
    %c0_i32 = arith.constant 0 : i32
    %c0_i32_0 = arith.constant 0 : i32
    %c0_i32_1 = arith.constant 0 : i32
    return %c0_i32, %arg0, %c0_i32_0 : i32, i32, i32
  }
  func.func @transform_1(%arg0: i32) -> (i32, i32, i32) {
    %c0_i32 = arith.constant 0 : i32
    %c0_i32_0 = arith.constant 0 : i32
    %c0_i32_1 = arith.constant 0 : i32
    return %c0_i32, %arg0, %c0_i32_0 : i32, i32, i32
  }
  func.func @transform_2(%arg0: i32) -> (i32, i32, i32) {
    %c0_i32 = arith.constant 0 : i32
    %c0_i32_0 = arith.constant 0 : i32
    %c0_i32_1 = arith.constant 0 : i32
    return %c0_i32, %arg0, %c0_i32_0 : i32, i32, i32
  }
  func.func @transform_3(%arg0: i32) -> (i32, i32) {
    %c0_i32 = arith.constant 0 : i32
    %c0_i32_0 = arith.constant 0 : i32
    %c0_i32_1 = arith.constant 0 : i32
    return %c0_i32, %c0_i32_0 : i32, i32
  }
  func.func @transform_4(%arg0: i32) -> (i32, i32) {
    %c0_i32 = arith.constant 0 : i32
    %c0_i32_0 = arith.constant 0 : i32
    %c0_i32_1 = arith.constant 0 : i32
    return %c0_i32, %c0_i32_0 : i32, i32
  }
  func.func @transform_5(%arg0: i32) -> (i32, i32) {
    %c0_i32 = arith.constant 0 : i32
    %c0_i32_0 = arith.constant 0 : i32
    return %arg0, %c0_i32 : i32, i32
  }
}

module attributes {stable_mosaic.version = 14 : i64} {
  func.func @body(%arg0: i32, %arg1: memref<2x256x16xf32, #tpu.memory_space<vmem>>, %arg2: memref<2x256x16xf32, #tpu.memory_space<vmem>>, %arg3: memref<256x16xf32, #tpu.memory_space<vmem>>, %arg4: memref<1x16xf32, #tpu.memory_space<vmem>>, %arg5: memref<256x16xf32, #tpu.memory_space<vmem>>) attributes {dimension_semantics = [#tpu.dimension_semantics<arbitrary>], iteration_bounds = array<i64: 40>, scalar_prefetch = 0 : i64, scratch_operands = 0 : i64, tpu.core_type = #tpu.core_type<tc>, window_params = [{transform_indices = @transform_0, window_bounds = array<i64: 2, 256, 16>}, {transform_indices = @transform_1, window_bounds = array<i64: 2, 256, 16>}, {transform_indices = @transform_2, window_bounds = array<i64: 256, 16>}, {pipeline_mode = #tpu.pipeline_mode<synchronous>, transform_indices = @transform_3, window_bounds = array<i64: 1, 16>}, {transform_indices = @transform_4, window_bounds = array<i64: 256, 16>}]} {
    %get3A = arith.constant 0 : index
    %get3A_0 = arith.constant 0 : index
    %get3A_1 = arith.constant 0 : index
    %get3A_2 = vector.load %arg1[%get3A, %get3A_0, %get3A_1] : memref<2x256x16xf32, #tpu.memory_space<vmem>>, vector<1x256x1xf32>
    %get3A_3 = vector.shape_cast %get3A_2 : vector<1x256x1xf32> to vector<256x1xf32>
    %get3A_4 = arith.constant 1 : index
    %get3A_5 = arith.constant 0 : index
    %get3A_6 = arith.constant 0 : index
    %get3A_7 = vector.load %arg1[%get3A_4, %get3A_5, %get3A_6] : memref<2x256x16xf32, #tpu.memory_space<vmem>>, vector<1x256x1xf32>
    %get3A_8 = vector.shape_cast %get3A_7 : vector<1x256x1xf32> to vector<256x1xf32>
    %add3A = arith.addf %get3A_3, %get3A_8 : vector<256x1xf32>
    %add3A_9 = arith.constant 1.000000e+00 : f32
    %add3A_10 = vector.broadcast %add3A_9 : f32 to vector<256x1xf32>
    %add3A_11 = arith.addf %add3A, %add3A_10 : vector<256x1xf32>
    %rsqrt3A = math.rsqrt %add3A_11 : vector<256x1xf32>
    %get3A_12 = arith.constant 0 : index
    %get3A_13 = arith.constant 0 : index
    %get3A_14 = arith.constant 0 : index
    %get3A_15 = vector.load %arg2[%get3A_12, %get3A_13, %get3A_14] : memref<2x256x16xf32, #tpu.memory_space<vmem>>, vector<1x256x16xf32>
    %get3A_16 = vector.shape_cast %get3A_15 : vector<1x256x16xf32> to vector<256x16xf32>
    %get3A_17 = arith.constant 1 : index
    %get3A_18 = arith.constant 0 : index
    %get3A_19 = arith.constant 0 : index
    %get3A_20 = vector.load %arg2[%get3A_17, %get3A_18, %get3A_19] : memref<2x256x16xf32, #tpu.memory_space<vmem>>, vector<1x256x16xf32>
    %get3A_21 = vector.shape_cast %get3A_20 : vector<1x256x16xf32> to vector<256x16xf32>
    %add3A_22 = arith.addf %get3A_16, %get3A_21 : vector<256x16xf32>
    %get3A_23 = arith.constant 0 : index
    %get3A_24 = arith.constant 0 : index
    %get3A_25 = vector.load %arg3[%get3A_23, %get3A_24] : memref<256x16xf32, #tpu.memory_space<vmem>>, vector<256x16xf32>
    %add3A_26 = arith.addf %add3A_22, %get3A_25 : vector<256x16xf32>
    %mul3A = vector.broadcast %rsqrt3A : vector<256x1xf32> to vector<256x16xf32>
    %mul3A_27 = arith.mulf %mul3A, %add3A_26 : vector<256x16xf32>
    %get3A_28 = arith.constant 0 : index
    %get3A_29 = arith.constant 0 : index
    %get3A_30 = vector.load %arg4[%get3A_28, %get3A_29] : memref<1x16xf32, #tpu.memory_space<vmem>>, vector<1x16xf32>
    %add3A_31 = vector.broadcast %get3A_30 : vector<1x16xf32> to vector<256x16xf32>
    %add3A_32 = arith.addf %mul3A_27, %add3A_31 : vector<256x16xf32>
    %swap3A = arith.constant 0 : index
    %swap3A_33 = arith.constant 0 : index
    %swap3A_34 = vector.load %arg5[%swap3A, %swap3A_33] : memref<256x16xf32, #tpu.memory_space<vmem>>, vector<256x16xf32>
    tpu.vector_store %arg5[%swap3A, %swap3A_33], %add3A_32 {strides = array<i32>} : memref<256x16xf32, #tpu.memory_space<vmem>>, vector<256x16xf32>,
    return
  }
  func.func @transform_0(%arg0: i32) -> (i32, i32, i32) {
    %c0_i32 = arith.constant 0 : i32
    %c0_i32_0 = arith.constant 0 : i32
    %c0_i32_1 = arith.constant 0 : i32
    return %c0_i32, %arg0, %c0_i32_0 : i32, i32, i32
  }
  func.func @transform_1(%arg0: i32) -> (i32, i32, i32) {
    %c0_i32 = arith.constant 0 : i32
    %c0_i32_0 = arith.constant 0 : i32
    %c0_i32_1 = arith.constant 0 : i32
    return %c0_i32, %arg0, %c0_i32_0 : i32, i32, i32
  }
  func.func @transform_2(%arg0: i32) -> (i32, i32) {
    %c0_i32 = arith.constant 0 : i32
    %c0_i32_0 = arith.constant 0 : i32
    return %arg0, %c0_i32 : i32, i32
  }
  func.func @transform_3(%arg0: i32) -> (i32, i32) {
    %c0_i32 = arith.constant 0 : i32
    %c0_i32_0 = arith.constant 0 : i32
    %c0_i32_1 = arith.constant 0 : i32
    return %c0_i32, %c0_i32_0 : i32, i32
  }
  func.func @transform_4(%arg0: i32) -> (i32, i32) {
    %c0_i32 = arith.constant 0 : i32
    %c0_i32_0 = arith.constant 0 : i32
    return %arg0, %c0_i32 : i32, i32
  }
}

</mosaic_0001>

<sc_bundles>
// kernel: kernel.11.cloned.1.call-start
scs
__scs_entry_jumppad:
0x0: {  	(pc) =	sbr.rel $0x88, $3  }
0x1: {  	(tag) =	ssettag $0x0;
	lr =	simm.s32 $0x1  }
0x2: {  	[smem:$0x3F9B] =	sst lr;
	_ =	strace $0xD0000000  }
0x3: {  	_ = 	snop  }
0x4: {  	_ = 	snop  }
0x5: {  	_ = 	snop  }
0x6: {  	_ = 	snop  }
0x7: {  	_ = 	snop  }
__scs_overlays_trampoline_lowered:
0x8: {  	[smem:$0x3FAA] =	sst s0  }
0x9: {  	[smem:$0x3FAB] =	sst s1  }
0xa: {  	[smem:$0x3FAC] =	sst s2  }
0xb: {  	[smem:$0x3FAD] =	sst s3  }
0xc: {  	[smem:$0x3FAE] =	sst s4  }
0xd: {  	[smem:$0x3FAF] =	sst s5  }
0xe: {  	[smem:$0x3FB0] =	sst s6  }
0xf: {  	[smem:$0x3FB1] =	sst s7  }
0x10: {  	[smem:$0x3FB2] =	sst s8  }
0x11: {  	[smem:$0x3FB3] =	sst s9;
	s0 =	simm.s32 @!p0 $0x0  }
0x12: {  	s1 =	sld [smem:$0x3F99];
	s0 =	simm.s32 @p0 $0x1  }
0x13: {  	[smem:$0x3FB4] =	sst s0;
	s0 =	simm.s32 @!p1 $0x0  }
0x14: {  	s2 =	sld [smem:$0x3F98];
	s0 =	simm.s32 @p1 $0x1  }
0x15: {  	[smem:$0x3FB5] =	sst s0;
	s0 =	simm.s32 @!p2 $0x0  }
0x16: {  	s3 =	sld [smem:$0x3FDB];
	s0 =	simm.s32 @p2 $0x1  }
0x17: {  	s4 =	simm.s32 $0x1BF5;
	[smem:$0x3FB7] =	sst s0  }
0x18: {  	s0 =	sld [smem:$0x3F9A];
	_ =	swait.ge [sflag:s4], $0x0  }
0x19: {  	s7 =	sld [smem:$0x3F9B]  }
0x1a: {  	s8 =	sadd.s32 $0xFFFFE003, lr  }
0x1b: {  	s9 =	sadd.s32 $0xFFFFFEF7, lr;
	s5 =	simm.s32 $0xFFFFFFFF;
	p2 =	slt.u32 s8, $0xFFFFF086  }
0x1c: {  	p1 =	slt.u32 s9, $0xF7A;
	s5 =	simm.s32 @!p2 $0x0  }
0x1d: {  	s5 =	simm.s32 @p1 $0x1;
	p0 =	seq.s32 s7, s2  }
0x1e: {  	s7 =	smul.u32 @!p0 $0xF7A, s2;
	p2 =	seq.s32 @!p0 s5, $0x0  }
0x1f: {  	s9 =	smul.u32 $0xF7A, s1;
	s8 =	simm.s32 @!p0 $0x1BF5;
	p2 =	por !p2, p0  }
0x20: {  	[sflag:s8] =	ssyncset.s32 @!p0 $0xFFFFF086;
	s6 =	sadd.s32 @!p0 s3, s7;
	s7 =	simm.s32 @!p0 $0x108  }
0x21: {  	s3 =	sadd.s32 s3, s9;
	s6 =	sadd.s32 @!p0 $0x88, s6;
	s7 =	simm.s32 @p2 $0x1082  }
0x22: {  	[simem:s7], [sflag:s8] =	dma.local @!p0 [hbm:s6], $0xF7A  }
0x23: {  	s9 =	sor.u32 $0xD0000000, s2;
	s6 =	simm.s32 $0x108;
	_ =	swait.ge @!p0 [sflag:s8], $0x0  }
0x24: {  	s3 =	sadd.s32 $0x88, s3;
	s6 =	simm.s32 @!p1 $0x1082;
	[sflag:s4] =	ssyncset.s32 $0xFFFFF086  }
0x25: {  	[simem:s6], [sflag:s4] =	dma.local [hbm:s3], $0xF7A  }
0x26: {  	[smem:$0x3F9B] =	sst s1;
	(tag) =	ssettag s2;
	_ =	strace s9  }
0x27: {  	s1 =	sld [smem:$0x3FAB]  }
0x28: {  	s2 =	sld [smem:$0x3FAC]  }
0x29: {  	s4 =	sld [smem:$0x3FAE]  }
0x2a: {  	p0 =	seq.s32 s5, $0x0;
	s5 =	sld [smem:$0x3FAF]  }
0x2b: {  	s6 =	sld [smem:$0x3FB0]  }
0x2c: {  	s7 =	sld [smem:$0x3FB1]  }
0x2d: {  	s3 =	simm.s32 $0x108;
	s8 =	sld [smem:$0x3FB2]  }
0x2e: {  	s3 =	simm.s32 @!p0 $0x1082;
	s9 =	sld [smem:$0x3FB3]  }
0x2f: {  	lr =	sadd.s32 s0, s3;
	s0 =	sld [smem:$0x3FAA]  }
0x30: {  	s3 =	sld [smem:$0x3FAD]  }
0x31: {  	[smem:$0x3FB6] =	sst s10  }
0x32: {  	s10 =	sld [smem:$0x3FB4];
	_ =	sdelay $0x3  }
0x33: {  	p0 =	seq.s32 s10, $0x1;
	s10 =	sld [smem:$0x3FB6];
	_ =	sdelay $0x3  }
0x34: {  	[smem:$0x3FB6] =	sst s10  }
0x35: {  	s10 =	sld [smem:$0x3FB5];
	_ =	sdelay $0x3  }
0x36: {  	p1 =	seq.s32 s10, $0x1;
	s10 =	sld [smem:$0x3FB6];
	_ =	sdelay $0x3  }
0x37: {  	[smem:$0x3FB6] =	sst s10  }
0x38: {  	s10 =	sld [smem:$0x3FB7]  }
0x39: {  	_ = 	snop;
	(pc) =	sbr.ind lr, $3  }
0x3a: {  	_ = 	snop  }
0x3b: {  	_ = 	snop  }
0x3c: {  	p2 =	seq.s32 s10, $0x1;
	s10 =	sld [smem:$0x3FB6]  }
0x3d: {  	_ =	shalt  }
0x3e: {  	_ =	shalt  }
0x3f: {  	_ =	shalt  }
0x40: {  	_ =	shalt  }
0x41: {  	_ =	shalt  }
0x42: {  	_ =	shalt  }
0x43: {  	_ =	shalt  }
0x44: {  	_ =	shalt  }
0x45: {  	_ =	shalt  }
0x46: {  	_ =	shalt  }
0x47: {  	_ =	shalt  }
0x48: {  	_ =	shalt  }
0x49: {  	_ =	shalt  }
0x4a: {  	_ =	shalt  }
0x4b: {  	_ =	shalt  }
0x4c: {  	_ =	shalt  }
0x4d: {  	_ =	shalt  }
0x4e: {  	_ =	shalt  }
0x4f: {  	_ =	shalt  }
0x50: {  	_ =	shalt  }
0x51: {  	_ =	shalt  }
0x52: {  	_ =	shalt  }
0x53: {  	_ =	shalt  }
0x54: {  	_ =	shalt  }
0x55: {  	_ =	shalt  }
0x56: {  	_ =	shalt  }
0x57: {  	_ =	shalt  }
0x58: {  	_ =	shalt  }
0x59: {  	_ =	shalt  }
0x5a: {  	_ =	shalt  }
0x5b: {  	_ =	shalt  }
0x5c: {  	_ =	shalt  }
0x5d: {  	_ =	shalt  }
0x5e: {  	_ =	shalt  }
0x5f: {  	_ =	shalt  }
0x60: {  	_ =	shalt  }
0x61: {  	_ =	shalt  }
0x62: {  	_ =	shalt  }
0x63: {  	_ =	shalt  }
0x64: {  	_ =	shalt  }
0x65: {  	_ =	shalt  }
0x66: {  	_ =	shalt  }
0x67: {  	_ =	shalt  }
0x68: {  	_ =	shalt  }
0x69: {  	_ =	shalt  }
0x6a: {  	_ =	shalt  }
0x6b: {  	_ =	shalt  }
0x6c: {  	_ =	shalt  }
0x6d: {  	_ =	shalt  }
0x6e: {  	_ =	shalt  }
0x6f: {  	_ =	shalt  }
0x70: {  	_ =	shalt  }
0x71: {  	_ =	shalt  }
0x72: {  	_ =	shalt  }
0x73: {  	_ =	shalt  }
0x74: {  	_ =	shalt  }
0x75: {  	_ =	shalt  }
0x76: {  	_ =	shalt  }
0x77: {  	_ =	shalt  }
0x78: {  	_ =	shalt  }
0x79: {  	_ =	shalt  }
0x7a: {  	_ =	shalt  }
0x7b: {  	_ =	shalt  }
0x7c: {  	_ =	shalt  }
0x7d: {  	_ =	shalt  }
0x7e: {  	_ =	shalt  }
0x7f: {  	_ =	shalt  }
0x80: {  	_ =	shalt  }
0x81: {  	_ =	shalt  }
0x82: {  	_ =	shalt  }
0x83: {  	_ =	shalt  }
0x84: {  	_ =	shalt  }
0x85: {  	_ =	shalt  }
0x86: {  	_ =	shalt  }
0x87: {  	_ =	shalt  }
.Lfunc_end0:
.L_simem_size_0:
called_computation.1_lowered:
.L_overlay_start_0:
0x88: {  	s2 =	sld [smem:$0x3FD9]  }
0x89: {  	s3 =	sld [smem:$0x3FFE];
	_ =	sdelay $0x1  }
0x8a: {  	s1 =	srdreg.scid  }
0x8b: {  	s0 =	sand.u32 $0x1, s1  }
0x8c: {  	s16 =	sshll.u32 s0, $0xA;
	s2 =	sadd.s32 s3, s2  }
0x8d: {  	s2 =	sadd.s32 s2, s16  }
0x8e: {  	[smem:$0x3FC2] =	sst s2  }
0x8f: {  	_ = 	snop  }
0x90: {  	(tm) =	ssettm $0x1  }
0x91: {  	s17 =	sld [smem:$0x3FFB];
	_ =	sdelay $0x3  }
0x92: {  	_ =	strace s17  }
0x93: {  	s2 =	sld [smem:$0x3FFC];
	_ =	sdelay $0x3  }
0x94: {  	_ =	strace s2  }
0x95: {  	s2 =	sld [smem:$0x3FFD];
	_ =	sdelay $0x3  }
0x96: {  	_ =	strace s2  }
0x97: {  	_ =	strace $0x8FFFFFFF  }
0x98: {  	s18 =	sld [smem:$0x3FDB];
	_ =	sdelay $0x1  }
0x99: {  	s19 =	simm.s32 $_scs_section_size  }
0x9a: {  	s4 =	simm.s32 $_size__tile_overlayer_lowered;
	s5 =	simm.s32 $_tile_overlayer_lowered  }
0x9b: {  	s22 =	simm.s32 $0x1BFF;
	s21 =	sshll.u32 s5, $0x1;
	s2 =	sadd.s32 s19, s18  }
0x9c: {  	s6 =	simm.s32 $0x0;
	s20 =	sshll.u32 s4, $0x1;
	s4 =	sadd.s32 s21, s2  }
0x9d: {  	[timem:s6], [sflag:s22] =	dma.local [hbm:s4], s20  }
0x9e: {  	_ =	swait.ge [sflag:s22], s20  }
0x9f: {  	s3 =	ssub.s32 $0x0, s20;
	[sflag:s22] =	ssyncset.done $0x0  }
0xa0: {  	[sflag:s22] =	ssyncadd.s32 s3;
	_ =	sdelay $0x1  }
0xa1: {  	s23 =	simm.s32 $0x1B8B  }
0xa2: {  	_ =	swait.ge [sflag:s23], $0x1  }
0xa3: {  	[sflag:s23] =	ssyncset.done $0x0  }
0xa4: {  	s25 =	simm.s32 $0x1B8E;
	s24 =	sld [smem:$0x3FFE];
	[sflag:s23] =	ssyncadd.s32 $0xFFFFFFFF  }
0xa5: {  	s26 =	simm.s32 $execute0_lowered;
	[smem:$0x3FD2] =	sst s25  }
0xa6: {  	s4 =	sshll.u32 s26, $0x1;
	_ =	strace $0x80000049;
	[dreg:$0x1] =	wrdreg $0xFFFFFFFF  }
0xa7: {  	s28 =	simm.s32 $_size_execute0_lowered;
	s2 =	sadd.s32 s2, s4;
	[dreg:$0x0] =	wrdreg $0x0  }
0xa8: {  	s4 =	sshll.u32 s28, $0x1;
	[dreg:$0x2] =	wrdreg s2  }
0xa9: {  	[dreg:$0x3] =	wrdreg s4  }
0xaa: {  	[dreg:$0x4] =	wrdreg $0xC0  }
0xab: {  	_ =	task [dreg:s6], $0x5FFFF  }
0xac: {  	[dreg:$0x1] =	wrdreg $0xFFFFFFFF  }
0xad: {  	[dreg:$0x0] =	wrdreg $0x60  }
0xae: {  	[dreg:$0x2] =	wrdreg s24  }
0xaf: {  	[dreg:$0x3] =	wrdreg $0x158000  }
0xb0: {  	[dreg:$0x4] =	wrdreg $0xB8000  }
0xb1: {  	[dreg:$0x5] =	wrdreg $0x9  }
0xb2: {  	_ =	task.clear_ibuf [dreg:s6], $0x6FFFF;
	_ =	strace $0x90000049  }
0xb3: {  	s29 =	simm.s32 $0x9;
	_ =	strace $0x8000004B  }
0xb4: {  	_ =	swait.ge [sflag:s29], $0x1  }
0xb5: {  	[sflag:s29] =	ssyncadd.s32 $0xFFFFFFFF  }
0xb6: {  	_ =	strace $0x9000004B  }
0xb7: {  	_ =	sfence  }
0xb8: {  	s30 =	sld [smem:$0x0];
	_ =	sdelay $0x2  }
0xb9: {  	s31 =	sshll.u32 s1, $0xD;
	s1 =	sshrl.u32 s1, $0x2  }
0xba: {  	s3 =	sand.u32 $0x4000, s31;
	s1 =	sadd.s32 s1, s30  }
0xbb: {  	s0 =	sor.u32 s3, s0;
	s1 =	sshll.u32 s1, $0x11  }
0xbc: {  	s0 =	sor.u32 s1, s0  }
0xbd: {  	s0 =	sadd.s32 $0x8F2B, s0  }
0xbe: {  	[sflag:s0] =	ssyncadd.remote.s32 $0x1  }
0xbf: {  	_ =	sfence.sel $0xFFFF  }
0xc0: {  	[dreg:$0x0] =	wrdreg $0xFFFFFFFF;
	(pc) =	sbr.abs _section_cstart, $3  }
0xc1: {  	[dreg:$0x1] =	wrdreg $0xFFFFFFFF  }
0xc2: {  	_ =	task.clear_ibuf [dreg:s6], $0x2FFFF;
	_ =	strace $0x9FFFFFFF  }
0xc3: {  	(tm) =	ssettm $0x7FFFFFFF  }
tec
execute0_lowered:
.L_overlay_start_1:
0x0: {  	(tag) =	ssettag $0x1  }
0x1: {  	s0 =	rddreg [dreg:$0x0]  }
0x2: {  	s2 =	rddreg [dreg:$0x1]  }
0x3: {  	s3 =	rddreg [dreg:$0x2]  }
0x4: {  	s4 =	simm.s32 $0x0;
	s10 =	stileid.u32;
	s1 =	srdreg.scid  }
0x5: {  	s14 =	simm.s32 $0x7800;
	s15 =	simm.s32 $0x3;
	s18 =	simm.s32 $0x5000  }
0x6: {  	s19 =	simm.s32 $0x80;
	s20 =	simm.s32 $0x9800;
	s21 =	simm.s32 $0x1  }
0x7: {  	s28 =	simm.s32 $0x7680;
	s29 =	simm.s32 $0x2780;
	s22 =	smul.u32 $0xA00, s10  }
0x8: {  	s30 =	simm.s32 $0x7700;
	s31 =	simm.s32 $0x7780;
	s7 =	smul.u32 $0x28000, s10  }
0x9: {  	[smem:$0x7FF] =	sst s4;
	s1 =	sand.u32 $0x1, s1;
	s9 =	smul.u32 $0xA000, s10  }
0xa: {  	s8 =	sadd.s32 $0x2200, s0;
	s10 =	smul.u32 $0x5000, s10;
	_ =	strace $0x8000004A  }
0xb: {  	s5 =	smul.u32 $0x14000, s1;
	s1 =	ssub.s32 $0x2, s1;
	s6 =	sadd.s32 s22, s0  }
0xc: {  	s24 =	sshrl.u32 s1, $0x1;
	s7 =	sshrl.u32 s7, $0x2;
	s17 =	sadd.s32 s9, s3  }
0xd: {  	s23 =	sshrl.u32 s9, $0x3;
	s10 =	sshrl.u32 s10, $0x3;
	s4 =	sadd.s32 s8, s22  }
0xe: {  	s26 =	sadd.s32 s9, s2;
	s22 =	simm.s32 $0x2;
	s0 =	sadd.s32 s5, s0  }
0xf: {  	s1 =	ssub.s32 s1, s24;
	s5 =	sadd.s32 s7, s2;
	s6 =	sadd.s32 $0x16200, s6  }
0x10: {  	[dreg:$0x5] =	wrdreg s4;
	s25 =	sadd.s32 s8, s10;
	s17 =	sshrl.u32 s17, $0x3  }
0x11: {  	s24 =	simm.s32 $0x7600;
	s16 =	sadd.s32 $0xC0200, s0;
	[dreg:$0x4] =	wrdreg s6  }
0x12: {  	s8 =	sadd.s32 $0x500, s25;
	s0 =	sadd.s32 $0xE8200, s0;
	s9 =	smax.u32 s1, $0x1  }
0x13: {  	s10 =	sadd.s32 $0x2000, s5;
	s11 =	sadd.s32 $0x4000, s5;
	s12 =	sadd.s32 $0x6000, s5  }
0x14: {  	s13 =	sadd.s32 $0x8000, s5;
	s25 =	sshrl.u32 s26, $0x3;
	s1 =	simm.s32 $0x0  }
0x15: {  	v0 =	vimm.f32 $0.0e+00;
	s16 =	sadd.s32 s23, s16;
	s23 =	sadd.s32 s23, s0;
	s0 =	simm.s32 $0x4F80  }
.LBB2_1:
0x16: {  	s6 =	simm.s32 $0x0  }
0x17: {  	s4 =	sand.u32 $0x7F00, s6  }
0x18: {  	s6 =	sand.u32 $0x30, s6;
	s26 =	sshrl.u32 s4, $0x2  }
0x19: {  	s4 =	simm.s32 $0x40;
	s6 =	sor.u32 s6, s26;
	s26 =	simm.s32 $0x0  }
.LBB2_2:
0x1a: {  	p0 =	sne.s32 s4, $0x7FC0  }
0x1b: {  	[tilespmem:s6+$0x7800] =	vst v0;
	s26 =	sadd.s32 $0x10, s26;
	s6 =	smov.u32 s4;
	s4 =	sadd.s32 $0x40, s4  }
.Ltmp0:
0x1c: {  	(pc) =	sbr.rel @p0 .LBB2_2-.Ltmp0, $4  }
0x1d: {  	_ = 	snop  }
0x1e: {  	s6 =	sand.u32 $0x7F00, s6  }
0x1f: {  	s7 =	sand.u32 $0x30, s26;
	s6 =	sshrl.u32 s6, $0x2  }
0x20: {  	s6 =	sor.u32 s7, s6  }
0x21: {  	[tilespmem:s6+$0x7800] =	vst v0  }
0x22: {  	[spmem:s5] =	stream.linear.scatter [tilespmem:s14], [sflag:$0x3], $0x2000, $0x38;
	[tilespmem:$0x1F800] =	vst v63  }
0x23: {  	_ =	swait.ge [sflag:s15], $0x2000  }
0x24: {  	[sflag:s15] =	ssyncset.done $0x0  }
0x25: {  	[sflag:s15] =	ssyncadd.s32 $0xFFFFE000  }
0x26: {  	[spmem:s10] =	stream.linear.scatter [tilespmem:s14], [sflag:$0x3], $0x2000, $0x38;
	[tilespmem:$0x1F800] =	vst v63  }
0x27: {  	_ =	swait.ge [sflag:s15], $0x2000  }
0x28: {  	[sflag:s15] =	ssyncset.done $0x0  }
0x29: {  	[sflag:s15] =	ssyncadd.s32 $0xFFFFE000  }
0x2a: {  	[spmem:s11] =	stream.linear.scatter [tilespmem:s14], [sflag:$0x3], $0x2000, $0x38;
	[tilespmem:$0x1F800] =	vst v63  }
0x2b: {  	_ =	swait.ge [sflag:s15], $0x2000  }
0x2c: {  	[sflag:s15] =	ssyncset.done $0x0  }
0x2d: {  	[sflag:s15] =	ssyncadd.s32 $0xFFFFE000  }
0x2e: {  	[spmem:s12] =	stream.linear.scatter [tilespmem:s14], [sflag:$0x3], $0x2000, $0x38;
	[tilespmem:$0x1F800] =	vst v63  }
0x2f: {  	_ =	swait.ge [sflag:s15], $0x2000  }
0x30: {  	[sflag:s15] =	ssyncset.done $0x0  }
0x31: {  	[sflag:s15] =	ssyncadd.s32 $0xFFFFE000  }
0x32: {  	[spmem:s13] =	stream.linear.scatter [tilespmem:s14], [sflag:$0x3], $0x2000, $0x38;
	[tilespmem:$0x1F800] =	vst v63  }
0x33: {  	s4 =	stileid.u32;
	_ =	swait.ge [sflag:s15], $0x2000  }
0x34: {  	s4 =	sshll.u32 s4, $0x6;
	[sflag:s15] =	ssyncset.done $0x0  }
0x35: {  	s26 =	sor.u32 $0x1C03, s4;
	[sflag:s15] =	ssyncadd.s32 $0xFFFFE000  }
0x36: {  	[spmem:s17], [sflag:s26] =	dma.local [hbm:s16], $0x1400  }
0x37: {  	_ =	swait.ge [sflag:s15], $0x1400  }
0x38: {  	[sflag:s15] =	ssyncset.done $0x0  }
0x39: {  	s4 =	simm.s32 $0x0;
	s7 =	rddreg [dreg:$0x4];
	[sflag:s15] =	ssyncadd.s32 $0xFFFFEC00  }
0x3a: {  	[tilespmem:s4], [sflag:$0x3] =	stream.linear.gather [hbm4b:s7+s4], $0x5000, $0x38;
	[tilespmem:$0x1F800] =	vst v63  }
0x3b: {  	_ =	swait.ge [sflag:s15], $0x5000  }
0x3c: {  	[sflag:s15] =	ssyncset.done $0x0  }
0x3d: {  	[sflag:s15] =	ssyncadd.s32 $0xFFFFB000  }
0x3e: {  	[bflag:$0x0] =	sbarrier.arrive $0xFFFF  }
0x3f: {  	s7 =	rddreg [dreg:$0x5]  }
0x40: {  	[tilespmem:s18], [sflag:$0x3] =	stream.linear.gather [hbm4b:s7+s4], $0x2800, $0x38;
	[tilespmem:$0x1F800] =	vst v63  }
0x41: {  	_ =	swait.ge [sflag:s15], $0x2800  }
0x42: {  	[sflag:s15] =	ssyncset.done $0x0  }
0x43: {  	[sflag:s15] =	ssyncadd.s32 $0xFFFFD800  }
0x44: {  	[tilespmem:s14], [sflag:$0x1] =	stream.indirect.gather [spmem:s3], $0x40, s4, s19, $0xb8;
	[tilespmem:$0x1F800] =	vst v63  }
0x45: {  	_ = 	snop  }
0x46: {  	[tilespmem:s20], [sflag:$0x2] =	stream.indirect.gather [spmem:s3], $0x40, s19, s19, $0xb8;
	[tilespmem:$0x1F800] =	vst v63  }
0x47: {  	_ =	swait.ge [sflag:s21], $0x2000  }
0x48: {  	[sflag:s21] =	ssyncset.done $0x0  }
0x49: {  	s7 =	simm.s32 $0x5000;
	[sflag:s21] =	ssyncadd.s32 $0xFFFFE000  }
0x4a: {  	[spmem:s2] =	stream.indirect.scatter.add.f32 [tilespmem:s14], [sflag:$0x3], $0x40, s7, s19, $0xb8;
	[tilespmem:$0x1F800] =	vst v63  }
0x4b: {  	_ =	swait.ge [sflag:s15], $0x2000  }
0x4c: {  	[sflag:s15] =	ssyncset.done $0x0  }
0x4d: {  	s6 =	simm.s32 $0x100;
	[sflag:s15] =	ssyncadd.s32 $0xFFFFE000  }
0x4e: {  	[tilespmem:s14], [sflag:$0x1] =	stream.indirect.gather [spmem:s3], $0x40, s6, s19, $0xb8;
	[tilespmem:$0x1F800] =	vst v63  }
0x4f: {  	_ =	swait.ge [sflag:s22], $0x2000  }
0x50: {  	[sflag:s22] =	ssyncset.done $0x0  }
0x51: {  	s7 =	simm.s32 $0x5080;
	[sflag:s22] =	ssyncadd.s32 $0xFFFFE000  }
0x52: {  	[spmem:s2] =	stream.indirect.scatter.add.f32 [tilespmem:s20], [sflag:$0x3], $0x40, s7, s19, $0xb8;
	[tilespmem:$0x1F800] =	vst v63  }
0x53: {  	_ =	swait.ge [sflag:s15], $0x2000  }
0x54: {  	[sflag:s15] =	ssyncset.done $0x0  }
0x55: {  	s4 =	simm.s32 $0x400;
	s6 =	simm.s32 $0x180;
	[sflag:s15] =	ssyncadd.s32 $0xFFFFE000  }
.LBB2_4:
0x56: {  	[tilespmem:s20], [sflag:$0x2] =	stream.indirect.gather [spmem:s3], $0x40, s6, s19, $0xb8;
	[tilespmem:$0x1F800] =	vst v63  }
0x57: {  	s6 =	smov.u32 s4  }
0x58: {  	p0 =	sne.s32 s4, $0x9400;
	s4 =	sadd.s32 $0x400, s4;
	_ =	swait.ge [sflag:s21], $0x2000  }
0x59: {  	s6 =	sshra.s32 s6, $0x2;
	[sflag:s21] =	ssyncset.done $0x0  }
0x5a: {  	s7 =	sadd.s32 $0x5000, s6;
	[sflag:s21] =	ssyncadd.s32 $0xFFFFE000  }
0x5b: {  	[spmem:s2] =	stream.indirect.scatter.add.f32 [tilespmem:s14], [sflag:$0x3], $0x40, s7, s19, $0xb8;
	[tilespmem:$0x1F800] =	vst v63  }
0x5c: {  	_ =	swait.ge [sflag:s15], $0x2000  }
0x5d: {  	[sflag:s15] =	ssyncset.done $0x0  }
0x5e: {  	s7 =	sadd.s32 $0x100, s6;
	[sflag:s15] =	ssyncadd.s32 $0xFFFFE000  }
0x5f: {  	[tilespmem:s14], [sflag:$0x1] =	stream.indirect.gather [spmem:s3], $0x40, s7, s19, $0xb8;
	[tilespmem:$0x1F800] =	vst v63  }
0x60: {  	_ =	swait.ge [sflag:s22], $0x2000  }
0x61: {  	[sflag:s22] =	ssyncset.done $0x0  }
.Ltmp1:
0x62: {  	s7 =	sadd.s32 $0x5080, s6;
	[sflag:s22] =	ssyncadd.s32 $0xFFFFE000;
	(pc) =	sbr.rel @p0 .LBB2_4-.Ltmp1, $4  }
0x63: {  	[spmem:s2] =	stream.indirect.scatter.add.f32 [tilespmem:s20], [sflag:$0x3], $0x40, s7, s19, $0xb8;
	[tilespmem:$0x1F800] =	vst v63  }
0x64: {  	_ =	swait.ge [sflag:s15], $0x2000  }
0x65: {  	[sflag:s15] =	ssyncset.done $0x0  }
0x66: {  	s6 =	sadd.s32 $0x180, s6;
	[sflag:s15] =	ssyncadd.s32 $0xFFFFE000  }
0x67: {  	[tilespmem:s20], [sflag:$0x2] =	stream.indirect.gather [spmem:s3], $0x40, s6, s19, $0xb8;
	[tilespmem:$0x1F800] =	vst v63  }
0x68: {  	_ =	swait.ge [sflag:s21], $0x2000  }
0x69: {  	[sflag:s21] =	ssyncset.done $0x0  }
0x6a: {  	[sflag:s21] =	ssyncadd.s32 $0xFFFFE000  }
0x6b: {  	[spmem:s2] =	stream.indirect.scatter.add.f32 [tilespmem:s14], [sflag:$0x3], $0x40, s24, s19, $0xb8;
	[tilespmem:$0x1F800] =	vst v63  }
0x6c: {  	_ =	swait.ge [sflag:s15], $0x2000  }
0x6d: {  	[sflag:s15] =	ssyncset.done $0x0  }
0x6e: {  	s4 =	simm.s32 $0x2700;
	[sflag:s15] =	ssyncadd.s32 $0xFFFFE000  }
0x6f: {  	[tilespmem:s14], [sflag:$0x1] =	stream.indirect.gather [spmem:s3], $0x40, s4, s19, $0xb8;
	[tilespmem:$0x1F800] =	vst v63  }
0x70: {  	_ =	swait.ge [sflag:s22], $0x2000  }
0x71: {  	[sflag:s22] =	ssyncset.done $0x0  }
0x72: {  	[sflag:s22] =	ssyncadd.s32 $0xFFFFE000  }
0x73: {  	[spmem:s2] =	stream.indirect.scatter.add.f32 [tilespmem:s20], [sflag:$0x3], $0x40, s28, s19, $0xb8;
	[tilespmem:$0x1F800] =	vst v63  }
0x74: {  	_ =	swait.ge [sflag:s15], $0x2000  }
0x75: {  	[sflag:s15] =	ssyncset.done $0x0  }
0x76: {  	[sflag:s15] =	ssyncadd.s32 $0xFFFFE000  }
0x77: {  	[tilespmem:s20], [sflag:$0x2] =	stream.indirect.gather [spmem:s3], $0x40, s29, s19, $0xb8;
	[tilespmem:$0x1F800] =	vst v63  }
0x78: {  	_ =	swait.ge [sflag:s21], $0x2000  }
0x79: {  	[sflag:s21] =	ssyncset.done $0x0  }
0x7a: {  	[sflag:s21] =	ssyncadd.s32 $0xFFFFE000  }
0x7b: {  	[spmem:s2] =	stream.indirect.scatter.add.f32 [tilespmem:s14], [sflag:$0x3], $0x40, s30, s19, $0xb8;
	[tilespmem:$0x1F800] =	vst v63  }
0x7c: {  	_ =	swait.ge [sflag:s15], $0x2000  }
0x7d: {  	[sflag:s15] =	ssyncset.done $0x0  }
0x7e: {  	[sflag:s15] =	ssyncadd.s32 $0xFFFFE000  }
0x7f: {  	[tilespmem:s14], [sflag:$0x1] =	stream.indirect.gather [spmem:s3], $0x40, s29, s19, $0xb8;
	[tilespmem:$0x1F800] =	vst v63  }
0x80: {  	_ =	swait.ge [sflag:s22], $0x2000  }
0x81: {  	[sflag:s22] =	ssyncset.done $0x0  }
0x82: {  	[sflag:s22] =	ssyncadd.s32 $0xFFFFE000  }
0x83: {  	[spmem:s2] =	stream.indirect.scatter.add.f32 [tilespmem:s20], [sflag:$0x3], $0x40, s31, s19, $0xb8;
	[tilespmem:$0x1F800] =	vst v63  }
0x84: {  	_ =	swait.ge [sflag:s15], $0x2000  }
0x85: {  	[sflag:s15] =	ssyncset.done $0x0  }
0x86: {  	[sflag:s15] =	ssyncadd.s32 $0xFFFFE000  }
0x87: {  	[tilespmem:s20], [sflag:$0x2] =	stream.indirect.gather [spmem:s3], $0x40, s29, s19, $0xb8;
	[tilespmem:$0x1F800] =	vst v63  }
0x88: {  	_ =	swait.ge [sflag:s21], $0x2000  }
0x89: {  	[sflag:s21] =	ssyncset.done $0x0  }
0x8a: {  	[sflag:s21] =	ssyncadd.s32 $0xFFFFE000  }
0x8b: {  	_ =	swait.ge [sflag:s22], $0x2000  }
0x8c: {  	[sflag:s22] =	ssyncset.done $0x0  }
0x8d: {  	s6 =	simm.s32 $0x0;
	[sflag:s22] =	ssyncadd.s32 $0xFFFFE000  }
0x8e: {  	[tilespmem:s18], [sflag:$0x3] =	stream.linear.gather [hbm4b:s8+s6], $0x2800, $0x38;
	[tilespmem:$0x1F800] =	vst v63  }
0x8f: {  	_ =	swait.ge [sflag:s15], $0x2800  }
0x90: {  	[sflag:s15] =	ssyncset.done $0x0  }
0x91: {  	s7 =	simm.s32 $0x2800;
	[sflag:s15] =	ssyncadd.s32 $0xFFFFD800  }
0x92: {  	[tilespmem:s14], [sflag:$0x1] =	stream.indirect.gather [spmem:s3], $0x40, s7, s19, $0xb8;
	[tilespmem:$0x1F800] =	vst v63  }
0x93: {  	s6 =	simm.s32 $0x2880  }
0x94: {  	[tilespmem:s20], [sflag:$0x2] =	stream.indirect.gather [spmem:s3], $0x40, s6, s19, $0xb8;
	[tilespmem:$0x1F800] =	vst v63  }
0x95: {  	_ =	swait.ge [sflag:s21], $0x2000  }
0x96: {  	[sflag:s21] =	ssyncset.done $0x0  }
0x97: {  	s7 =	simm.s32 $0x5000;
	[sflag:s21] =	ssyncadd.s32 $0xFFFFE000  }
0x98: {  	[spmem:s2] =	stream.indirect.scatter.add.f32 [tilespmem:s14], [sflag:$0x3], $0x40, s7, s19, $0xb8;
	[tilespmem:$0x1F800] =	vst v63  }
0x99: {  	_ =	swait.ge [sflag:s15], $0x2000  }
0x9a: {  	[sflag:s15] =	ssyncset.done $0x0  }
0x9b: {  	s6 =	simm.s32 $0x2900;
	[sflag:s15] =	ssyncadd.s32 $0xFFFFE000  }
0x9c: {  	[tilespmem:s14], [sflag:$0x1] =	stream.indirect.gather [spmem:s3], $0x40, s6, s19, $0xb8;
	[tilespmem:$0x1F800] =	vst v63  }
0x9d: {  	_ =	swait.ge [sflag:s22], $0x2000  }
0x9e: {  	[sflag:s22] =	ssyncset.done $0x0  }
0x9f: {  	s7 =	simm.s32 $0x5080;
	[sflag:s22] =	ssyncadd.s32 $0xFFFFE000  }
0xa0: {  	[spmem:s2] =	stream.indirect.scatter.add.f32 [tilespmem:s20], [sflag:$0x3], $0x40, s7, s19, $0xb8;
	[tilespmem:$0x1F800] =	vst v63  }
0xa1: {  	_ =	swait.ge [sflag:s15], $0x2000  }
0xa2: {  	[sflag:s15] =	ssyncset.done $0x0  }
0xa3: {  	s4 =	simm.s32 $0x400;
	s6 =	simm.s32 $0x2980;
	[sflag:s15] =	ssyncadd.s32 $0xFFFFE000  }
.LBB2_6:
0xa4: {  	[tilespmem:s20], [sflag:$0x2] =	stream.indirect.gather [spmem:s3], $0x40, s6, s19, $0xb8;
	[tilespmem:$0x1F800] =	vst v63  }
0xa5: {  	s6 =	smov.u32 s4  }
0xa6: {  	p0 =	sne.s32 s4, $0x9400;
	s4 =	sadd.s32 $0x400, s4;
	_ =	swait.ge [sflag:s21], $0x2000  }
0xa7: {  	s6 =	sshra.s32 s6, $0x2;
	[sflag:s21] =	ssyncset.done $0x0  }
0xa8: {  	s7 =	sadd.s32 $0x5000, s6;
	[sflag:s21] =	ssyncadd.s32 $0xFFFFE000  }
0xa9: {  	[spmem:s2] =	stream.indirect.scatter.add.f32 [tilespmem:s14], [sflag:$0x3], $0x40, s7, s19, $0xb8;
	[tilespmem:$0x1F800] =	vst v63  }
0xaa: {  	_ =	swait.ge [sflag:s15], $0x2000  }
0xab: {  	[sflag:s15] =	ssyncset.done $0x0  }
0xac: {  	s7 =	sadd.s32 $0x2900, s6;
	[sflag:s15] =	ssyncadd.s32 $0xFFFFE000  }
0xad: {  	[tilespmem:s14], [sflag:$0x1] =	stream.indirect.gather [spmem:s3], $0x40, s7, s19, $0xb8;
	[tilespmem:$0x1F800] =	vst v63  }
0xae: {  	_ =	swait.ge [sflag:s22], $0x2000  }
0xaf: {  	[sflag:s22] =	ssyncset.done $0x0  }
.Ltmp2:
0xb0: {  	s7 =	sadd.s32 $0x5080, s6;
	[sflag:s22] =	ssyncadd.s32 $0xFFFFE000;
	(pc) =	sbr.rel @p0 .LBB2_6-.Ltmp2, $4  }
0xb1: {  	[spmem:s2] =	stream.indirect.scatter.add.f32 [tilespmem:s20], [sflag:$0x3], $0x40, s7, s19, $0xb8;
	[tilespmem:$0x1F800] =	vst v63  }
0xb2: {  	_ =	swait.ge [sflag:s15], $0x2000  }
0xb3: {  	[sflag:s15] =	ssyncset.done $0x0  }
0xb4: {  	s6 =	sadd.s32 $0x2980, s6;
	[sflag:s15] =	ssyncadd.s32 $0xFFFFE000  }
0xb5: {  	[tilespmem:s20], [sflag:$0x2] =	stream.indirect.gather [spmem:s3], $0x40, s6, s19, $0xb8;
	[tilespmem:$0x1F800] =	vst v63  }
0xb6: {  	_ =	swait.ge [sflag:s21], $0x2000  }
0xb7: {  	[sflag:s21] =	ssyncset.done $0x0  }
0xb8: {  	[sflag:s21] =	ssyncadd.s32 $0xFFFFE000  }
0xb9: {  	[spmem:s2] =	stream.indirect.scatter.add.f32 [tilespmem:s14], [sflag:$0x3], $0x40, s24, s19, $0xb8;
	[tilespmem:$0x1F800] =	vst v63  }
0xba: {  	_ =	swait.ge [sflag:s15], $0x2000  }
0xbb: {  	[sflag:s15] =	ssyncset.done $0x0  }
0xbc: {  	s4 =	simm.s32 $0x4F00;
	[sflag:s15] =	ssyncadd.s32 $0xFFFFE000  }
0xbd: {  	[tilespmem:s14], [sflag:$0x1] =	stream.indirect.gather [spmem:s3], $0x40, s4, s19, $0xb8;
	[tilespmem:$0x1F800] =	vst v63  }
0xbe: {  	_ =	swait.ge [sflag:s22], $0x2000  }
0xbf: {  	[sflag:s22] =	ssyncset.done $0x0  }
0xc0: {  	[sflag:s22] =	ssyncadd.s32 $0xFFFFE000  }
0xc1: {  	[spmem:s2] =	stream.indirect.scatter.add.f32 [tilespmem:s20], [sflag:$0x3], $0x40, s28, s19, $0xb8;
	[tilespmem:$0x1F800] =	vst v63  }
0xc2: {  	_ =	swait.ge [sflag:s15], $0x2000  }
0xc3: {  	[sflag:s15] =	ssyncset.done $0x0  }
0xc4: {  	[sflag:s15] =	ssyncadd.s32 $0xFFFFE000  }
0xc5: {  	[tilespmem:s20], [sflag:$0x2] =	stream.indirect.gather [spmem:s3], $0x40, s0, s19, $0xb8;
	[tilespmem:$0x1F800] =	vst v63  }
0xc6: {  	_ =	swait.ge [sflag:s21], $0x2000  }
0xc7: {  	[sflag:s21] =	ssyncset.done $0x0  }
0xc8: {  	[sflag:s21] =	ssyncadd.s32 $0xFFFFE000  }
0xc9: {  	[spmem:s2] =	stream.indirect.scatter.add.f32 [tilespmem:s14], [sflag:$0x3], $0x40, s30, s19, $0xb8;
	[tilespmem:$0x1F800] =	vst v63  }
0xca: {  	_ =	swait.ge [sflag:s15], $0x2000  }
0xcb: {  	[sflag:s15] =	ssyncset.done $0x0  }
0xcc: {  	[sflag:s15] =	ssyncadd.s32 $0xFFFFE000  }
0xcd: {  	[tilespmem:s14], [sflag:$0x1] =	stream.indirect.gather [spmem:s3], $0x40, s0, s19, $0xb8;
	[tilespmem:$0x1F800] =	vst v63  }
0xce: {  	_ =	swait.ge [sflag:s22], $0x2000  }
0xcf: {  	[sflag:s22] =	ssyncset.done $0x0  }
0xd0: {  	[sflag:s22] =	ssyncadd.s32 $0xFFFFE000  }
0xd1: {  	[spmem:s2] =	stream.indirect.scatter.add.f32 [tilespmem:s20], [sflag:$0x3], $0x40, s31, s19, $0xb8;
	[tilespmem:$0x1F800] =	vst v63  }
0xd2: {  	_ =	swait.ge [sflag:s15], $0x2000  }
0xd3: {  	[sflag:s15] =	ssyncset.done $0x0  }
0xd4: {  	[sflag:s15] =	ssyncadd.s32 $0xFFFFE000  }
0xd5: {  	[tilespmem:s20], [sflag:$0x2] =	stream.indirect.gather [spmem:s3], $0x40, s0, s19, $0xb8;
	[tilespmem:$0x1F800] =	vst v63  }
0xd6: {  	_ =	swait.ge [sflag:s21], $0x2000  }
0xd7: {  	[sflag:s21] =	ssyncset.done $0x0  }
0xd8: {  	[sflag:s21] =	ssyncadd.s32 $0xFFFFE000  }
0xd9: {  	_ =	swait.ge [sflag:s22], $0x2000  }
0xda: {  	s1 =	sadd.s32 $0x1, s1;
	[sflag:s22] =	ssyncset.done $0x0  }
0xdb: {  	p0 =	sne.s32 s1, s9;
	[sflag:s22] =	ssyncadd.s32 $0xFFFFE000  }
.Ltmp3:
0xdc: {  	[bflag:$0x0] =	sbarrier.arrive $0xFFFF;
	(pc) =	sbr.rel @p0 .LBB2_1-.Ltmp3, $4  }
0xdd: {  	[hbm:s23], [sflag:s26] =	dma.local [spmem:s25], $0x1400  }
0xde: {  	_ =	swait.ge [sflag:s15], $0x1400  }
0xdf: {  	[sflag:s15] =	ssyncset.done $0x0  }
0xe0: {  	[sflag:s15] =	ssyncadd.s32 $0xFFFFEC00  }
0xe1: {  	_ =	sfence.sel $0x180000  }
0xe2: {  	[bflag:$0x0] =	sbarrier.arrive $0xFFFF  }
0xe3: {  	_ =	strace $0x9000004A  }
0xe4: {  	s0 =	stileid.u32;
	[bflag:$0x2] =	sbarrier.arrive $0xFFFF  }
0xe5: {  	p0 =	sne.s32 s0, $0x0;
	s0 =	rddreg [dreg:$0x3]  }
0xe6: {  	s0 =	sadd.s32 @!p0 $0x100000, s0  }
0xe7: {  	[sflag:s0] =	ssyncadd.tile.s32 @!p0 $0x1;
	_ =	shalt  }
.Lfunc_end2:
_tile_overlayer_lowered:
.L_overlay_start_2:
0xe8: {  	(tag) =	ssettag $0x2  }
0xe9: {  	s0 =	rddreg [dreg:$0x0];
	s2 =	stileid.u32  }
0xea: {  	s1 =	rddreg [dreg:$0x1];
	p0 =	sne.s32 s2, $0x0  }
0xeb: {  	s3 =	rddreg [dreg:$0x2];
	[bflag:$0x3] =	sbarrier.arrive $0xFFFF;
	s2 =	simm.s32 @!p0 $0x1C03  }
0xec: {  	[timem:s3], [sflag:s2] =	dma.local @!p0 [hbm:s0], s1  }
0xed: {  	s0 =	simm.s32 @!p0 $0x3  }
0xee: {  	_ =	swait.ge @!p0 [sflag:s0], s1  }
0xef: {  	s1 =	ssub.s32 @!p0 $0x0, s1;
	[sflag:s0] =	ssyncset.done @!p0 $0x0  }
0xf0: {  	[sflag:s0] =	ssyncadd.s32 @!p0 s1  }
0xf1: {  	[bflag:$0x3] =	sbarrier.arrive $0xFFFF  }
0xf2: {  	_ =	shalt  }

// kernel: kernel.14.cloned.1.call-start
scs
__scs_entry_jumppad:
0x0: {  	(pc) =	sbr.rel $0x88, $3  }
0x1: {  	(tag) =	ssettag $0x0;
	lr =	simm.s32 $0x1  }
0x2: {  	[smem:$0x3F9B] =	sst lr;
	_ =	strace $0xD0000000  }
0x3: {  	_ = 	snop  }
0x4: {  	_ = 	snop  }
0x5: {  	_ = 	snop  }
0x6: {  	_ = 	snop  }
0x7: {  	_ = 	snop  }
__scs_overlays_trampoline_lowered:
0x8: {  	[smem:$0x3FAA] =	sst s0  }
0x9: {  	[smem:$0x3FAB] =	sst s1  }
0xa: {  	[smem:$0x3FAC] =	sst s2  }
0xb: {  	[smem:$0x3FAD] =	sst s3  }
0xc: {  	[smem:$0x3FAE] =	sst s4  }
0xd: {  	[smem:$0x3FAF] =	sst s5  }
0xe: {  	[smem:$0x3FB0] =	sst s6  }
0xf: {  	[smem:$0x3FB1] =	sst s7  }
0x10: {  	[smem:$0x3FB2] =	sst s8  }
0x11: {  	[smem:$0x3FB3] =	sst s9;
	s0 =	simm.s32 @!p0 $0x0  }
0x12: {  	s1 =	sld [smem:$0x3F99];
	s0 =	simm.s32 @p0 $0x1  }
0x13: {  	[smem:$0x3FB4] =	sst s0;
	s0 =	simm.s32 @!p1 $0x0  }
0x14: {  	s2 =	sld [smem:$0x3F98];
	s0 =	simm.s32 @p1 $0x1  }
0x15: {  	[smem:$0x3FB5] =	sst s0;
	s0 =	simm.s32 @!p2 $0x0  }
0x16: {  	s3 =	sld [smem:$0x3FDB];
	s0 =	simm.s32 @p2 $0x1  }
0x17: {  	s4 =	simm.s32 $0x1BF5;
	[smem:$0x3FB7] =	sst s0  }
0x18: {  	s0 =	sld [smem:$0x3F9A];
	_ =	swait.ge [sflag:s4], $0x0  }
0x19: {  	s7 =	sld [smem:$0x3F9B]  }
0x1a: {  	s8 =	sadd.s32 $0xFFFFE003, lr  }
0x1b: {  	s9 =	sadd.s32 $0xFFFFFEF7, lr;
	s5 =	simm.s32 $0xFFFFFFFF;
	p2 =	slt.u32 s8, $0xFFFFF086  }
0x1c: {  	p1 =	slt.u32 s9, $0xF7A;
	s5 =	simm.s32 @!p2 $0x0  }
0x1d: {  	s5 =	simm.s32 @p1 $0x1;
	p0 =	seq.s32 s7, s2  }
0x1e: {  	s7 =	smul.u32 @!p0 $0xF7A, s2;
	p2 =	seq.s32 @!p0 s5, $0x0  }
0x1f: {  	s9 =	smul.u32 $0xF7A, s1;
	s8 =	simm.s32 @!p0 $0x1BF5;
	p2 =	por !p2, p0  }
0x20: {  	[sflag:s8] =	ssyncset.s32 @!p0 $0xFFFFF086;
	s6 =	sadd.s32 @!p0 s3, s7;
	s7 =	simm.s32 @!p0 $0x108  }
0x21: {  	s3 =	sadd.s32 s3, s9;
	s6 =	sadd.s32 @!p0 $0x88, s6;
	s7 =	simm.s32 @p2 $0x1082  }
0x22: {  	[simem:s7], [sflag:s8] =	dma.local @!p0 [hbm:s6], $0xF7A  }
0x23: {  	s9 =	sor.u32 $0xD0000000, s2;
	s6 =	simm.s32 $0x108;
	_ =	swait.ge @!p0 [sflag:s8], $0x0  }
0x24: {  	s3 =	sadd.s32 $0x88, s3;
	s6 =	simm.s32 @!p1 $0x1082;
	[sflag:s4] =	ssyncset.s32 $0xFFFFF086  }
0x25: {  	[simem:s6], [sflag:s4] =	dma.local [hbm:s3], $0xF7A  }
0x26: {  	[smem:$0x3F9B] =	sst s1;
	(tag) =	ssettag s2;
	_ =	strace s9  }
0x27: {  	s1 =	sld [smem:$0x3FAB]  }
0x28: {  	s2 =	sld [smem:$0x3FAC]  }
0x29: {  	s4 =	sld [smem:$0x3FAE]  }
0x2a: {  	p0 =	seq.s32 s5, $0x0;
	s5 =	sld [smem:$0x3FAF]  }
0x2b: {  	s6 =	sld [smem:$0x3FB0]  }
0x2c: {  	s7 =	sld [smem:$0x3FB1]  }
0x2d: {  	s3 =	simm.s32 $0x108;
	s8 =	sld [smem:$0x3FB2]  }
0x2e: {  	s3 =	simm.s32 @!p0 $0x1082;
	s9 =	sld [smem:$0x3FB3]  }
0x2f: {  	lr =	sadd.s32 s0, s3;
	s0 =	sld [smem:$0x3FAA]  }
0x30: {  	s3 =	sld [smem:$0x3FAD]  }
0x31: {  	[smem:$0x3FB6] =	sst s10  }
0x32: {  	s10 =	sld [smem:$0x3FB4];
	_ =	sdelay $0x3  }
0x33: {  	p0 =	seq.s32 s10, $0x1;
	s10 =	sld [smem:$0x3FB6];
	_ =	sdelay $0x3  }
0x34: {  	[smem:$0x3FB6] =	sst s10  }
0x35: {  	s10 =	sld [smem:$0x3FB5];
	_ =	sdelay $0x3  }
0x36: {  	p1 =	seq.s32 s10, $0x1;
	s10 =	sld [smem:$0x3FB6];
	_ =	sdelay $0x3  }
0x37: {  	[smem:$0x3FB6] =	sst s10  }
0x38: {  	s10 =	sld [smem:$0x3FB7]  }
0x39: {  	_ = 	snop;
	(pc) =	sbr.ind lr, $3  }
0x3a: {  	_ = 	snop  }
0x3b: {  	_ = 	snop  }
0x3c: {  	p2 =	seq.s32 s10, $0x1;
	s10 =	sld [smem:$0x3FB6]  }
0x3d: {  	_ =	shalt  }
0x3e: {  	_ =	shalt  }
0x3f: {  	_ =	shalt  }
0x40: {  	_ =	shalt  }
0x41: {  	_ =	shalt  }
0x42: {  	_ =	shalt  }
0x43: {  	_ =	shalt  }
0x44: {  	_ =	shalt  }
0x45: {  	_ =	shalt  }
0x46: {  	_ =	shalt  }
0x47: {  	_ =	shalt  }
0x48: {  	_ =	shalt  }
0x49: {  	_ =	shalt  }
0x4a: {  	_ =	shalt  }
0x4b: {  	_ =	shalt  }
0x4c: {  	_ =	shalt  }
0x4d: {  	_ =	shalt  }
0x4e: {  	_ =	shalt  }
0x4f: {  	_ =	shalt  }
0x50: {  	_ =	shalt  }
0x51: {  	_ =	shalt  }
0x52: {  	_ =	shalt  }
0x53: {  	_ =	shalt  }
0x54: {  	_ =	shalt  }
0x55: {  	_ =	shalt  }
0x56: {  	_ =	shalt  }
0x57: {  	_ =	shalt  }
0x58: {  	_ =	shalt  }
0x59: {  	_ =	shalt  }
0x5a: {  	_ =	shalt  }
0x5b: {  	_ =	shalt  }
0x5c: {  	_ =	shalt  }
0x5d: {  	_ =	shalt  }
0x5e: {  	_ =	shalt  }
0x5f: {  	_ =	shalt  }
0x60: {  	_ =	shalt  }
0x61: {  	_ =	shalt  }
0x62: {  	_ =	shalt  }
0x63: {  	_ =	shalt  }
0x64: {  	_ =	shalt  }
0x65: {  	_ =	shalt  }
0x66: {  	_ =	shalt  }
0x67: {  	_ =	shalt  }
0x68: {  	_ =	shalt  }
0x69: {  	_ =	shalt  }
0x6a: {  	_ =	shalt  }
0x6b: {  	_ =	shalt  }
0x6c: {  	_ =	shalt  }
0x6d: {  	_ =	shalt  }
0x6e: {  	_ =	shalt  }
0x6f: {  	_ =	shalt  }
0x70: {  	_ =	shalt  }
0x71: {  	_ =	shalt  }
0x72: {  	_ =	shalt  }
0x73: {  	_ =	shalt  }
0x74: {  	_ =	shalt  }
0x75: {  	_ =	shalt  }
0x76: {  	_ =	shalt  }
0x77: {  	_ =	shalt  }
0x78: {  	_ =	shalt  }
0x79: {  	_ =	shalt  }
0x7a: {  	_ =	shalt  }
0x7b: {  	_ =	shalt  }
0x7c: {  	_ =	shalt  }
0x7d: {  	_ =	shalt  }
0x7e: {  	_ =	shalt  }
0x7f: {  	_ =	shalt  }
0x80: {  	_ =	shalt  }
0x81: {  	_ =	shalt  }
0x82: {  	_ =	shalt  }
0x83: {  	_ =	shalt  }
0x84: {  	_ =	shalt  }
0x85: {  	_ =	shalt  }
0x86: {  	_ =	shalt  }
0x87: {  	_ =	shalt  }
.Lfunc_end0:
.L_simem_size_0:
called_computation.2_lowered:
.L_overlay_start_0:
0x88: {  	s2 =	sld [smem:$0x3FD9]  }
0x89: {  	s3 =	sld [smem:$0x3FFE];
	_ =	sdelay $0x1  }
0x8a: {  	s1 =	srdreg.scid  }
0x8b: {  	s0 =	sand.u32 $0x1, s1  }
0x8c: {  	s16 =	sshll.u32 s0, $0xA;
	s2 =	sadd.s32 s3, s2  }
0x8d: {  	s2 =	sadd.s32 s2, s16  }
0x8e: {  	[smem:$0x3FC2] =	sst s2  }
0x8f: {  	_ = 	snop  }
0x90: {  	(tm) =	ssettm $0x1  }
0x91: {  	s17 =	sld [smem:$0x3FFB];
	_ =	sdelay $0x3  }
0x92: {  	_ =	strace s17  }
0x93: {  	s2 =	sld [smem:$0x3FFC];
	_ =	sdelay $0x3  }
0x94: {  	_ =	strace s2  }
0x95: {  	s2 =	sld [smem:$0x3FFD];
	_ =	sdelay $0x3  }
0x96: {  	_ =	strace s2  }
0x97: {  	_ =	strace $0x8FFFFFFF  }
0x98: {  	s18 =	sld [smem:$0x3FDB];
	_ =	sdelay $0x1  }
0x99: {  	s19 =	simm.s32 $_scs_section_size  }
0x9a: {  	s4 =	simm.s32 $_size__tile_overlayer_lowered;
	s5 =	simm.s32 $_tile_overlayer_lowered  }
0x9b: {  	s22 =	simm.s32 $0x1BFF;
	s21 =	sshll.u32 s5, $0x1;
	s2 =	sadd.s32 s19, s18  }
0x9c: {  	s6 =	simm.s32 $0x0;
	s20 =	sshll.u32 s4, $0x1;
	s4 =	sadd.s32 s21, s2  }
0x9d: {  	[timem:s6], [sflag:s22] =	dma.local [hbm:s4], s20  }
0x9e: {  	_ =	swait.ge [sflag:s22], s20  }
0x9f: {  	s3 =	ssub.s32 $0x0, s20;
	[sflag:s22] =	ssyncset.done $0x0  }
0xa0: {  	[sflag:s22] =	ssyncadd.s32 s3;
	_ =	sdelay $0x1  }
0xa1: {  	s23 =	simm.s32 $0x1B8B  }
0xa2: {  	_ =	swait.ge [sflag:s23], $0x1  }
0xa3: {  	[sflag:s23] =	ssyncset.done $0x0  }
0xa4: {  	s25 =	simm.s32 $0x1B8E;
	s24 =	sld [smem:$0x3FFE];
	[sflag:s23] =	ssyncadd.s32 $0xFFFFFFFF  }
0xa5: {  	s26 =	simm.s32 $execute0_lowered;
	[smem:$0x3FD2] =	sst s25  }
0xa6: {  	s4 =	sshll.u32 s26, $0x1;
	_ =	strace $0x8000004C;
	[dreg:$0x1] =	wrdreg $0xFFFFFFFF  }
0xa7: {  	s28 =	simm.s32 $_size_execute0_lowered;
	s2 =	sadd.s32 s2, s4;
	[dreg:$0x0] =	wrdreg $0x0  }
0xa8: {  	s4 =	sshll.u32 s28, $0x1;
	[dreg:$0x2] =	wrdreg s2  }
0xa9: {  	[dreg:$0x3] =	wrdreg s4  }
0xaa: {  	[dreg:$0x4] =	wrdreg $0xC0  }
0xab: {  	_ =	task [dreg:s6], $0x5FFFF  }
0xac: {  	[dreg:$0x1] =	wrdreg $0xFFFFFFFF  }
0xad: {  	[dreg:$0x0] =	wrdreg $0x60  }
0xae: {  	[dreg:$0x2] =	wrdreg s24  }
0xaf: {  	[dreg:$0x3] =	wrdreg $0xF8000  }
0xb0: {  	[dreg:$0x4] =	wrdreg $0xD0000  }
0xb1: {  	[dreg:$0x5] =	wrdreg $0x9  }
0xb2: {  	_ =	task.clear_ibuf [dreg:s6], $0x6FFFF;
	_ =	strace $0x9000004C  }
0xb3: {  	s29 =	simm.s32 $0x9;
	_ =	strace $0x8000004E  }
0xb4: {  	_ =	swait.ge [sflag:s29], $0x1  }
0xb5: {  	[sflag:s29] =	ssyncadd.s32 $0xFFFFFFFF  }
0xb6: {  	_ =	strace $0x9000004E  }
0xb7: {  	_ =	sfence  }
0xb8: {  	s30 =	sld [smem:$0x0];
	_ =	sdelay $0x2  }
0xb9: {  	s31 =	sshll.u32 s1, $0xD;
	s1 =	sshrl.u32 s1, $0x2  }
0xba: {  	s3 =	sand.u32 $0x4000, s31;
	s1 =	sadd.s32 s1, s30  }
0xbb: {  	s0 =	sor.u32 s3, s0;
	s1 =	sshll.u32 s1, $0x11  }
0xbc: {  	s0 =	sor.u32 s1, s0  }
0xbd: {  	s0 =	sadd.s32 $0x8F2B, s0  }
0xbe: {  	[sflag:s0] =	ssyncadd.remote.s32 $0x1  }
0xbf: {  	_ =	sfence.sel $0xFFFF  }
0xc0: {  	[dreg:$0x0] =	wrdreg $0xFFFFFFFF;
	(pc) =	sbr.abs _section_cstart, $3  }
0xc1: {  	[dreg:$0x1] =	wrdreg $0xFFFFFFFF  }
0xc2: {  	_ =	task.clear_ibuf [dreg:s6], $0x2FFFF;
	_ =	strace $0x9FFFFFFF  }
0xc3: {  	(tm) =	ssettm $0x7FFFFFFF  }
tec
execute0_lowered:
.L_overlay_start_1:
0x0: {  	(tag) =	ssettag $0x1  }
0x1: {  	s0 =	rddreg [dreg:$0x0]  }
0x2: {  	s2 =	rddreg [dreg:$0x1]  }
0x3: {  	s3 =	rddreg [dreg:$0x2]  }
0x4: {  	s11 =	stileid.u32;
	s4 =	srdreg.scid  }
0x5: {  	s21 =	simm.s32 $0x0;
	s28 =	simm.s32 $0x5000;
	s15 =	simm.s32 $0x11  }
0x6: {  	s12 =	simm.s32 $0x4;
	s13 =	simm.s32 $0x5;
	s1 =	smul.u32 $0x2800, s11  }
0x7: {  	s14 =	simm.s32 $0xC;
	s29 =	simm.s32 $0x10;
	s5 =	smul.u32 $0xA0, s11  }
0x8: {  	s4 =	sand.u32 $0x1, s4;
	[smem:$0x7FF] =	sst s21;
	s8 =	smul.u32 $0xA000, s11  }
0x9: {  	s25 =	sshll.u32 s11, $0x6;
	s11 =	simm.s32 $0x3;
	s6 =	smul.u32 $0x50, s4  }
0xa: {  	_ =	strace $0x8000004D;
	s16 =	smul.u32 $0x5000, s4;
	s4 =	ssub.s32 $0x2, s4  }
0xb: {  	s31 =	sor.u32 $0x1C11, s25;
	s25 =	simm.s32 $0x8;
	s7 =	sshrl.u32 s1, $0x3  }
0xc: {  	s10 =	sshrl.u32 s4, $0x1;
	s17 =	sshrl.u32 s8, $0x2;
	s18 =	sadd.s32 s1, s3  }
0xd: {  	s1 =	sadd.s32 s1, s2;
	[dreg:$0xe] =	wrdreg s31;
	s5 =	sadd.s32 s6, s5  }
0xe: {  	s9 =	sadd.s32 s7, s0;
	s4 =	ssub.s32 s4, s10;
	s8 =	sadd.s32 s17, s2  }
0xf: {  	s26 =	sshrl.u32 s18, $0x3;
	s30 =	sshrl.u32 s1, $0x3;
	[dreg:$0x5] =	wrdreg s8  }
0x10: {  	s10 =	simm.s32 $0x2;
	s17 =	simm.s32 $0x6;
	[dreg:$0xf] =	wrdreg s26  }
0x11: {  	s18 =	simm.s32 $0xC000;
	s9 =	sadd.s32 $0xC200, s9;
	[dreg:$0x11] =	wrdreg s30  }
0x12: {  	s5 =	sshll.u32 s5, $0x4;
	s4 =	smax.u32 s4, $0x1;
	[dreg:$0x6] =	wrdreg s9  }
0x13: {  	s20 =	sadd.s32 $0x800, s8;
	s22 =	sadd.s32 $0x1000, s8;
	[dreg:$0x9] =	wrdreg s4  }
0x14: {  	s23 =	sadd.s32 $0x1800, s8;
	s24 =	sadd.s32 $0x2000, s8;
	[dreg:$0xa] =	wrdreg s20  }
0x15: {  	s26 =	simm.s32 $0xF;
	s8 =	simm.s32 $0xB000;
	[dreg:$0xb] =	wrdreg s22  }
0x16: {  	s5 =	sadd.s32 s5, s0;
	s0 =	sadd.s32 s16, s0;
	[dreg:$0xc] =	wrdreg s23  }
0x17: {  	[dreg:$0xd] =	wrdreg s24;
	s9 =	simm.s32 $0x1;
	s23 =	simm.s32 $0x7  }
0x18: {  	s16 =	simm.s32 $0xA;
	s4 =	simm.s32 $0xB;
	s20 =	simm.s32 $0xD  }
0x19: {  	s22 =	simm.s32 $0xE;
	s24 =	simm.s32 $0xB800;
	s19 =	sadd.s32 $0x16200, s5  }
0x1a: {  	s5 =	sadd.s32 $0x2200, s5;
	s0 =	sadd.s32 $0x20200, s0;
	[dreg:$0x7] =	wrdreg s19  }
0x1b: {  	[dreg:$0x8] =	wrdreg s5;
	s19 =	simm.s32 $0x80;
	s0 =	sadd.s32 s7, s0  }
0x1c: {  	v0 =	vimm.f32 $0.0e+00;
	s5 =	simm.s32 $0x9;
	s7 =	simm.s32 $0xA800;
	[dreg:$0x10] =	wrdreg s0  }
.LBB2_1:
0x1d: {  	[dreg:$0x4] =	wrdreg s21;
	s1 =	simm.s32 $0x40;
	s21 =	simm.s32 $0x0  }
.LBB2_2:
0x1e: {  	p0 =	sne.s32 s1, $0x1FC0;
	[tilespmem:s21+$0x5000] =	vst v0;
	s21 =	smov.u32 s1;
	s1 =	sadd.s32 $0x40, s1  }
.Ltmp0:
0x1f: {  	(pc) =	sbr.rel @p0 .LBB2_2-.Ltmp0, $2  }
0x20: {  	_ =	sdelay $0x2  }
0x21: {  	s21 =	sshra.s32 s21, $0x2  }
0x22: {  	[tilespmem:s21+$0x5000] =	vst v0;
	s1 =	rddreg [dreg:$0x5]  }
0x23: {  	[spmem:s1] =	stream.linear.scatter [tilespmem:s28], [sflag:$0x11], $0x800, $0x38;
	[tilespmem:$0x12000] =	vst v63  }
0x24: {  	_ =	swait.ge [sflag:s15], $0x800  }
0x25: {  	[sflag:s15] =	ssyncset.done $0x0  }
0x26: {  	s30 =	rddreg [dreg:$0xa];
	[sflag:s15] =	ssyncadd.s32 $0xFFFFF800  }
0x27: {  	[spmem:s30] =	stream.linear.scatter [tilespmem:s28], [sflag:$0x11], $0x800, $0x38;
	[tilespmem:$0x12000] =	vst v63  }
0x28: {  	_ =	swait.ge [sflag:s15], $0x800  }
0x29: {  	[sflag:s15] =	ssyncset.done $0x0  }
0x2a: {  	s0 =	rddreg [dreg:$0xb];
	[sflag:s15] =	ssyncadd.s32 $0xFFFFF800  }
0x2b: {  	[spmem:s0] =	stream.linear.scatter [tilespmem:s28], [sflag:$0x11], $0x800, $0x38;
	[tilespmem:$0x12000] =	vst v63  }
0x2c: {  	_ =	swait.ge [sflag:s15], $0x800  }
0x2d: {  	[sflag:s15] =	ssyncset.done $0x0  }
0x2e: {  	s6 =	rddreg [dreg:$0xc];
	[sflag:s15] =	ssyncadd.s32 $0xFFFFF800  }
0x2f: {  	[spmem:s6] =	stream.linear.scatter [tilespmem:s28], [sflag:$0x11], $0x800, $0x38;
	[tilespmem:$0x12000] =	vst v63  }
0x30: {  	_ =	swait.ge [sflag:s15], $0x800  }
0x31: {  	[sflag:s15] =	ssyncset.done $0x0  }
0x32: {  	s21 =	rddreg [dreg:$0xd];
	[sflag:s15] =	ssyncadd.s32 $0xFFFFF800  }
0x33: {  	[spmem:s21] =	stream.linear.scatter [tilespmem:s28], [sflag:$0x11], $0x800, $0x38;
	[tilespmem:$0x12000] =	vst v63  }
0x34: {  	_ =	swait.ge [sflag:s15], $0x800  }
0x35: {  	[sflag:s15] =	ssyncset.done $0x0;
	s30 =	rddreg [dreg:$0x6]  }
0x36: {  	s0 =	rddreg [dreg:$0xf];
	[sflag:s15] =	ssyncadd.s32 $0xFFFFF800  }
0x37: {  	[spmem:s0], [sflag:s31] =	dma.local [hbm:s30], $0x500  }
0x38: {  	_ =	swait.ge [sflag:s15], $0x500  }
0x39: {  	[sflag:s15] =	ssyncset.done $0x0  }
0x3a: {  	s1 =	simm.s32 $0x0;
	s0 =	rddreg [dreg:$0x7];
	[sflag:s15] =	ssyncadd.s32 $0xFFFFFB00  }
0x3b: {  	[tilespmem:s1], [sflag:$0x11] =	stream.linear.gather [hbm4b:s0+s1], $0x2800, $0x38;
	[tilespmem:$0x12000] =	vst v63  }
0x3c: {  	_ =	swait.ge [sflag:s15], $0x2800  }
0x3d: {  	[sflag:s15] =	ssyncset.done $0x0  }
0x3e: {  	s30 =	simm.s32 $0x2800;
	s6 =	rddreg [dreg:$0x8];
	[sflag:s15] =	ssyncadd.s32 $0xFFFFD800  }
0x3f: {  	[tilespmem:s30], [sflag:$0x11] =	stream.linear.gather [hbm4b:s6+s1], $0x2800, $0x38;
	[tilespmem:$0x12000] =	vst v63  }
0x40: {  	_ =	swait.ge [sflag:s15], $0x2800  }
0x41: {  	[sflag:s15] =	ssyncset.done $0x0  }
0x42: {  	[sflag:s15] =	ssyncadd.s32 $0xFFFFD800  }
0x43: {  	[bflag:$0x0] =	sbarrier.arrive $0xFFFF  }
0x44: {  	[tilespmem:s28], [sflag:$0x1] =	stream.indirect.gather [spmem:s3], $0x10, s1, s19, $0xb8;
	[tilespmem:$0x12000] =	vst v63  }
0x45: {  	s31 =	simm.s32 $0x5800  }
0x46: {  	[tilespmem:s31], [sflag:$0x2] =	stream.indirect.gather [spmem:s3], $0x10, s19, s19, $0xb8;
	[tilespmem:$0x12000] =	vst v63  }
0x47: {  	s6 =	simm.s32 $0x100;
	s30 =	simm.s32 $0x6000  }
0x48: {  	[tilespmem:s30], [sflag:$0x3] =	stream.indirect.gather [spmem:s3], $0x10, s6, s19, $0xb8;
	[tilespmem:$0x12000] =	vst v63  }
0x49: {  	s21 =	simm.s32 $0x180;
	s6 =	simm.s32 $0x6800  }
0x4a: {  	[tilespmem:s6], [sflag:$0x4] =	stream.indirect.gather [spmem:s3], $0x10, s21, s19, $0xb8;
	[tilespmem:$0x12000] =	vst v63  }
0x4b: {  	s6 =	simm.s32 $0x200;
	s21 =	simm.s32 $0x7000  }
0x4c: {  	[tilespmem:s21], [sflag:$0x5] =	stream.indirect.gather [spmem:s3], $0x10, s6, s19, $0xb8;
	[tilespmem:$0x12000] =	vst v63  }
0x4d: {  	s6 =	simm.s32 $0x280;
	s21 =	simm.s32 $0x7800  }
0x4e: {  	[tilespmem:s21], [sflag:$0x6] =	stream.indirect.gather [spmem:s3], $0x10, s6, s19, $0xb8;
	[tilespmem:$0x12000] =	vst v63  }
0x4f: {  	s6 =	simm.s32 $0x300;
	s21 =	simm.s32 $0x8000  }
0x50: {  	[tilespmem:s21], [sflag:$0x7] =	stream.indirect.gather [spmem:s3], $0x10, s6, s19, $0xb8;
	[tilespmem:$0x12000] =	vst v63  }
0x51: {  	s6 =	simm.s32 $0x380;
	s21 =	simm.s32 $0x8800  }
0x52: {  	[tilespmem:s21], [sflag:$0x8] =	stream.indirect.gather [spmem:s3], $0x10, s6, s19, $0xb8;
	[tilespmem:$0x12000] =	vst v63  }
0x53: {  	s6 =	simm.s32 $0x400;
	s21 =	simm.s32 $0x9000  }
0x54: {  	[tilespmem:s21], [sflag:$0x9] =	stream.indirect.gather [spmem:s3], $0x10, s6, s19, $0xb8;
	[tilespmem:$0x12000] =	vst v63  }
0x55: {  	s6 =	simm.s32 $0x480;
	s21 =	simm.s32 $0x9800  }
0x56: {  	[tilespmem:s21], [sflag:$0xA] =	stream.indirect.gather [spmem:s3], $0x10, s6, s19, $0xb8;
	[tilespmem:$0x12000] =	vst v63  }
0x57: {  	s21 =	simm.s32 $0x500;
	s6 =	simm.s32 $0xA000  }
0x58: {  	[tilespmem:s6], [sflag:$0xB] =	stream.indirect.gather [spmem:s3], $0x10, s21, s19, $0xb8;
	[tilespmem:$0x12000] =	vst v63  }
0x59: {  	s21 =	simm.s32 $0x580  }
0x5a: {  	[tilespmem:s7], [sflag:$0xC] =	stream.indirect.gather [spmem:s3], $0x10, s21, s19, $0xb8;
	[tilespmem:$0x12000] =	vst v63  }
0x5b: {  	s21 =	simm.s32 $0x600  }
0x5c: {  	[tilespmem:s8], [sflag:$0xD] =	stream.indirect.gather [spmem:s3], $0x10, s21, s19, $0xb8;
	[tilespmem:$0x12000] =	vst v63  }
0x5d: {  	s21 =	simm.s32 $0x680  }
0x5e: {  	[tilespmem:s24], [sflag:$0xE] =	stream.indirect.gather [spmem:s3], $0x10, s21, s19, $0xb8;
	[tilespmem:$0x12000] =	vst v63  }
0x5f: {  	s21 =	simm.s32 $0x700  }
0x60: {  	[tilespmem:s18], [sflag:$0xF] =	stream.indirect.gather [spmem:s3], $0x10, s21, s19, $0xb8;
	[tilespmem:$0x12000] =	vst v63  }
0x61: {  	s0 =	simm.s32 $0x780;
	s21 =	simm.s32 $0xC800  }
0x62: {  	[tilespmem:s21], [sflag:$0x10] =	stream.indirect.gather [spmem:s3], $0x10, s0, s19, $0xb8;
	[tilespmem:$0x12000] =	vst v63  }
0x63: {  	_ =	swait.ge [sflag:s9], $0x800  }
0x64: {  	[sflag:s9] =	ssyncset.done $0x0  }
0x65: {  	s0 =	simm.s32 $0x2800;
	[sflag:s9] =	ssyncadd.s32 $0xFFFFF800  }
0x66: {  	[spmem:s2] =	stream.indirect.scatter.add.f32 [tilespmem:s28], [sflag:$0x11], $0x10, s0, s19, $0xb8;
	[tilespmem:$0x12000] =	vst v63  }
0x67: {  	s0 =	smin.u32 s1, $0x3F;
	_ =	swait.ge [sflag:s15], $0x800  }
0x68: {  	s21 =	sshll.u32 s0, $0x7;
	[sflag:s15] =	ssyncset.done $0x0  }
0x69: {  	s21 =	sadd.s32 $0x800, s21;
	[sflag:s15] =	ssyncadd.s32 $0xFFFFF800  }
0x6a: {  	[tilespmem:s28], [sflag:$0x1] =	stream.indirect.gather [spmem:s3], $0x10, s21, s19, $0xb8;
	[tilespmem:$0x12000] =	vst v63  }
0x6b: {  	_ =	swait.ge [sflag:s10], $0x800  }
0x6c: {  	[sflag:s10] =	ssyncset.done $0x0  }
0x6d: {  	s0 =	simm.s32 $0x2880;
	[sflag:s10] =	ssyncadd.s32 $0xFFFFF800  }
0x6e: {  	[spmem:s2] =	stream.indirect.scatter.add.f32 [tilespmem:s31], [sflag:$0x11], $0x10, s0, s19, $0xb8;
	[tilespmem:$0x12000] =	vst v63  }
0x6f: {  	s0 =	smin.u32 s1, $0x3E;
	_ =	swait.ge [sflag:s15], $0x800  }
0x70: {  	s21 =	sshll.u32 s0, $0x7;
	[sflag:s15] =	ssyncset.done $0x0  }
0x71: {  	s21 =	sadd.s32 $0x880, s21;
	[sflag:s15] =	ssyncadd.s32 $0xFFFFF800  }
0x72: {  	[tilespmem:s31], [sflag:$0x2] =	stream.indirect.gather [spmem:s3], $0x10, s21, s19, $0xb8;
	[tilespmem:$0x12000] =	vst v63  }
0x73: {  	_ =	swait.ge [sflag:s11], $0x800  }
0x74: {  	[sflag:s11] =	ssyncset.done $0x0  }
0x75: {  	s0 =	simm.s32 $0x2900;
	[sflag:s11] =	ssyncadd.s32 $0xFFFFF800  }
0x76: {  	[spmem:s2] =	stream.indirect.scatter.add.f32 [tilespmem:s30], [sflag:$0x11], $0x10, s0, s19, $0xb8;
	[tilespmem:$0x12000] =	vst v63  }
0x77: {  	s0 =	smin.u32 s1, $0x3D;
	_ =	swait.ge [sflag:s15], $0x800  }
0x78: {  	s21 =	sshll.u32 s0, $0x7;
	[sflag:s15] =	ssyncset.done $0x0  }
0x79: {  	s21 =	sadd.s32 $0x900, s21;
	[sflag:s15] =	ssyncadd.s32 $0xFFFFF800  }
0x7a: {  	[tilespmem:s30], [sflag:$0x3] =	stream.indirect.gather [spmem:s3], $0x10, s21, s19, $0xb8;
	[tilespmem:$0x12000] =	vst v63  }
0x7b: {  	_ =	swait.ge [sflag:s12], $0x800  }
0x7c: {  	[sflag:s12] =	ssyncset.done $0x0  }
0x7d: {  	s0 =	simm.s32 $0x6800;
	s30 =	simm.s32 $0x2980;
	[sflag:s12] =	ssyncadd.s32 $0xFFFFF800  }
0x7e: {  	[spmem:s2] =	stream.indirect.scatter.add.f32 [tilespmem:s0], [sflag:$0x11], $0x10, s30, s19, $0xb8;
	[tilespmem:$0x12000] =	vst v63  }
0x7f: {  	s30 =	smin.u32 s1, $0x3C;
	_ =	swait.ge [sflag:s15], $0x800  }
0x80: {  	s21 =	sshll.u32 s30, $0x7;
	[sflag:s15] =	ssyncset.done $0x0  }
0x81: {  	s21 =	sadd.s32 $0x980, s21;
	[sflag:s15] =	ssyncadd.s32 $0xFFFFF800  }
0x82: {  	[tilespmem:s0], [sflag:$0x4] =	stream.indirect.gather [spmem:s3], $0x10, s21, s19, $0xb8;
	[tilespmem:$0x12000] =	vst v63  }
0x83: {  	_ =	swait.ge [sflag:s13], $0x800  }
0x84: {  	[sflag:s13] =	ssyncset.done $0x0  }
0x85: {  	s30 =	simm.s32 $0x2A00;
	s0 =	simm.s32 $0x7000;
	[sflag:s13] =	ssyncadd.s32 $0xFFFFF800  }
0x86: {  	[spmem:s2] =	stream.indirect.scatter.add.f32 [tilespmem:s0], [sflag:$0x11], $0x10, s30, s19, $0xb8;
	[tilespmem:$0x12000] =	vst v63  }
0x87: {  	s30 =	smin.u32 s1, $0x3B;
	_ =	swait.ge [sflag:s15], $0x800  }
0x88: {  	s21 =	sshll.u32 s30, $0x7;
	[sflag:s15] =	ssyncset.done $0x0  }
0x89: {  	s21 =	sadd.s32 $0xA00, s21;
	[sflag:s15] =	ssyncadd.s32 $0xFFFFF800  }
0x8a: {  	[tilespmem:s0], [sflag:$0x5] =	stream.indirect.gather [spmem:s3], $0x10, s21, s19, $0xb8;
	[tilespmem:$0x12000] =	vst v63  }
0x8b: {  	_ =	swait.ge [sflag:s17], $0x800  }
0x8c: {  	[sflag:s17] =	ssyncset.done $0x0  }
0x8d: {  	s30 =	simm.s32 $0x2A80;
	s0 =	simm.s32 $0x7800;
	[sflag:s17] =	ssyncadd.s32 $0xFFFFF800  }
0x8e: {  	[spmem:s2] =	stream.indirect.scatter.add.f32 [tilespmem:s0], [sflag:$0x11], $0x10, s30, s19, $0xb8;
	[tilespmem:$0x12000] =	vst v63  }
0x8f: {  	s30 =	smin.u32 s1, $0x3A;
	_ =	swait.ge [sflag:s15], $0x800  }
0x90: {  	s21 =	sshll.u32 s30, $0x7;
	[sflag:s15] =	ssyncset.done $0x0  }
0x91: {  	s21 =	sadd.s32 $0xA80, s21;
	[sflag:s15] =	ssyncadd.s32 $0xFFFFF800  }
0x92: {  	[tilespmem:s0], [sflag:$0x6] =	stream.indirect.gather [spmem:s3], $0x10, s21, s19, $0xb8;
	[tilespmem:$0x12000] =	vst v63  }
0x93: {  	_ =	swait.ge [sflag:s23], $0x800  }
0x94: {  	[sflag:s23] =	ssyncset.done $0x0  }
0x95: {  	s30 =	simm.s32 $0x2B00;
	s0 =	simm.s32 $0x8000;
	[sflag:s23] =	ssyncadd.s32 $0xFFFFF800  }
0x96: {  	[spmem:s2] =	stream.indirect.scatter.add.f32 [tilespmem:s0], [sflag:$0x11], $0x10, s30, s19, $0xb8;
	[tilespmem:$0x12000] =	vst v63  }
0x97: {  	s30 =	smin.u32 s1, $0x39;
	_ =	swait.ge [sflag:s15], $0x800  }
0x98: {  	s21 =	sshll.u32 s30, $0x7;
	[sflag:s15] =	ssyncset.done $0x0  }
0x99: {  	s21 =	sadd.s32 $0xB00, s21;
	[sflag:s15] =	ssyncadd.s32 $0xFFFFF800  }
0x9a: {  	[tilespmem:s0], [sflag:$0x7] =	stream.indirect.gather [spmem:s3], $0x10, s21, s19, $0xb8;
	[tilespmem:$0x12000] =	vst v63  }
0x9b: {  	_ =	swait.ge [sflag:s25], $0x800  }
0x9c: {  	[sflag:s25] =	ssyncset.done $0x0  }
0x9d: {  	s30 =	simm.s32 $0x2B80;
	s0 =	simm.s32 $0x8800;
	[sflag:s25] =	ssyncadd.s32 $0xFFFFF800  }
0x9e: {  	[spmem:s2] =	stream.indirect.scatter.add.f32 [tilespmem:s0], [sflag:$0x11], $0x10, s30, s19, $0xb8;
	[tilespmem:$0x12000] =	vst v63  }
0x9f: {  	s30 =	smin.u32 s1, $0x38;
	_ =	swait.ge [sflag:s15], $0x800  }
0xa0: {  	s21 =	sshll.u32 s30, $0x7;
	[sflag:s15] =	ssyncset.done $0x0  }
0xa1: {  	s21 =	sadd.s32 $0xB80, s21;
	[sflag:s15] =	ssyncadd.s32 $0xFFFFF800  }
0xa2: {  	[tilespmem:s0], [sflag:$0x8] =	stream.indirect.gather [spmem:s3], $0x10, s21, s19, $0xb8;
	[tilespmem:$0x12000] =	vst v63  }
0xa3: {  	_ =	swait.ge [sflag:s5], $0x800  }
0xa4: {  	[sflag:s5] =	ssyncset.done $0x0  }
0xa5: {  	s30 =	simm.s32 $0x2C00;
	s0 =	simm.s32 $0x9000;
	[sflag:s5] =	ssyncadd.s32 $0xFFFFF800  }
0xa6: {  	[spmem:s2] =	stream.indirect.scatter.add.f32 [tilespmem:s0], [sflag:$0x11], $0x10, s30, s19, $0xb8;
	[tilespmem:$0x12000] =	vst v63  }
0xa7: {  	s30 =	smin.u32 s1, $0x37;
	_ =	swait.ge [sflag:s15], $0x800  }
0xa8: {  	s21 =	sshll.u32 s30, $0x7;
	[sflag:s15] =	ssyncset.done $0x0  }
0xa9: {  	s21 =	sadd.s32 $0xC00, s21;
	[sflag:s15] =	ssyncadd.s32 $0xFFFFF800  }
0xaa: {  	[tilespmem:s0], [sflag:$0x9] =	stream.indirect.gather [spmem:s3], $0x10, s21, s19, $0xb8;
	[tilespmem:$0x12000] =	vst v63  }
0xab: {  	_ =	swait.ge [sflag:s16], $0x800  }
0xac: {  	[sflag:s16] =	ssyncset.done $0x0  }
0xad: {  	s30 =	simm.s32 $0x2C80;
	s0 =	simm.s32 $0x9800;
	[sflag:s16] =	ssyncadd.s32 $0xFFFFF800  }
0xae: {  	[spmem:s2] =	stream.indirect.scatter.add.f32 [tilespmem:s0], [sflag:$0x11], $0x10, s30, s19, $0xb8;
	[tilespmem:$0x12000] =	vst v63  }
0xaf: {  	s30 =	smin.u32 s1, $0x36;
	_ =	swait.ge [sflag:s15], $0x800  }
0xb0: {  	s21 =	sshll.u32 s30, $0x7;
	[sflag:s15] =	ssyncset.done $0x0  }
0xb1: {  	s21 =	sadd.s32 $0xC80, s21;
	[sflag:s15] =	ssyncadd.s32 $0xFFFFF800  }
0xb2: {  	[tilespmem:s0], [sflag:$0xA] =	stream.indirect.gather [spmem:s3], $0x10, s21, s19, $0xb8;
	[tilespmem:$0x12000] =	vst v63  }
0xb3: {  	_ =	swait.ge [sflag:s4], $0x800  }
0xb4: {  	[sflag:s4] =	ssyncset.done $0x0  }
0xb5: {  	s30 =	simm.s32 $0x2D00;
	[sflag:s4] =	ssyncadd.s32 $0xFFFFF800  }
0xb6: {  	[spmem:s2] =	stream.indirect.scatter.add.f32 [tilespmem:s6], [sflag:$0x11], $0x10, s30, s19, $0xb8;
	[tilespmem:$0x12000] =	vst v63  }
0xb7: {  	s0 =	smin.u32 s1, $0x35;
	_ =	swait.ge [sflag:s15], $0x800  }
0xb8: {  	s21 =	sshll.u32 s0, $0x7;
	[sflag:s15] =	ssyncset.done $0x0  }
0xb9: {  	s21 =	sadd.s32 $0xD00, s21;
	[sflag:s15] =	ssyncadd.s32 $0xFFFFF800  }
0xba: {  	[tilespmem:s6], [sflag:$0xB] =	stream.indirect.gather [spmem:s3], $0x10, s21, s19, $0xb8;
	[tilespmem:$0x12000] =	vst v63  }
0xbb: {  	_ =	swait.ge [sflag:s14], $0x800  }
0xbc: {  	[sflag:s14] =	ssyncset.done $0x0  }
0xbd: {  	s30 =	simm.s32 $0x2D80;
	[sflag:s14] =	ssyncadd.s32 $0xFFFFF800  }
0xbe: {  	[spmem:s2] =	stream.indirect.scatter.add.f32 [tilespmem:s7], [sflag:$0x11], $0x10, s30, s19, $0xb8;
	[tilespmem:$0x12000] =	vst v63  }
0xbf: {  	s0 =	smin.u32 s1, $0x34;
	_ =	swait.ge [sflag:s15], $0x800  }
0xc0: {  	s21 =	sshll.u32 s0, $0x7;
	[sflag:s15] =	ssyncset.done $0x0  }
0xc1: {  	s21 =	sadd.s32 $0xD80, s21;
	[sflag:s15] =	ssyncadd.s32 $0xFFFFF800  }
0xc2: {  	[tilespmem:s7], [sflag:$0xC] =	stream.indirect.gather [spmem:s3], $0x10, s21, s19, $0xb8;
	[tilespmem:$0x12000] =	vst v63  }
0xc3: {  	_ =	swait.ge [sflag:s20], $0x800  }
0xc4: {  	[sflag:s20] =	ssyncset.done $0x0  }
0xc5: {  	s30 =	simm.s32 $0x2E00;
	[sflag:s20] =	ssyncadd.s32 $0xFFFFF800  }
0xc6: {  	[spmem:s2] =	stream.indirect.scatter.add.f32 [tilespmem:s8], [sflag:$0x11], $0x10, s30, s19, $0xb8;
	[tilespmem:$0x12000] =	vst v63  }
0xc7: {  	s0 =	smin.u32 s1, $0x33;
	_ =	swait.ge [sflag:s15], $0x800  }
0xc8: {  	s21 =	sshll.u32 s0, $0x7;
	[sflag:s15] =	ssyncset.done $0x0  }
0xc9: {  	s21 =	sadd.s32 $0xE00, s21;
	[sflag:s15] =	ssyncadd.s32 $0xFFFFF800  }
0xca: {  	[tilespmem:s8], [sflag:$0xD] =	stream.indirect.gather [spmem:s3], $0x10, s21, s19, $0xb8;
	[tilespmem:$0x12000] =	vst v63  }
0xcb: {  	_ =	swait.ge [sflag:s22], $0x800  }
0xcc: {  	[sflag:s22] =	ssyncset.done $0x0  }
0xcd: {  	s30 =	simm.s32 $0x2E80;
	[sflag:s22] =	ssyncadd.s32 $0xFFFFF800  }
0xce: {  	[spmem:s2] =	stream.indirect.scatter.add.f32 [tilespmem:s24], [sflag:$0x11], $0x10, s30, s19, $0xb8;
	[tilespmem:$0x12000] =	vst v63  }
0xcf: {  	s0 =	smin.u32 s1, $0x32;
	_ =	swait.ge [sflag:s15], $0x800  }
0xd0: {  	s21 =	sshll.u32 s0, $0x7;
	[sflag:s15] =	ssyncset.done $0x0  }
0xd1: {  	s21 =	sadd.s32 $0xE80, s21;
	[sflag:s15] =	ssyncadd.s32 $0xFFFFF800  }
0xd2: {  	[tilespmem:s24], [sflag:$0xE] =	stream.indirect.gather [spmem:s3], $0x10, s21, s19, $0xb8;
	[tilespmem:$0x12000] =	vst v63  }
0xd3: {  	_ =	swait.ge [sflag:s26], $0x800  }
0xd4: {  	[sflag:s26] =	ssyncset.done $0x0  }
0xd5: {  	s30 =	simm.s32 $0x2F00;
	[sflag:s26] =	ssyncadd.s32 $0xFFFFF800  }
0xd6: {  	[spmem:s2] =	stream.indirect.scatter.add.f32 [tilespmem:s18], [sflag:$0x11], $0x10, s30, s19, $0xb8;
	[tilespmem:$0x12000] =	vst v63  }
0xd7: {  	s0 =	smin.u32 s1, $0x31;
	_ =	swait.ge [sflag:s15], $0x800  }
0xd8: {  	s21 =	sshll.u32 s0, $0x7;
	[sflag:s15] =	ssyncset.done $0x0  }
0xd9: {  	s21 =	sadd.s32 $0xF00, s21;
	[sflag:s15] =	ssyncadd.s32 $0xFFFFF800  }
0xda: {  	[tilespmem:s18], [sflag:$0xF] =	stream.indirect.gather [spmem:s3], $0x10, s21, s19, $0xb8;
	[tilespmem:$0x12000] =	vst v63  }
0xdb: {  	_ =	swait.ge [sflag:s29], $0x800  }
0xdc: {  	[sflag:s29] =	ssyncset.done $0x0  }
0xdd: {  	s28 =	simm.s32 $0xC800;
	s30 =	simm.s32 $0x2F80;
	[sflag:s29] =	ssyncadd.s32 $0xFFFFF800  }
0xde: {  	[spmem:s2] =	stream.indirect.scatter.add.f32 [tilespmem:s28], [sflag:$0x11], $0x10, s30, s19, $0xb8;
	[tilespmem:$0x12000] =	vst v63  }
0xdf: {  	s31 =	simm.s32 $0x2000;
	s1 =	smin.u32 s1, $0x30;
	_ =	swait.ge [sflag:s15], $0x800  }
0xe0: {  	s1 =	sshll.u32 s1, $0x7;
	s0 =	simm.s32 $0x5000;
	[sflag:s15] =	ssyncset.done $0x0  }
0xe1: {  	s21 =	sadd.s32 $0xF80, s1;
	s1 =	simm.s32 $0x10;
	[sflag:s15] =	ssyncadd.s32 $0xFFFFF800  }
.LBB2_4:
0xe2: {  	[tilespmem:s28], [sflag:$0x10] =	stream.indirect.gather [spmem:s3], $0x10, s21, s19, $0xb8;
	[tilespmem:$0x12000] =	vst v63  }
0xe3: {  	s21 =	smov.u32 s31  }
0xe4: {  	p0 =	sne.s32 s31, $0x8000;
	s31 =	sadd.s32 $0x2000, s31;
	_ =	swait.ge [sflag:s9], $0x800  }
0xe5: {  	s21 =	sshra.s32 s21, $0x2;
	[sflag:s9] =	ssyncset.done $0x0  }
0xe6: {  	s28 =	sadd.s32 $0x2800, s21;
	[sflag:s9] =	ssyncadd.s32 $0xFFFFF800  }
0xe7: {  	[spmem:s2] =	stream.indirect.scatter.add.f32 [tilespmem:s0], [sflag:$0x11], $0x10, s28, s19, $0xb8;
	[tilespmem:$0x12000] =	vst v63  }
0xe8: {  	s28 =	smin.u32 s1, $0x3F;
	_ =	swait.ge [sflag:s15], $0x800  }
0xe9: {  	s28 =	sshll.u32 s28, $0x7;
	[sflag:s15] =	ssyncset.done $0x0  }
0xea: {  	s28 =	sadd.s32 $0x800, s28;
	[sflag:s15] =	ssyncadd.s32 $0xFFFFF800  }
0xeb: {  	[tilespmem:s0], [sflag:$0x1] =	stream.indirect.gather [spmem:s3], $0x10, s28, s19, $0xb8;
	[tilespmem:$0x12000] =	vst v63  }
0xec: {  	_ =	swait.ge [sflag:s10], $0x800  }
0xed: {  	[sflag:s10] =	ssyncset.done $0x0  }
0xee: {  	s30 =	simm.s32 $0x5800;
	s28 =	sadd.s32 $0x2880, s21;
	[sflag:s10] =	ssyncadd.s32 $0xFFFFF800  }
0xef: {  	[spmem:s2] =	stream.indirect.scatter.add.f32 [tilespmem:s30], [sflag:$0x11], $0x10, s28, s19, $0xb8;
	[tilespmem:$0x12000] =	vst v63  }
0xf0: {  	s28 =	smin.u32 s1, $0x3E;
	_ =	swait.ge [sflag:s15], $0x800  }
0xf1: {  	s28 =	sshll.u32 s28, $0x7;
	[sflag:s15] =	ssyncset.done $0x0  }
0xf2: {  	s28 =	sadd.s32 $0x880, s28;
	[sflag:s15] =	ssyncadd.s32 $0xFFFFF800  }
0xf3: {  	[tilespmem:s30], [sflag:$0x2] =	stream.indirect.gather [spmem:s3], $0x10, s28, s19, $0xb8;
	[tilespmem:$0x12000] =	vst v63  }
0xf4: {  	_ =	swait.ge [sflag:s11], $0x800  }
0xf5: {  	[sflag:s11] =	ssyncset.done $0x0  }
0xf6: {  	s28 =	sadd.s32 $0x2900, s21;
	s30 =	simm.s32 $0x6000;
	[sflag:s11] =	ssyncadd.s32 $0xFFFFF800  }
0xf7: {  	[spmem:s2] =	stream.indirect.scatter.add.f32 [tilespmem:s30], [sflag:$0x11], $0x10, s28, s19, $0xb8;
	[tilespmem:$0x12000] =	vst v63  }
0xf8: {  	s28 =	smin.u32 s1, $0x3D;
	_ =	swait.ge [sflag:s15], $0x800  }
0xf9: {  	s28 =	sshll.u32 s28, $0x7;
	[sflag:s15] =	ssyncset.done $0x0  }
0xfa: {  	s28 =	sadd.s32 $0x900, s28;
	[sflag:s15] =	ssyncadd.s32 $0xFFFFF800  }
0xfb: {  	[tilespmem:s30], [sflag:$0x3] =	stream.indirect.gather [spmem:s3], $0x10, s28, s19, $0xb8;
	[tilespmem:$0x12000] =	vst v63  }
0xfc: {  	_ =	swait.ge [sflag:s12], $0x800  }
0xfd: {  	[sflag:s12] =	ssyncset.done $0x0  }
0xfe: {  	s28 =	sadd.s32 $0x2980, s21;
	s30 =	simm.s32 $0x6800;
	[sflag:s12] =	ssyncadd.s32 $0xFFFFF800  }
0xff: {  	[spmem:s2] =	stream.indirect.scatter.add.f32 [tilespmem:s30], [sflag:$0x11], $0x10, s28, s19, $0xb8;
	[tilespmem:$0x12000] =	vst v63  }
0x100: {  	s28 =	smin.u32 s1, $0x3C;
	_ =	swait.ge [sflag:s15], $0x800  }
0x101: {  	s28 =	sshll.u32 s28, $0x7;
	[sflag:s15] =	ssyncset.done $0x0  }
0x102: {  	s28 =	sadd.s32 $0x980, s28;
	[sflag:s15] =	ssyncadd.s32 $0xFFFFF800  }
0x103: {  	[tilespmem:s30], [sflag:$0x4] =	stream.indirect.gather [spmem:s3], $0x10, s28, s19, $0xb8;
	[tilespmem:$0x12000] =	vst v63  }
0x104: {  	_ =	swait.ge [sflag:s13], $0x800  }
0x105: {  	[sflag:s13] =	ssyncset.done $0x0  }
0x106: {  	s28 =	sadd.s32 $0x2A00, s21;
	s30 =	simm.s32 $0x7000;
	[sflag:s13] =	ssyncadd.s32 $0xFFFFF800  }
0x107: {  	[spmem:s2] =	stream.indirect.scatter.add.f32 [tilespmem:s30], [sflag:$0x11], $0x10, s28, s19, $0xb8;
	[tilespmem:$0x12000] =	vst v63  }
0x108: {  	s28 =	smin.u32 s1, $0x3B;
	_ =	swait.ge [sflag:s15], $0x800  }
0x109: {  	s28 =	sshll.u32 s28, $0x7;
	[sflag:s15] =	ssyncset.done $0x0  }
0x10a: {  	s28 =	sadd.s32 $0xA00, s28;
	[sflag:s15] =	ssyncadd.s32 $0xFFFFF800  }
0x10b: {  	[tilespmem:s30], [sflag:$0x5] =	stream.indirect.gather [spmem:s3], $0x10, s28, s19, $0xb8;
	[tilespmem:$0x12000] =	vst v63  }
0x10c: {  	_ =	swait.ge [sflag:s17], $0x800  }
0x10d: {  	[sflag:s17] =	ssyncset.done $0x0  }
0x10e: {  	s28 =	sadd.s32 $0x2A80, s21;
	s30 =	simm.s32 $0x7800;
	[sflag:s17] =	ssyncadd.s32 $0xFFFFF800  }
0x10f: {  	[spmem:s2] =	stream.indirect.scatter.add.f32 [tilespmem:s30], [sflag:$0x11], $0x10, s28, s19, $0xb8;
	[tilespmem:$0x12000] =	vst v63  }
0x110: {  	s28 =	smin.u32 s1, $0x3A;
	_ =	swait.ge [sflag:s15], $0x800  }
0x111: {  	s28 =	sshll.u32 s28, $0x7;
	[sflag:s15] =	ssyncset.done $0x0  }
0x112: {  	s28 =	sadd.s32 $0xA80, s28;
	[sflag:s15] =	ssyncadd.s32 $0xFFFFF800  }
0x113: {  	[tilespmem:s30], [sflag:$0x6] =	stream.indirect.gather [spmem:s3], $0x10, s28, s19, $0xb8;
	[tilespmem:$0x12000] =	vst v63  }
0x114: {  	_ =	swait.ge [sflag:s23], $0x800  }
0x115: {  	[sflag:s23] =	ssyncset.done $0x0  }
0x116: {  	s28 =	sadd.s32 $0x2B00, s21;
	s30 =	simm.s32 $0x8000;
	[sflag:s23] =	ssyncadd.s32 $0xFFFFF800  }
0x117: {  	[spmem:s2] =	stream.indirect.scatter.add.f32 [tilespmem:s30], [sflag:$0x11], $0x10, s28, s19, $0xb8;
	[tilespmem:$0x12000] =	vst v63  }
0x118: {  	s28 =	smin.u32 s1, $0x39;
	_ =	swait.ge [sflag:s15], $0x800  }
0x119: {  	s28 =	sshll.u32 s28, $0x7;
	[sflag:s15] =	ssyncset.done $0x0  }
0x11a: {  	s28 =	sadd.s32 $0xB00, s28;
	[sflag:s15] =	ssyncadd.s32 $0xFFFFF800  }
0x11b: {  	[tilespmem:s30], [sflag:$0x7] =	stream.indirect.gather [spmem:s3], $0x10, s28, s19, $0xb8;
	[tilespmem:$0x12000] =	vst v63  }
0x11c: {  	_ =	swait.ge [sflag:s25], $0x800  }
0x11d: {  	[sflag:s25] =	ssyncset.done $0x0  }
0x11e: {  	s28 =	sadd.s32 $0x2B80, s21;
	s30 =	simm.s32 $0x8800;
	[sflag:s25] =	ssyncadd.s32 $0xFFFFF800  }
0x11f: {  	[spmem:s2] =	stream.indirect.scatter.add.f32 [tilespmem:s30], [sflag:$0x11], $0x10, s28, s19, $0xb8;
	[tilespmem:$0x12000] =	vst v63  }
0x120: {  	s28 =	smin.u32 s1, $0x38;
	_ =	swait.ge [sflag:s15], $0x800  }
0x121: {  	s28 =	sshll.u32 s28, $0x7;
	[sflag:s15] =	ssyncset.done $0x0  }
0x122: {  	s28 =	sadd.s32 $0xB80, s28;
	[sflag:s15] =	ssyncadd.s32 $0xFFFFF800  }
0x123: {  	[tilespmem:s30], [sflag:$0x8] =	stream.indirect.gather [spmem:s3], $0x10, s28, s19, $0xb8;
	[tilespmem:$0x12000] =	vst v63  }
0x124: {  	_ =	swait.ge [sflag:s5], $0x800  }
0x125: {  	[sflag:s5] =	ssyncset.done $0x0  }
0x126: {  	s28 =	sadd.s32 $0x2C00, s21;
	s30 =	simm.s32 $0x9000;
	[sflag:s5] =	ssyncadd.s32 $0xFFFFF800  }
0x127: {  	[spmem:s2] =	stream.indirect.scatter.add.f32 [tilespmem:s30], [sflag:$0x11], $0x10, s28, s19, $0xb8;
	[tilespmem:$0x12000] =	vst v63  }
0x128: {  	s28 =	smin.u32 s1, $0x37;
	_ =	swait.ge [sflag:s15], $0x800  }
0x129: {  	s28 =	sshll.u32 s28, $0x7;
	[sflag:s15] =	ssyncset.done $0x0  }
0x12a: {  	s28 =	sadd.s32 $0xC00, s28;
	[sflag:s15] =	ssyncadd.s32 $0xFFFFF800  }
0x12b: {  	[tilespmem:s30], [sflag:$0x9] =	stream.indirect.gather [spmem:s3], $0x10, s28, s19, $0xb8;
	[tilespmem:$0x12000] =	vst v63  }
0x12c: {  	_ =	swait.ge [sflag:s16], $0x800  }
0x12d: {  	[sflag:s16] =	ssyncset.done $0x0  }
0x12e: {  	s28 =	sadd.s32 $0x2C80, s21;
	s30 =	simm.s32 $0x9800;
	[sflag:s16] =	ssyncadd.s32 $0xFFFFF800  }
0x12f: {  	[spmem:s2] =	stream.indirect.scatter.add.f32 [tilespmem:s30], [sflag:$0x11], $0x10, s28, s19, $0xb8;
	[tilespmem:$0x12000] =	vst v63  }
0x130: {  	s28 =	smin.u32 s1, $0x36;
	_ =	swait.ge [sflag:s15], $0x800  }
0x131: {  	s28 =	sshll.u32 s28, $0x7;
	[sflag:s15] =	ssyncset.done $0x0  }
0x132: {  	s28 =	sadd.s32 $0xC80, s28;
	[sflag:s15] =	ssyncadd.s32 $0xFFFFF800  }
0x133: {  	[tilespmem:s30], [sflag:$0xA] =	stream.indirect.gather [spmem:s3], $0x10, s28, s19, $0xb8;
	[tilespmem:$0x12000] =	vst v63  }
0x134: {  	_ =	swait.ge [sflag:s4], $0x800  }
0x135: {  	[sflag:s4] =	ssyncset.done $0x0  }
0x136: {  	s28 =	sadd.s32 $0x2D00, s21;
	[sflag:s4] =	ssyncadd.s32 $0xFFFFF800  }
0x137: {  	[spmem:s2] =	stream.indirect.scatter.add.f32 [tilespmem:s6], [sflag:$0x11], $0x10, s28, s19, $0xb8;
	[tilespmem:$0x12000] =	vst v63  }
0x138: {  	s28 =	smin.u32 s1, $0x35;
	_ =	swait.ge [sflag:s15], $0x800  }
0x139: {  	s28 =	sshll.u32 s28, $0x7;
	[sflag:s15] =	ssyncset.done $0x0  }
0x13a: {  	s28 =	sadd.s32 $0xD00, s28;
	[sflag:s15] =	ssyncadd.s32 $0xFFFFF800  }
0x13b: {  	[tilespmem:s6], [sflag:$0xB] =	stream.indirect.gather [spmem:s3], $0x10, s28, s19, $0xb8;
	[tilespmem:$0x12000] =	vst v63  }
0x13c: {  	_ =	swait.ge [sflag:s14], $0x800  }
0x13d: {  	[sflag:s14] =	ssyncset.done $0x0  }
0x13e: {  	s28 =	sadd.s32 $0x2D80, s21;
	[sflag:s14] =	ssyncadd.s32 $0xFFFFF800  }
0x13f: {  	[spmem:s2] =	stream.indirect.scatter.add.f32 [tilespmem:s7], [sflag:$0x11], $0x10, s28, s19, $0xb8;
	[tilespmem:$0x12000] =	vst v63  }
0x140: {  	s28 =	smin.u32 s1, $0x34;
	_ =	swait.ge [sflag:s15], $0x800  }
0x141: {  	s28 =	sshll.u32 s28, $0x7;
	[sflag:s15] =	ssyncset.done $0x0  }
0x142: {  	s28 =	sadd.s32 $0xD80, s28;
	[sflag:s15] =	ssyncadd.s32 $0xFFFFF800  }
0x143: {  	[tilespmem:s7], [sflag:$0xC] =	stream.indirect.gather [spmem:s3], $0x10, s28, s19, $0xb8;
	[tilespmem:$0x12000] =	vst v63  }
0x144: {  	_ =	swait.ge [sflag:s20], $0x800  }
0x145: {  	[sflag:s20] =	ssyncset.done $0x0  }
0x146: {  	s28 =	sadd.s32 $0x2E00, s21;
	[sflag:s20] =	ssyncadd.s32 $0xFFFFF800  }
0x147: {  	[spmem:s2] =	stream.indirect.scatter.add.f32 [tilespmem:s8], [sflag:$0x11], $0x10, s28, s19, $0xb8;
	[tilespmem:$0x12000] =	vst v63  }
0x148: {  	s28 =	smin.u32 s1, $0x33;
	_ =	swait.ge [sflag:s15], $0x800  }
0x149: {  	s28 =	sshll.u32 s28, $0x7;
	[sflag:s15] =	ssyncset.done $0x0  }
0x14a: {  	s28 =	sadd.s32 $0xE00, s28;
	[sflag:s15] =	ssyncadd.s32 $0xFFFFF800  }
0x14b: {  	[tilespmem:s8], [sflag:$0xD] =	stream.indirect.gather [spmem:s3], $0x10, s28, s19, $0xb8;
	[tilespmem:$0x12000] =	vst v63  }
0x14c: {  	_ =	swait.ge [sflag:s22], $0x800  }
0x14d: {  	[sflag:s22] =	ssyncset.done $0x0  }
0x14e: {  	s28 =	sadd.s32 $0x2E80, s21;
	[sflag:s22] =	ssyncadd.s32 $0xFFFFF800  }
0x14f: {  	[spmem:s2] =	stream.indirect.scatter.add.f32 [tilespmem:s24], [sflag:$0x11], $0x10, s28, s19, $0xb8;
	[tilespmem:$0x12000] =	vst v63  }
0x150: {  	s28 =	smin.u32 s1, $0x32;
	_ =	swait.ge [sflag:s15], $0x800  }
0x151: {  	s28 =	sshll.u32 s28, $0x7;
	[sflag:s15] =	ssyncset.done $0x0  }
0x152: {  	s28 =	sadd.s32 $0xE80, s28;
	[sflag:s15] =	ssyncadd.s32 $0xFFFFF800  }
0x153: {  	[tilespmem:s24], [sflag:$0xE] =	stream.indirect.gather [spmem:s3], $0x10, s28, s19, $0xb8;
	[tilespmem:$0x12000] =	vst v63  }
0x154: {  	_ =	swait.ge [sflag:s26], $0x800  }
0x155: {  	[sflag:s26] =	ssyncset.done $0x0  }
0x156: {  	s28 =	sadd.s32 $0x2F00, s21;
	[sflag:s26] =	ssyncadd.s32 $0xFFFFF800  }
0x157: {  	[spmem:s2] =	stream.indirect.scatter.add.f32 [tilespmem:s18], [sflag:$0x11], $0x10, s28, s19, $0xb8;
	[tilespmem:$0x12000] =	vst v63  }
0x158: {  	s28 =	smin.u32 s1, $0x31;
	_ =	swait.ge [sflag:s15], $0x800  }
0x159: {  	s28 =	sshll.u32 s28, $0x7;
	[sflag:s15] =	ssyncset.done $0x0  }
0x15a: {  	s28 =	sadd.s32 $0xF00, s28;
	[sflag:s15] =	ssyncadd.s32 $0xFFFFF800  }
0x15b: {  	[tilespmem:s18], [sflag:$0xF] =	stream.indirect.gather [spmem:s3], $0x10, s28, s19, $0xb8;
	[tilespmem:$0x12000] =	vst v63  }
0x15c: {  	s28 =	simm.s32 $0xC800  }
0x15d: {  	_ =	swait.ge [sflag:s29], $0x800  }
0x15e: {  	[sflag:s29] =	ssyncset.done $0x0  }
.Ltmp1:
0x15f: {  	s21 =	sadd.s32 $0x2F80, s21;
	[sflag:s29] =	ssyncadd.s32 $0xFFFFF800;
	(pc) =	sbr.rel @p0 .LBB2_4-.Ltmp1, $4  }
0x160: {  	[spmem:s2] =	stream.indirect.scatter.add.f32 [tilespmem:s28], [sflag:$0x11], $0x10, s21, s19, $0xb8;
	[tilespmem:$0x12000] =	vst v63  }
0x161: {  	s21 =	smin.u32 s1, $0x30;
	_ =	swait.ge [sflag:s15], $0x800  }
0x162: {  	s21 =	sshll.u32 s21, $0x7;
	[sflag:s15] =	ssyncset.done $0x0  }
0x163: {  	s1 =	sadd.s32 $0x10, s1;
	s21 =	sadd.s32 $0xF80, s21;
	[sflag:s15] =	ssyncadd.s32 $0xFFFFF800  }
0x164: {  	[tilespmem:s28], [sflag:$0x10] =	stream.indirect.gather [spmem:s3], $0x10, s21, s19, $0xb8;
	[tilespmem:$0x12000] =	vst v63  }
0x165: {  	_ =	swait.ge [sflag:s9], $0x800  }
0x166: {  	[sflag:s9] =	ssyncset.done $0x0  }
0x167: {  	[sflag:s9] =	ssyncadd.s32 $0xFFFFF800  }
0x168: {  	_ =	swait.ge [sflag:s10], $0x800  }
0x169: {  	[sflag:s10] =	ssyncset.done $0x0  }
0x16a: {  	[sflag:s10] =	ssyncadd.s32 $0xFFFFF800  }
0x16b: {  	_ =	swait.ge [sflag:s11], $0x800  }
0x16c: {  	[sflag:s11] =	ssyncset.done $0x0  }
0x16d: {  	[sflag:s11] =	ssyncadd.s32 $0xFFFFF800  }
0x16e: {  	_ =	swait.ge [sflag:s12], $0x800  }
0x16f: {  	[sflag:s12] =	ssyncset.done $0x0  }
0x170: {  	[sflag:s12] =	ssyncadd.s32 $0xFFFFF800  }
0x171: {  	_ =	swait.ge [sflag:s13], $0x800  }
0x172: {  	[sflag:s13] =	ssyncset.done $0x0  }
0x173: {  	[sflag:s13] =	ssyncadd.s32 $0xFFFFF800  }
0x174: {  	_ =	swait.ge [sflag:s17], $0x800  }
0x175: {  	[sflag:s17] =	ssyncset.done $0x0  }
0x176: {  	[sflag:s17] =	ssyncadd.s32 $0xFFFFF800  }
0x177: {  	_ =	swait.ge [sflag:s23], $0x800  }
0x178: {  	[sflag:s23] =	ssyncset.done $0x0  }
0x179: {  	[sflag:s23] =	ssyncadd.s32 $0xFFFFF800  }
0x17a: {  	_ =	swait.ge [sflag:s25], $0x800  }
0x17b: {  	[sflag:s25] =	ssyncset.done $0x0  }
0x17c: {  	[sflag:s25] =	ssyncadd.s32 $0xFFFFF800  }
0x17d: {  	_ =	swait.ge [sflag:s5], $0x800  }
0x17e: {  	[sflag:s5] =	ssyncset.done $0x0  }
0x17f: {  	[sflag:s5] =	ssyncadd.s32 $0xFFFFF800  }
0x180: {  	_ =	swait.ge [sflag:s16], $0x800  }
0x181: {  	[sflag:s16] =	ssyncset.done $0x0  }
0x182: {  	[sflag:s16] =	ssyncadd.s32 $0xFFFFF800  }
0x183: {  	_ =	swait.ge [sflag:s4], $0x800  }
0x184: {  	[sflag:s4] =	ssyncset.done $0x0  }
0x185: {  	[sflag:s4] =	ssyncadd.s32 $0xFFFFF800  }
0x186: {  	_ =	swait.ge [sflag:s14], $0x800  }
0x187: {  	[sflag:s14] =	ssyncset.done $0x0  }
0x188: {  	[sflag:s14] =	ssyncadd.s32 $0xFFFFF800  }
0x189: {  	_ =	swait.ge [sflag:s20], $0x800  }
0x18a: {  	[sflag:s20] =	ssyncset.done $0x0  }
0x18b: {  	[sflag:s20] =	ssyncadd.s32 $0xFFFFF800  }
0x18c: {  	_ =	swait.ge [sflag:s22], $0x800  }
0x18d: {  	[sflag:s22] =	ssyncset.done $0x0  }
0x18e: {  	[sflag:s22] =	ssyncadd.s32 $0xFFFFF800  }
0x18f: {  	_ =	swait.ge [sflag:s26], $0x800  }
0x190: {  	[sflag:s26] =	ssyncset.done $0x0  }
0x191: {  	[sflag:s26] =	ssyncadd.s32 $0xFFFFF800  }
0x192: {  	_ =	swait.ge [sflag:s29], $0x800  }
0x193: {  	[sflag:s29] =	ssyncset.done $0x0  }
0x194: {  	[sflag:s29] =	ssyncadd.s32 $0xFFFFF800  }
0x195: {  	[bflag:$0x0] =	sbarrier.arrive $0xFFFF  }
0x196: {  	s31 =	rddreg [dreg:$0xe]  }
0x197: {  	s0 =	rddreg [dreg:$0x10]  }
0x198: {  	s1 =	rddreg [dreg:$0x11]  }
0x199: {  	[hbm:s0], [sflag:s31] =	dma.local [spmem:s1], $0x500  }
0x19a: {  	_ =	swait.ge [sflag:s15], $0x500  }
0x19b: {  	s6 =	rddreg [dreg:$0x4]  }
0x19c: {  	s30 =	rddreg [dreg:$0x9];
	s21 =	sadd.s32 $0x1, s6  }
0x19d: {  	p0 =	sne.s32 s21, s30  }
.Ltmp2:
0x19e: {  	_ = 	snop;
	(pc) =	sbr.rel @p0 .LBB2_1-.Ltmp2, $3  }
0x19f: {  	_ =	sdelay $0x1  }
0x1a0: {  	[sflag:s15] =	ssyncset.done $0x0  }
0x1a1: {  	s28 =	simm.s32 $0x5000;
	[sflag:s15] =	ssyncadd.s32 $0xFFFFFB00  }
0x1a2: {  	_ =	sfence.sel $0x180000  }
0x1a3: {  	[bflag:$0x0] =	sbarrier.arrive $0xFFFF  }
0x1a4: {  	_ =	strace $0x9000004D  }
0x1a5: {  	s0 =	stileid.u32;
	[bflag:$0x2] =	sbarrier.arrive $0xFFFF  }
0x1a6: {  	p0 =	sne.s32 s0, $0x0;
	s0 =	rddreg [dreg:$0x3]  }
0x1a7: {  	s0 =	sadd.s32 @!p0 $0x100000, s0  }
0x1a8: {  	[sflag:s0] =	ssyncadd.tile.s32 @!p0 $0x1;
	_ =	shalt  }
.Lfunc_end2:
_tile_overlayer_lowered:
.L_overlay_start_2:
0x1a9: {  	(tag) =	ssettag $0x2  }
0x1aa: {  	s0 =	rddreg [dreg:$0x0];
	s2 =	stileid.u32  }
0x1ab: {  	s1 =	rddreg [dreg:$0x1];
	p0 =	sne.s32 s2, $0x0  }
0x1ac: {  	s3 =	rddreg [dreg:$0x2];
	[bflag:$0x3] =	sbarrier.arrive $0xFFFF;
	s2 =	simm.s32 @!p0 $0x1C11  }
0x1ad: {  	[timem:s3], [sflag:s2] =	dma.local @!p0 [hbm:s0], s1  }
0x1ae: {  	s0 =	simm.s32 @!p0 $0x11  }
0x1af: {  	_ =	swait.ge @!p0 [sflag:s0], s1  }
0x1b0: {  	s1 =	ssub.s32 @!p0 $0x0, s1;
	[sflag:s0] =	ssyncset.done @!p0 $0x0  }
0x1b1: {  	[sflag:s0] =	ssyncadd.s32 @!p0 s1  }
0x1b2: {  	[bflag:$0x3] =	sbarrier.arrive $0xFFFF  }
0x1b3: {  	_ =	shalt  }

// kernel: kernel.8.cloned.1.call-start
scs
__scs_entry_jumppad:
0x0: {  	(pc) =	sbr.rel $0x88, $3  }
0x1: {  	(tag) =	ssettag $0x0;
	lr =	simm.s32 $0x1  }
0x2: {  	[smem:$0x3F9B] =	sst lr;
	_ =	strace $0xD0000000  }
0x3: {  	_ = 	snop  }
0x4: {  	_ = 	snop  }
0x5: {  	_ = 	snop  }
0x6: {  	_ = 	snop  }
0x7: {  	_ = 	snop  }
__scs_overlays_trampoline_lowered:
0x8: {  	[smem:$0x3FAA] =	sst s0  }
0x9: {  	[smem:$0x3FAB] =	sst s1  }
0xa: {  	[smem:$0x3FAC] =	sst s2  }
0xb: {  	[smem:$0x3FAD] =	sst s3  }
0xc: {  	[smem:$0x3FAE] =	sst s4  }
0xd: {  	[smem:$0x3FAF] =	sst s5  }
0xe: {  	[smem:$0x3FB0] =	sst s6  }
0xf: {  	[smem:$0x3FB1] =	sst s7  }
0x10: {  	[smem:$0x3FB2] =	sst s8  }
0x11: {  	[smem:$0x3FB3] =	sst s9;
	s0 =	simm.s32 @!p0 $0x0  }
0x12: {  	s1 =	sld [smem:$0x3F99];
	s0 =	simm.s32 @p0 $0x1  }
0x13: {  	[smem:$0x3FB4] =	sst s0;
	s0 =	simm.s32 @!p1 $0x0  }
0x14: {  	s2 =	sld [smem:$0x3F98];
	s0 =	simm.s32 @p1 $0x1  }
0x15: {  	[smem:$0x3FB5] =	sst s0;
	s0 =	simm.s32 @!p2 $0x0  }
0x16: {  	s3 =	sld [smem:$0x3FDB];
	s0 =	simm.s32 @p2 $0x1  }
0x17: {  	s4 =	simm.s32 $0x1BF5;
	[smem:$0x3FB7] =	sst s0  }
0x18: {  	s0 =	sld [smem:$0x3F9A];
	_ =	swait.ge [sflag:s4], $0x0  }
0x19: {  	s7 =	sld [smem:$0x3F9B]  }
0x1a: {  	s8 =	sadd.s32 $0xFFFFE003, lr  }
0x1b: {  	s9 =	sadd.s32 $0xFFFFFEF7, lr;
	s5 =	simm.s32 $0xFFFFFFFF;
	p2 =	slt.u32 s8, $0xFFFFF086  }
0x1c: {  	p1 =	slt.u32 s9, $0xF7A;
	s5 =	simm.s32 @!p2 $0x0  }
0x1d: {  	s5 =	simm.s32 @p1 $0x1;
	p0 =	seq.s32 s7, s2  }
0x1e: {  	s7 =	smul.u32 @!p0 $0xF7A, s2;
	p2 =	seq.s32 @!p0 s5, $0x0  }
0x1f: {  	s9 =	smul.u32 $0xF7A, s1;
	s8 =	simm.s32 @!p0 $0x1BF5;
	p2 =	por !p2, p0  }
0x20: {  	[sflag:s8] =	ssyncset.s32 @!p0 $0xFFFFF086;
	s6 =	sadd.s32 @!p0 s3, s7;
	s7 =	simm.s32 @!p0 $0x108  }
0x21: {  	s3 =	sadd.s32 s3, s9;
	s6 =	sadd.s32 @!p0 $0x88, s6;
	s7 =	simm.s32 @p2 $0x1082  }
0x22: {  	[simem:s7], [sflag:s8] =	dma.local @!p0 [hbm:s6], $0xF7A  }
0x23: {  	s9 =	sor.u32 $0xD0000000, s2;
	s6 =	simm.s32 $0x108;
	_ =	swait.ge @!p0 [sflag:s8], $0x0  }
0x24: {  	s3 =	sadd.s32 $0x88, s3;
	s6 =	simm.s32 @!p1 $0x1082;
	[sflag:s4] =	ssyncset.s32 $0xFFFFF086  }
0x25: {  	[simem:s6], [sflag:s4] =	dma.local [hbm:s3], $0xF7A  }
0x26: {  	[smem:$0x3F9B] =	sst s1;
	(tag) =	ssettag s2;
	_ =	strace s9  }
0x27: {  	s1 =	sld [smem:$0x3FAB]  }
0x28: {  	s2 =	sld [smem:$0x3FAC]  }
0x29: {  	s4 =	sld [smem:$0x3FAE]  }
0x2a: {  	p0 =	seq.s32 s5, $0x0;
	s5 =	sld [smem:$0x3FAF]  }
0x2b: {  	s6 =	sld [smem:$0x3FB0]  }
0x2c: {  	s7 =	sld [smem:$0x3FB1]  }
0x2d: {  	s3 =	simm.s32 $0x108;
	s8 =	sld [smem:$0x3FB2]  }
0x2e: {  	s3 =	simm.s32 @!p0 $0x1082;
	s9 =	sld [smem:$0x3FB3]  }
0x2f: {  	lr =	sadd.s32 s0, s3;
	s0 =	sld [smem:$0x3FAA]  }
0x30: {  	s3 =	sld [smem:$0x3FAD]  }
0x31: {  	[smem:$0x3FB6] =	sst s10  }
0x32: {  	s10 =	sld [smem:$0x3FB4];
	_ =	sdelay $0x3  }
0x33: {  	p0 =	seq.s32 s10, $0x1;
	s10 =	sld [smem:$0x3FB6];
	_ =	sdelay $0x3  }
0x34: {  	[smem:$0x3FB6] =	sst s10  }
0x35: {  	s10 =	sld [smem:$0x3FB5];
	_ =	sdelay $0x3  }
0x36: {  	p1 =	seq.s32 s10, $0x1;
	s10 =	sld [smem:$0x3FB6];
	_ =	sdelay $0x3  }
0x37: {  	[smem:$0x3FB6] =	sst s10  }
0x38: {  	s10 =	sld [smem:$0x3FB7]  }
0x39: {  	_ = 	snop;
	(pc) =	sbr.ind lr, $3  }
0x3a: {  	_ = 	snop  }
0x3b: {  	_ = 	snop  }
0x3c: {  	p2 =	seq.s32 s10, $0x1;
	s10 =	sld [smem:$0x3FB6]  }
0x3d: {  	_ =	shalt  }
0x3e: {  	_ =	shalt  }
0x3f: {  	_ =	shalt  }
0x40: {  	_ =	shalt  }
0x41: {  	_ =	shalt  }
0x42: {  	_ =	shalt  }
0x43: {  	_ =	shalt  }
0x44: {  	_ =	shalt  }
0x45: {  	_ =	shalt  }
0x46: {  	_ =	shalt  }
0x47: {  	_ =	shalt  }
0x48: {  	_ =	shalt  }
0x49: {  	_ =	shalt  }
0x4a: {  	_ =	shalt  }
0x4b: {  	_ =	shalt  }
0x4c: {  	_ =	shalt  }
0x4d: {  	_ =	shalt  }
0x4e: {  	_ =	shalt  }
0x4f: {  	_ =	shalt  }
0x50: {  	_ =	shalt  }
0x51: {  	_ =	shalt  }
0x52: {  	_ =	shalt  }
0x53: {  	_ =	shalt  }
0x54: {  	_ =	shalt  }
0x55: {  	_ =	shalt  }
0x56: {  	_ =	shalt  }
0x57: {  	_ =	shalt  }
0x58: {  	_ =	shalt  }
0x59: {  	_ =	shalt  }
0x5a: {  	_ =	shalt  }
0x5b: {  	_ =	shalt  }
0x5c: {  	_ =	shalt  }
0x5d: {  	_ =	shalt  }
0x5e: {  	_ =	shalt  }
0x5f: {  	_ =	shalt  }
0x60: {  	_ =	shalt  }
0x61: {  	_ =	shalt  }
0x62: {  	_ =	shalt  }
0x63: {  	_ =	shalt  }
0x64: {  	_ =	shalt  }
0x65: {  	_ =	shalt  }
0x66: {  	_ =	shalt  }
0x67: {  	_ =	shalt  }
0x68: {  	_ =	shalt  }
0x69: {  	_ =	shalt  }
0x6a: {  	_ =	shalt  }
0x6b: {  	_ =	shalt  }
0x6c: {  	_ =	shalt  }
0x6d: {  	_ =	shalt  }
0x6e: {  	_ =	shalt  }
0x6f: {  	_ =	shalt  }
0x70: {  	_ =	shalt  }
0x71: {  	_ =	shalt  }
0x72: {  	_ =	shalt  }
0x73: {  	_ =	shalt  }
0x74: {  	_ =	shalt  }
0x75: {  	_ =	shalt  }
0x76: {  	_ =	shalt  }
0x77: {  	_ =	shalt  }
0x78: {  	_ =	shalt  }
0x79: {  	_ =	shalt  }
0x7a: {  	_ =	shalt  }
0x7b: {  	_ =	shalt  }
0x7c: {  	_ =	shalt  }
0x7d: {  	_ =	shalt  }
0x7e: {  	_ =	shalt  }
0x7f: {  	_ =	shalt  }
0x80: {  	_ =	shalt  }
0x81: {  	_ =	shalt  }
0x82: {  	_ =	shalt  }
0x83: {  	_ =	shalt  }
0x84: {  	_ =	shalt  }
0x85: {  	_ =	shalt  }
0x86: {  	_ =	shalt  }
0x87: {  	_ =	shalt  }
.Lfunc_end0:
.L_simem_size_0:
called_computation_lowered:
.L_overlay_start_0:
0x88: {  	s2 =	sld [smem:$0x3FD9]  }
0x89: {  	s3 =	sld [smem:$0x3FFE];
	_ =	sdelay $0x1  }
0x8a: {  	s1 =	srdreg.scid  }
0x8b: {  	s0 =	sand.u32 $0x1, s1  }
0x8c: {  	s16 =	sshll.u32 s0, $0xA;
	s2 =	sadd.s32 s3, s2  }
0x8d: {  	s2 =	sadd.s32 s2, s16  }
0x8e: {  	[smem:$0x3FC2] =	sst s2  }
0x8f: {  	_ = 	snop  }
0x90: {  	(tm) =	ssettm $0x1  }
0x91: {  	s17 =	sld [smem:$0x3FFB];
	_ =	sdelay $0x3  }
0x92: {  	_ =	strace s17  }
0x93: {  	s2 =	sld [smem:$0x3FFC];
	_ =	sdelay $0x3  }
0x94: {  	_ =	strace s2  }
0x95: {  	s2 =	sld [smem:$0x3FFD];
	_ =	sdelay $0x3  }
0x96: {  	_ =	strace s2  }
0x97: {  	_ =	strace $0x8FFFFFFF  }
0x98: {  	s18 =	sld [smem:$0x3FDB];
	_ =	sdelay $0x1  }
0x99: {  	s19 =	simm.s32 $_scs_section_size  }
0x9a: {  	s4 =	simm.s32 $_size__tile_overlayer_lowered;
	s5 =	simm.s32 $_tile_overlayer_lowered  }
0x9b: {  	s22 =	simm.s32 $0x1BFF;
	s21 =	sshll.u32 s5, $0x1;
	s2 =	sadd.s32 s19, s18  }
0x9c: {  	s6 =	simm.s32 $0x0;
	s20 =	sshll.u32 s4, $0x1;
	s4 =	sadd.s32 s21, s2  }
0x9d: {  	[timem:s6], [sflag:s22] =	dma.local [hbm:s4], s20  }
0x9e: {  	_ =	swait.ge [sflag:s22], s20  }
0x9f: {  	s3 =	ssub.s32 $0x0, s20;
	[sflag:s22] =	ssyncset.done $0x0  }
0xa0: {  	[sflag:s22] =	ssyncadd.s32 s3;
	_ =	sdelay $0x1  }
0xa1: {  	s23 =	simm.s32 $0x1B8B  }
0xa2: {  	_ =	swait.ge [sflag:s23], $0x1  }
0xa3: {  	[sflag:s23] =	ssyncset.done $0x0  }
0xa4: {  	s25 =	simm.s32 $0x1B8E;
	s24 =	sld [smem:$0x3FFE];
	[sflag:s23] =	ssyncadd.s32 $0xFFFFFFFF  }
0xa5: {  	s26 =	simm.s32 $execute0_lowered;
	[smem:$0x3FD2] =	sst s25  }
0xa6: {  	s4 =	sshll.u32 s26, $0x1;
	_ =	strace $0x80000046;
	[dreg:$0x1] =	wrdreg $0xFFFFFFFF  }
0xa7: {  	s28 =	simm.s32 $_size_execute0_lowered;
	s2 =	sadd.s32 s2, s4;
	[dreg:$0x0] =	wrdreg $0x0  }
0xa8: {  	s4 =	sshll.u32 s28, $0x1;
	[dreg:$0x2] =	wrdreg s2  }
0xa9: {  	[dreg:$0x3] =	wrdreg s4  }
0xaa: {  	[dreg:$0x4] =	wrdreg $0xC0  }
0xab: {  	_ =	task [dreg:s6], $0x5FFFF  }
0xac: {  	[dreg:$0x1] =	wrdreg $0xFFFFFFFF  }
0xad: {  	[dreg:$0x0] =	wrdreg $0x60  }
0xae: {  	[dreg:$0x2] =	wrdreg s24  }
0xaf: {  	[dreg:$0x3] =	wrdreg $0x30000  }
0xb0: {  	[dreg:$0x4] =	wrdreg $0x9  }
0xb1: {  	_ =	task.clear_ibuf [dreg:s6], $0x5FFFF;
	_ =	strace $0x90000046  }
0xb2: {  	s29 =	simm.s32 $0x9;
	_ =	strace $0x80000048  }
0xb3: {  	_ =	swait.ge [sflag:s29], $0x1  }
0xb4: {  	[sflag:s29] =	ssyncadd.s32 $0xFFFFFFFF  }
0xb5: {  	_ =	strace $0x90000048  }
0xb6: {  	_ =	sfence  }
0xb7: {  	s30 =	sld [smem:$0x0];
	_ =	sdelay $0x2  }
0xb8: {  	s31 =	sshll.u32 s1, $0xD;
	s1 =	sshrl.u32 s1, $0x2  }
0xb9: {  	s3 =	sand.u32 $0x4000, s31;
	s1 =	sadd.s32 s1, s30  }
0xba: {  	s0 =	sor.u32 s3, s0;
	s1 =	sshll.u32 s1, $0x11  }
0xbb: {  	s0 =	sor.u32 s1, s0  }
0xbc: {  	s0 =	sadd.s32 $0x8F2B, s0  }
0xbd: {  	[sflag:s0] =	ssyncadd.remote.s32 $0x1  }
0xbe: {  	_ =	sfence.sel $0xFFFF  }
0xbf: {  	[dreg:$0x0] =	wrdreg $0xFFFFFFFF;
	(pc) =	sbr.abs _section_cstart, $3  }
0xc0: {  	[dreg:$0x1] =	wrdreg $0xFFFFFFFF  }
0xc1: {  	_ =	task.clear_ibuf [dreg:s6], $0x2FFFF;
	_ =	strace $0x9FFFFFFF  }
0xc2: {  	(tm) =	ssettm $0x7FFFFFFF  }
0xc3: {  	_ =	shalt  }
tec
execute0_lowered:
.L_overlay_start_1:
0x0: {  	(tag) =	ssettag $0x1  }
0x1: {  	s4 =	rddreg [dreg:$0x0]  }
0x2: {  	s1 =	srdreg.scid;
	s0 =	stileid.u32  }
0x3: {  	s2 =	rddreg [dreg:$0x1];
	s6 =	smul.u32 $0xA00, s0  }
0x4: {  	s3 =	simm.s32 $0x0;
	s11 =	simm.s32 $0x2800;
	s30 =	smul.u32 $0xA000, s0  }
0x5: {  	s5 =	sand.u32 $0x1, s1;
	s1 =	rddreg [dreg:$0x2];
	s9 =	smul.u32 $0x2800, s0  }
0x6: {  	s12 =	simm.s32 $0x1;
	[smem:$0x7FF] =	sst s3;
	s7 =	smul.u32 $0x500, s5  }
0x7: {  	s15 =	sshll.u32 s0, $0x6;
	s8 =	smul.u32 $0x5000, s5;
	s31 =	ssub.s32 $0x2, s5  }
0x8: {  	_ =	strace $0x80000047;
	s15 =	sor.u32 $0x1C01, s15;
	s5 =	sshrl.u32 s31, $0x1  }
0x9: {  	s14 =	sshrl.u32 s9, $0x3;
	s16 =	sadd.s32 s9, s2;
	s6 =	sadd.s32 s7, s6  }
0xa: {  	s8 =	sadd.s32 s8, s4;
	s7 =	sshrl.u32 s30, $0x2;
	s10 =	ssub.s32 s31, s5  }
0xb: {  	s16 =	sshrl.u32 s16, $0x3;
	s6 =	sadd.s32 s6, s4;
	s4 =	sadd.s32 s7, s2  }
0xc: {  	s13 =	sadd.s32 $0xC200, s8;
	s5 =	sadd.s32 $0x2200, s6;
	s6 =	smax.u32 s10, $0x1  }
0xd: {  	s7 =	sadd.s32 $0x800, s4;
	s8 =	sadd.s32 $0x1000, s4;
	s9 =	sadd.s32 $0x1800, s4  }
0xe: {  	v0 =	vimm.f32 $0.0e+00;
	v1 =	vimm.f32 $1.000000000e+00;
	s10 =	sadd.s32 $0x2000, s4;
	s13 =	sadd.s32 s14, s13;
	s14 =	simm.s32 $0x80  }
.LBB2_1:
0xf: {  	s17 =	simm.s32 $0x40;
	s18 =	simm.s32 $0x0  }
.LBB2_2:
0x10: {  	p0 =	sne.s32 s17, $0x1FC0;
	[tilespmem:s18+$0x2800] =	vst v0;
	s18 =	smov.u32 s17;
	s17 =	sadd.s32 $0x40, s17  }
.Ltmp0:
0x11: {  	(pc) =	sbr.rel @p0 .LBB2_2-.Ltmp0, $2  }
0x12: {  	_ =	sdelay $0x2  }
0x13: {  	s18 =	sshra.s32 s18, $0x2  }
0x14: {  	[tilespmem:s18+$0x2800] =	vst v0  }
0x15: {  	[spmem:s4] =	stream.linear.scatter [tilespmem:s11], [sflag:$0x1], $0x800, $0x38;
	[tilespmem:$0x5800] =	vst v63  }
0x16: {  	_ =	swait.ge [sflag:s12], $0x800  }
0x17: {  	[sflag:s12] =	ssyncset.done $0x0  }
0x18: {  	[sflag:s12] =	ssyncadd.s32 $0xFFFFF800  }
0x19: {  	[spmem:s7] =	stream.linear.scatter [tilespmem:s11], [sflag:$0x1], $0x800, $0x38;
	[tilespmem:$0x5800] =	vst v63  }
0x1a: {  	_ =	swait.ge [sflag:s12], $0x800  }
0x1b: {  	[sflag:s12] =	ssyncset.done $0x0  }
0x1c: {  	[sflag:s12] =	ssyncadd.s32 $0xFFFFF800  }
0x1d: {  	[spmem:s8] =	stream.linear.scatter [tilespmem:s11], [sflag:$0x1], $0x800, $0x38;
	[tilespmem:$0x5800] =	vst v63  }
0x1e: {  	_ =	swait.ge [sflag:s12], $0x800  }
0x1f: {  	[sflag:s12] =	ssyncset.done $0x0  }
0x20: {  	[sflag:s12] =	ssyncadd.s32 $0xFFFFF800  }
0x21: {  	[spmem:s9] =	stream.linear.scatter [tilespmem:s11], [sflag:$0x1], $0x800, $0x38;
	[tilespmem:$0x5800] =	vst v63  }
0x22: {  	_ =	swait.ge [sflag:s12], $0x800  }
0x23: {  	[sflag:s12] =	ssyncset.done $0x0  }
0x24: {  	[sflag:s12] =	ssyncadd.s32 $0xFFFFF800  }
0x25: {  	[spmem:s10] =	stream.linear.scatter [tilespmem:s11], [sflag:$0x1], $0x800, $0x38;
	[tilespmem:$0x5800] =	vst v63  }
0x26: {  	_ =	swait.ge [sflag:s12], $0x800  }
0x27: {  	[sflag:s12] =	ssyncset.done $0x0  }
0x28: {  	s17 =	simm.s32 $0x40;
	s18 =	simm.s32 $0x0;
	[sflag:s12] =	ssyncadd.s32 $0xFFFFF800  }
.LBB2_4:
0x29: {  	p0 =	sne.s32 s17, $0x1FC0;
	[tilespmem:s18+$0x2800] =	vst v1;
	s18 =	smov.u32 s17;
	s17 =	sadd.s32 $0x40, s17  }
.Ltmp1:
0x2a: {  	(pc) =	sbr.rel @p0 .LBB2_4-.Ltmp1, $2  }
0x2b: {  	_ =	sdelay $0x2  }
0x2c: {  	s18 =	sshra.s32 s18, $0x2  }
0x2d: {  	[tilespmem:s18+$0x2800] =	vst v1;
	s17 =	simm.s32 $0x0  }
0x2e: {  	[tilespmem:s17], [sflag:$0x1] =	stream.linear.gather [hbm4b:s5+s17], $0x2800, $0x38;
	[tilespmem:$0x5800] =	vst v63  }
0x2f: {  	_ =	swait.ge [sflag:s12], $0x2800  }
0x30: {  	[sflag:s12] =	ssyncset.done $0x0  }
0x31: {  	[sflag:s12] =	ssyncadd.s32 $0xFFFFD800  }
0x32: {  	s31 =	simm.s32 $0x0;
	[bflag:$0x0] =	sbarrier.arrive $0xFFFF  }
0x33: {  	[spmem:s2] =	stream.indirect.scatter.add.f32 [tilespmem:s11], [sflag:$0x1], $0x10, s31, s14, $0xb8;
	[tilespmem:$0x5800] =	vst v63  }
0x34: {  	_ =	swait.ge [sflag:s12], $0x800  }
0x35: {  	s17 =	simm.s32 $0x200;
	[sflag:s12] =	ssyncset.done $0x0  }
.LBB2_6:
0x36: {  	s18 =	sshra.s32 s17, $0x2;
	[sflag:s12] =	ssyncadd.s32 $0xFFFFF800;
	p0 =	sne.s32 s17, $0x9E00  }
0x37: {  	[spmem:s2] =	stream.indirect.scatter.add.f32 [tilespmem:s11], [sflag:$0x1], $0x10, s18, s14, $0xb8;
	[tilespmem:$0x5800] =	vst v63  }
.Ltmp2:
0x38: {  	_ = 	snop;
	(pc) =	sbr.rel @p0 .LBB2_6-.Ltmp2, $4  }
0x39: {  	_ = 	snop  }
0x3a: {  	s17 =	sadd.s32 $0x200, s17  }
0x3b: {  	_ =	swait.ge [sflag:s12], $0x800  }
0x3c: {  	[sflag:s12] =	ssyncset.done $0x0  }
0x3d: {  	s3 =	sadd.s32 $0x1, s3  }
0x3e: {  	[sflag:s12] =	ssyncadd.s32 $0xFFFFF800;
	p0 =	sne.s32 s3, s6  }
.Ltmp3:
0x3f: {  	[bflag:$0x0] =	sbarrier.arrive $0xFFFF;
	(pc) =	sbr.rel @p0 .LBB2_1-.Ltmp3, $4  }
0x40: {  	[hbm:s13], [sflag:s15] =	dma.local [spmem:s16], $0x500  }
0x41: {  	_ =	swait.ge [sflag:s12], $0x500  }
0x42: {  	[sflag:s12] =	ssyncset.done $0x0  }
0x43: {  	[sflag:s12] =	ssyncadd.s32 $0xFFFFFB00  }
0x44: {  	_ =	sfence.sel $0x180000  }
0x45: {  	[bflag:$0x0] =	sbarrier.arrive $0xFFFF  }
0x46: {  	p0 =	sne.s32 s0, $0x0;
	_ =	strace $0x90000047  }
0x47: {  	s0 =	sadd.s32 @!p0 $0x100000, s1;
	[bflag:$0x2] =	sbarrier.arrive $0xFFFF  }
0x48: {  	[sflag:s0] =	ssyncadd.tile.s32 @!p0 $0x1;
	_ =	shalt  }
.Lfunc_end2:
_tile_overlayer_lowered:
.L_overlay_start_2:
0x49: {  	(tag) =	ssettag $0x2  }
0x4a: {  	s0 =	rddreg [dreg:$0x0];
	s2 =	stileid.u32  }
0x4b: {  	s1 =	rddreg [dreg:$0x1];
	p0 =	sne.s32 s2, $0x0  }
0x4c: {  	s3 =	rddreg [dreg:$0x2];
	[bflag:$0x3] =	sbarrier.arrive $0xFFFF;
	s2 =	simm.s32 @!p0 $0x1C01  }
0x4d: {  	[timem:s3], [sflag:s2] =	dma.local @!p0 [hbm:s0], s1  }
0x4e: {  	s0 =	simm.s32 @!p0 $0x1  }
0x4f: {  	_ =	swait.ge @!p0 [sflag:s0], s1  }
0x50: {  	s1 =	ssub.s32 @!p0 $0x0, s1;
	[sflag:s0] =	ssyncset.done @!p0 $0x0  }
0x51: {  	[sflag:s0] =	ssyncadd.s32 @!p0 s1  }
0x52: {  	[bflag:$0x3] =	sbarrier.arrive $0xFFFF  }
0x53: {  	_ =	shalt  }

</sc_bundles>
